<compile_context>
chip_gen: v7x
topology: tpu7x:2x2x1
jax: 0.10.2.dev20260603
libtpu: 0.0.44.dev20260713+nightly
codegen_flags: <defaults>
</compile_context>

<pallas_src>
import functools

import jax
import jax.numpy as jnp
from jax import lax
from jax.experimental import pallas as pl
from jax.experimental.pallas import tpu as pltpu
from jax.experimental.pallas import tpu_sc as plsc

N = 10000
E = 320000
D = 128
H = 128
OUT = 64
G = 128

NC = 2
NS = 16
NW = NC * NS
K = 128
NCHUNK = 80
EPW = NCHUNK * K
E_PAD = NW * EPW
HCHUNK = NCHUNK // 2
ACC_N = 10240
DUMMY = ACC_N - 1
RPT = ACC_N // NS
ZK = 128
RB = 1000
NRB = N // RB



_mesh = plsc.VectorSubcoreMesh(core_axis_name="c", subcore_axis_name="s")


@functools.partial(
    pl.kernel,
    out_type=jax.ShapeDtypeStruct((NC, N, D), jnp.float32),
    mesh=_mesh,
    scratch_types=[
        pltpu.VMEM((HCHUNK, K), jnp.int32),
        pltpu.VMEM((HCHUNK, K), jnp.int32),
        pltpu.VMEM((K, D), jnp.float32),
        pltpu.VMEM((K, D), jnp.float32),
        pltpu.VMEM_SHARED((ACC_N, D), jnp.float32),
        pltpu.SemaphoreType.DMA,
        pltpu.SemaphoreType.DMA,
        pltpu.SemaphoreType.DMA,
    ],
)
def _sc_agg(x_hbm, src_hbm, dst_hbm, zero_hbm, out_hbm,
            src_v, dst_v, rows_v, rows2_v, acc_sh, sem, sem2, sem3):
    c = lax.axis_index("c")
    s = lax.axis_index("s")
    wid = c * NS + s

    cp_si = pltpu.async_copy(src_hbm.at[wid].at[pl.ds(0, HCHUNK)], src_v,
                             sem)
    cp_di = pltpu.async_copy(dst_hbm.at[wid].at[pl.ds(0, HCHUNK)], dst_v,
                             sem2)
    pltpu.sync_copy(zero_hbm, rows2_v)
    zcps = [pltpu.async_copy(rows2_v,
                             acc_sh.at[pl.ds(s * RPT + t * ZK, ZK)], sem3)
            for t in range(RPT // ZK)]
    for cp in zcps:
        cp.wait()
    cp_si.wait()
    cp_di.wait()
    plsc.subcore_barrier()

    rowsA = rows_v
    rowsB = rows2_v

    def start_gather(j, buf, s_):
        pltpu.async_copy(x_hbm.at[src_v.at[j]], buf, s_)

    def wait_gather(buf, s_):
        pltpu.make_async_copy(x_hbm.at[src_v.at[0]], buf, s_).wait()

    def chunk2(jj, carry):
        j0 = jj * 2
        j1 = j0 + 1
        start_gather(j1, rowsB, sem2)
        wait_gather(rowsA, sem)
        pltpu.sync_copy(rowsA, acc_sh.at[dst_v.at[j0]], add=True)

        @pl.when(j0 + 2 < HCHUNK)
        def _():
            start_gather(j0 + 2, rowsA, sem)

        wait_gather(rowsB, sem2)
        pltpu.sync_copy(rowsB, acc_sh.at[dst_v.at[j1]], add=True)
        return carry

    for half in range(2):
        if half:
            pltpu.sync_copy(
                src_hbm.at[wid].at[pl.ds(half * HCHUNK, HCHUNK)], src_v)
            pltpu.sync_copy(
                dst_hbm.at[wid].at[pl.ds(half * HCHUNK, HCHUNK)], dst_v)
        start_gather(0, rowsA, sem)
        lax.fori_loop(0, HCHUNK // 2, chunk2, 0)
    plsc.subcore_barrier()

    @pl.when(s < NS - 1)
    def _():
        pltpu.sync_copy(acc_sh.at[pl.ds(s * RPT, RPT)],
                        out_hbm.at[c].at[pl.ds(s * RPT, RPT)])

    @pl.when(s == NS - 1)
    def _():
        tail = N - (NS - 1) * RPT
        pltpu.sync_copy(acc_sh.at[pl.ds((NS - 1) * RPT, tail)],
                        out_hbm.at[c].at[pl.ds((NS - 1) * RPT, tail)])



def _mlp_body(x_ref, agg_ref, wa_ref, ba_ref, wb_ref, bb_ref, o_ref):
    h = x_ref[...] + agg_ref[0] + agg_ref[1]
    h = jnp.maximum(
        jnp.dot(h, wa_ref[...], preferred_element_type=jnp.float32)
        + ba_ref[...], 0.0)
    h = jnp.maximum(
        jnp.dot(h, wb_ref[...], preferred_element_type=jnp.float32)
        + bb_ref[...], 0.0)
    o_ref[...] = h


_mlp_call = pl.pallas_call(
    _mlp_body,
    grid=(NRB,),
    in_specs=[
        pl.BlockSpec((RB, D), lambda i: (i, 0)),
        pl.BlockSpec((NC, RB, D), lambda i: (0, i, 0)),
        pl.BlockSpec((D, H), lambda i: (0, 0)),
        pl.BlockSpec((1, H), lambda i: (0, 0)),
        pl.BlockSpec((H, H), lambda i: (0, 0)),
        pl.BlockSpec((1, H), lambda i: (0, 0)),
    ],
    out_specs=pl.BlockSpec((RB, H), lambda i: (i, 0)),
    out_shape=jax.ShapeDtypeStruct((N, H), jnp.float32),
)



def _mlp_pool_body(x_ref, agg_ref, wa_ref, ba_ref, wb_ref, bb_ref,
                   b_ref, wl_ref, bl_ref, o_ref, acc_ref):
    i = pl.program_id(0)

    @pl.when(i == 0)
    def _():
        acc_ref[...] = jnp.zeros((G, H), jnp.float32)

    h = x_ref[...] + agg_ref[0] + agg_ref[1]
    h = jnp.maximum(
        jnp.dot(h, wa_ref[...], preferred_element_type=jnp.float32)
        + ba_ref[...], 0.0)
    h = jnp.maximum(
        jnp.dot(h, wb_ref[...], preferred_element_type=jnp.float32)
        + bb_ref[...], 0.0)

    b = b_ref[...].reshape(1, RB)
    gids = lax.broadcasted_iota(jnp.int32, (G, RB), 0)
    mask = (gids == b).astype(jnp.float32)
    acc_ref[...] += jnp.dot(mask, h, preferred_element_type=jnp.float32)

    @pl.when(i == NRB - 1)
    def _():
        logits = jnp.dot(acc_ref[...], wl_ref[...],
                         preferred_element_type=jnp.float32) + bl_ref[...]
        m = jnp.max(logits, axis=1, keepdims=True)
        lse = jnp.log(jnp.sum(jnp.exp(logits - m), axis=1, keepdims=True)) + m
        o_ref[...] = logits - lse


_mlp_pool_call = pl.pallas_call(
    _mlp_pool_body,
    grid=(NRB,),
    in_specs=[
        pl.BlockSpec((RB, D), lambda i: (i, 0)),
        pl.BlockSpec((NC, RB, D), lambda i: (0, i, 0)),
        pl.BlockSpec((D, H), lambda i: (0, 0)),
        pl.BlockSpec((1, H), lambda i: (0, 0)),
        pl.BlockSpec((H, H), lambda i: (0, 0)),
        pl.BlockSpec((1, H), lambda i: (0, 0)),
        pl.BlockSpec((1, 1, RB), lambda i: (i, 0, 0)),
        pl.BlockSpec((H, OUT), lambda i: (0, 0)),
        pl.BlockSpec((1, OUT), lambda i: (0, 0)),
    ],
    out_specs=pl.BlockSpec((G, OUT), lambda i: (0, 0)),
    out_shape=jax.ShapeDtypeStruct((G, OUT), jnp.float32),
    scratch_shapes=[pltpu.VMEM((G, H), jnp.float32)],
)



def kernel(x, edge_index, batch, W1a, b1a, W1b, b1b, W2a, b2a, W2b, b2b,
           W3a, b3a, W3b, b3b, Wl, bl):
    npad = E_PAD - E
    pad_i = jnp.arange(npad, dtype=jnp.int32)
    src = jnp.concatenate(
        [edge_index[0], pad_i % N]).reshape(NW, NCHUNK, K)
    dst = jnp.concatenate(
        [edge_index[1], N + pad_i % (ACC_N - N)]).reshape(NW, NCHUNK, K)
    zero = jnp.zeros((ZK, D), jnp.float32)
    batch3 = batch.reshape(NRB, 1, RB)

    h = x
    for (Wa, ba, Wb, bb) in ((W1a, b1a, W1b, b1b),
                             (W2a, b2a, W2b, b2b)):
        agg = _sc_agg(h, src, dst, zero)
        h = _mlp_call(h, agg, Wa, ba.reshape(1, H), Wb, bb.reshape(1, H))
    agg = _sc_agg(h, src, dst, zero)
    return _mlp_pool_call(h, agg, W3a, b3a.reshape(1, H), W3b,
                          b3b.reshape(1, H), batch3, Wl, bl.reshape(1, OUT))

# --- scband reference (transcript-rebuilt; emitter-appended) ---
"""Pipeline reference for scband-gin-8546984919141 (READ-ONLY COPY).

The authoritative reference and input builder live on the scoring server;
editing this copy changes nothing except your own understanding.
"""

import jax, jax.numpy as jnp
import numpy as np

N = 10000
E = 320000
D = 128
H = 128
OUT = 64
G = 128


def setup_inputs(seed: int = 0) -> dict:
    key = jax.random.key(seed)
    ks = jax.random.split(key, 18)
    x = jax.random.normal(ks[0], (N, D), dtype=jnp.float32)
    edge_index = jax.random.randint(ks[1], (2, E), 0, N, dtype=jnp.int32)
    batch = jnp.sort(jax.random.randint(ks[2], (N,), 0, G, dtype=jnp.int32))

    def lin(k, fan_in, fan_out):
        k1, k2 = jax.random.split(k)
        bound = 1.0 / np.sqrt(fan_in)
        W = jax.random.uniform(k1, (fan_in, fan_out), jnp.float32, -bound, bound)
        b = jax.random.uniform(k2, (fan_out,), jnp.float32, -bound, bound)
        return W, b

    W1a, b1a = lin(ks[3], D, H)
    W1b, b1b = lin(ks[4], H, H)
    W2a, b2a = lin(ks[5], H, H)
    W2b, b2b = lin(ks[6], H, H)
    W3a, b3a = lin(ks[7], H, H)
    W3b, b3b = lin(ks[8], H, H)
    Wl, bl = lin(ks[9], H, OUT)
    return {"x": x, "edge_index": edge_index, "batch": batch,
            "W1a": W1a, "b1a": b1a, "W1b": W1b, "b1b": b1b,
            "W2a": W2a, "b2a": b2a, "W2b": W2b, "b2b": b2b,
            "W3a": W3a, "b3a": b3a, "W3b": W3b, "b3b": b3b,
            "Wl": Wl, "bl": bl}


def _gin_conv(x, edge_index, Wa, ba, Wb, bb):
    # GINConv with eps=0: nn((1+eps)*x + sum_{j->i} x_j)
    src = edge_index[0]
    dst = edge_index[1]
    agg = jnp.zeros((x.shape[0], x.shape[1]), dtype=x.dtype).at[dst].add(x[src])
    h = x + agg
    h = jax.nn.relu(h @ Wa + ba)
    h = jax.nn.relu(h @ Wb + bb)
    return h


def reference(x, edge_index, batch, W1a, b1a, W1b, b1b, W2a, b2a, W2b, b2b, W3a, b3a, W3b, b3b, Wl, bl):
    h = _gin_conv(x, edge_index, W1a, b1a, W1b, b1b)
    h = jax.nn.relu(h)
    h = _gin_conv(h, edge_index, W2a, b2a, W2b, b2b)
    h = jax.nn.relu(h)
    h = _gin_conv(h, edge_index, W3a, b3a, W3b, b3b)
    h = jax.nn.relu(h)
    pooled = jax.ops.segment_sum(h, batch, num_segments=G)
    logits = pooled @ Wl + bl
    return jax.nn.log_softmax(logits, axis=1)

if __name__ == "__main__":
    import jax
    _d = setup_inputs()
    print(jax.jit(kernel)(*tuple(_d.values())))

</pallas_src>

<mosaic_0001>
#map = affine_map<(d0, d1) -> (0, 0)>
#map1 = affine_map<(d0, d1) -> (0, 0, 0)>
module attributes {stable_mosaic.version = 14 : i64} {
  func.func @_sc_agg(%arg0: i32, %arg1: i32, %arg2: memref<10000x128xf32, #tpu.memory_space<hbm>>, %arg3: memref<32x80x128xi32, #tpu.memory_space<hbm>>, %arg4: memref<32x80x128xi32, #tpu.memory_space<hbm>>, %arg5: memref<128x128xf32, #tpu.memory_space<hbm>>, %arg6: memref<2x10000x128xf32, #tpu.memory_space<hbm>>, %arg7: memref<40x128xi32, #tpu.memory_space<vmem>>, %arg8: memref<40x128xi32, #tpu.memory_space<vmem>>, %arg9: memref<128x128xf32, #tpu.memory_space<vmem>>, %arg10: memref<128x128xf32, #tpu.memory_space<vmem>>, %arg11: memref<10240x128xf32, #tpu.memory_space<vmem_shared>>, %arg12: memref<!tpu.dma_semaphore, #tpu.memory_space<semaphore_mem>>, %arg13: memref<!tpu.dma_semaphore, #tpu.memory_space<semaphore_mem>>, %arg14: memref<!tpu.dma_semaphore, #tpu.memory_space<semaphore_mem>>) attributes {dimension_semantics = [#tpu.dimension_semantics<core_parallel>, #tpu.dimension_semantics<subcore_parallel>], iteration_bounds = array<i64: 2, 16>, scalar_prefetch = 0 : i64, scratch_operands = 8 : i64, tpu.core_type = #tpu.core_type<sc_vector_subcore>, window_params = [{transform_indices = #map}, {transform_indices = #map1}, {transform_indices = #map1}, {transform_indices = #map}, {transform_indices = #map1}]} {
    %mul3A = arith.constant 16 : i32
    %mul3A_0 = arith.muli %arg0, %mul3A : i32
    %add3A = arith.addi %mul3A_0, %arg1 : i32
    %dma_start3A = arith.constant 0 : i32
    %dma_start3A_1 = arith.constant 0 : i32
    %dma_start3A_2 = tpu.memref_slice %arg3[%add3A, %dma_start3A, %dma_start3A_1] : memref<32x80x128xi32, #tpu.memory_space<hbm>> -> memref<1x80x128xi32, #tpu.memory_space<hbm>>
    %dma_start3A_3 = tpu.memref_squeeze %dma_start3A_2 : memref<1x80x128xi32, #tpu.memory_space<hbm>> -> memref<80x128xi32, #tpu.memory_space<hbm>>
    %dma_start3A_4 = arith.constant 0 : i32
    %dma_start3A_5 = arith.constant 0 : i32
    %dma_start3A_6 = tpu.memref_slice %dma_start3A_3[%dma_start3A_4, %dma_start3A_5] : memref<80x128xi32, #tpu.memory_space<hbm>> -> memref<40x128xi32, #tpu.memory_space<hbm>>
    %dma_start3A_7 = arith.constant 0 : i32
    %dma_start3A_8 = arith.constant 0 : i32
    %dma_start3A_9 = tpu.memref_slice %arg3[%add3A, %dma_start3A_7, %dma_start3A_8] : memref<32x80x128xi32, #tpu.memory_space<hbm>> -> memref<1x80x128xi32, #tpu.memory_space<hbm>>
    %dma_start3A_10 = tpu.memref_squeeze %dma_start3A_9 : memref<1x80x128xi32, #tpu.memory_space<hbm>> -> memref<80x128xi32, #tpu.memory_space<hbm>>
    %dma_start3A_11 = arith.constant 0 : i32
    %dma_start3A_12 = arith.constant 0 : i32
    %dma_start3A_13 = tpu.memref_slice %dma_start3A_10[%dma_start3A_11, %dma_start3A_12] : memref<80x128xi32, #tpu.memory_space<hbm>> -> memref<40x128xi32, #tpu.memory_space<hbm>>
    tpu.enqueue_dma source(%dma_start3A_13 : memref<40x128xi32, #tpu.memory_space<hbm>>) target(%arg7 : memref<40x128xi32, #tpu.memory_space<vmem>>) target_semaphore(%arg12 : memref<!tpu.dma_semaphore, #tpu.memory_space<semaphore_mem>>)
    %dma_start3A_14 = arith.constant 0 : i32
    %dma_start3A_15 = arith.constant 0 : i32
    %dma_start3A_16 = tpu.memref_slice %arg4[%add3A, %dma_start3A_14, %dma_start3A_15] : memref<32x80x128xi32, #tpu.memory_space<hbm>> -> memref<1x80x128xi32, #tpu.memory_space<hbm>>
    %dma_start3A_17 = tpu.memref_squeeze %dma_start3A_16 : memref<1x80x128xi32, #tpu.memory_space<hbm>> -> memref<80x128xi32, #tpu.memory_space<hbm>>
    %dma_start3A_18 = arith.constant 0 : i32
    %dma_start3A_19 = arith.constant 0 : i32
    %dma_start3A_20 = tpu.memref_slice %dma_start3A_17[%dma_start3A_18, %dma_start3A_19] : memref<80x128xi32, #tpu.memory_space<hbm>> -> memref<40x128xi32, #tpu.memory_space<hbm>>
    %dma_start3A_21 = arith.constant 0 : i32
    %dma_start3A_22 = arith.constant 0 : i32
    %dma_start3A_23 = tpu.memref_slice %arg4[%add3A, %dma_start3A_21, %dma_start3A_22] : memref<32x80x128xi32, #tpu.memory_space<hbm>> -> memref<1x80x128xi32, #tpu.memory_space<hbm>>
    %dma_start3A_24 = tpu.memref_squeeze %dma_start3A_23 : memref<1x80x128xi32, #tpu.memory_space<hbm>> -> memref<80x128xi32, #tpu.memory_space<hbm>>
    %dma_start3A_25 = arith.constant 0 : i32
    %dma_start3A_26 = arith.constant 0 : i32
    %dma_start3A_27 = tpu.memref_slice %dma_start3A_24[%dma_start3A_25, %dma_start3A_26] : memref<80x128xi32, #tpu.memory_space<hbm>> -> memref<40x128xi32, #tpu.memory_space<hbm>>
    tpu.enqueue_dma source(%dma_start3A_27 : memref<40x128xi32, #tpu.memory_space<hbm>>) target(%arg8 : memref<40x128xi32, #tpu.memory_space<vmem>>) target_semaphore(%arg13 : memref<!tpu.dma_semaphore, #tpu.memory_space<semaphore_mem>>)
    "tpu.region"() ({
      %run_scoped3A = tpu.sem_alloc : memref<!tpu.dma_semaphore, #tpu.memory_space<semaphore_mem>>
      tpu.enqueue_dma source(%arg5 : memref<128x128xf32, #tpu.memory_space<hbm>>) target(%arg10 : memref<128x128xf32, #tpu.memory_space<vmem>>) target_semaphore(%run_scoped3A : memref<!tpu.dma_semaphore, #tpu.memory_space<semaphore_mem>>)
      tpu.wait_dma2 semaphore(%run_scoped3A : memref<!tpu.dma_semaphore, #tpu.memory_space<semaphore_mem>>) src(%arg5 : memref<128x128xf32, #tpu.memory_space<hbm>>) dst(%arg10 : memref<128x128xf32, #tpu.memory_space<vmem>>)
      tpu.yield
    }) : () -> ()
    %mul3A_28 = arith.constant 640 : i32
    %mul3A_29 = arith.muli %arg1, %mul3A_28 : i32
    %add3A_30 = arith.constant 0 : i32
    %add3A_31 = arith.addi %mul3A_29, %add3A_30 : i32
    %dma_start3A_32 = arith.constant 0 : i32
    %dma_start3A_33 = tpu.memref_slice %arg11[%add3A_31, %dma_start3A_32] : memref<10240x128xf32, #tpu.memory_space<vmem_shared>> -> memref<128x128xf32, #tpu.memory_space<vmem_shared>>
    %dma_start3A_34 = arith.constant 0 : i32
    %dma_start3A_35 = tpu.memref_slice %arg11[%add3A_31, %dma_start3A_34] : memref<10240x128xf32, #tpu.memory_space<vmem_shared>> -> memref<128x128xf32, #tpu.memory_space<vmem_shared>>
    tpu.enqueue_dma source(%arg10 : memref<128x128xf32, #tpu.memory_space<vmem>>) target(%dma_start3A_35 : memref<128x128xf32, #tpu.memory_space<vmem_shared>>) target_semaphore(%arg14 : memref<!tpu.dma_semaphore, #tpu.memory_space<semaphore_mem>>)
    %mul3A_36 = arith.constant 640 : i32
    %mul3A_37 = arith.muli %arg1, %mul3A_36 : i32
    %add3A_38 = arith.constant 128 : i32
    %add3A_39 = arith.addi %mul3A_37, %add3A_38 : i32
    %dma_start3A_40 = arith.constant 0 : i32
    %dma_start3A_41 = tpu.memref_slice %arg11[%add3A_39, %dma_start3A_40] : memref<10240x128xf32, #tpu.memory_space<vmem_shared>> -> memref<128x128xf32, #tpu.memory_space<vmem_shared>>
    %dma_start3A_42 = arith.constant 0 : i32
    %dma_start3A_43 = tpu.memref_slice %arg11[%add3A_39, %dma_start3A_42] : memref<10240x128xf32, #tpu.memory_space<vmem_shared>> -> memref<128x128xf32, #tpu.memory_space<vmem_shared>>
    tpu.enqueue_dma source(%arg10 : memref<128x128xf32, #tpu.memory_space<vmem>>) target(%dma_start3A_43 : memref<128x128xf32, #tpu.memory_space<vmem_shared>>) target_semaphore(%arg14 : memref<!tpu.dma_semaphore, #tpu.memory_space<semaphore_mem>>)
    %mul3A_44 = arith.constant 640 : i32
    %mul3A_45 = arith.muli %arg1, %mul3A_44 : i32
    %add3A_46 = arith.constant 256 : i32
    %add3A_47 = arith.addi %mul3A_45, %add3A_46 : i32
    %dma_start3A_48 = arith.constant 0 : i32
    %dma_start3A_49 = tpu.memref_slice %arg11[%add3A_47, %dma_start3A_48] : memref<10240x128xf32, #tpu.memory_space<vmem_shared>> -> memref<128x128xf32, #tpu.memory_space<vmem_shared>>
    %dma_start3A_50 = arith.constant 0 : i32
    %dma_start3A_51 = tpu.memref_slice %arg11[%add3A_47, %dma_start3A_50] : memref<10240x128xf32, #tpu.memory_space<vmem_shared>> -> memref<128x128xf32, #tpu.memory_space<vmem_shared>>
    tpu.enqueue_dma source(%arg10 : memref<128x128xf32, #tpu.memory_space<vmem>>) target(%dma_start3A_51 : memref<128x128xf32, #tpu.memory_space<vmem_shared>>) target_semaphore(%arg14 : memref<!tpu.dma_semaphore, #tpu.memory_space<semaphore_mem>>)
    %mul3A_52 = arith.constant 640 : i32
    %mul3A_53 = arith.muli %arg1, %mul3A_52 : i32
    %add3A_54 = arith.constant 384 : i32
    %add3A_55 = arith.addi %mul3A_53, %add3A_54 : i32
    %dma_start3A_56 = arith.constant 0 : i32
    %dma_start3A_57 = tpu.memref_slice %arg11[%add3A_55, %dma_start3A_56] : memref<10240x128xf32, #tpu.memory_space<vmem_shared>> -> memref<128x128xf32, #tpu.memory_space<vmem_shared>>
    %dma_start3A_58 = arith.constant 0 : i32
    %dma_start3A_59 = tpu.memref_slice %arg11[%add3A_55, %dma_start3A_58] : memref<10240x128xf32, #tpu.memory_space<vmem_shared>> -> memref<128x128xf32, #tpu.memory_space<vmem_shared>>
    tpu.enqueue_dma source(%arg10 : memref<128x128xf32, #tpu.memory_space<vmem>>) target(%dma_start3A_59 : memref<128x128xf32, #tpu.memory_space<vmem_shared>>) target_semaphore(%arg14 : memref<!tpu.dma_semaphore, #tpu.memory_space<semaphore_mem>>)
    %mul3A_60 = arith.constant 640 : i32
    %mul3A_61 = arith.muli %arg1, %mul3A_60 : i32
    %add3A_62 = arith.constant 512 : i32
    %add3A_63 = arith.addi %mul3A_61, %add3A_62 : i32
    %dma_start3A_64 = arith.constant 0 : i32
    %dma_start3A_65 = tpu.memref_slice %arg11[%add3A_63, %dma_start3A_64] : memref<10240x128xf32, #tpu.memory_space<vmem_shared>> -> memref<128x128xf32, #tpu.memory_space<vmem_shared>>
    %dma_start3A_66 = arith.constant 0 : i32
    %dma_start3A_67 = tpu.memref_slice %arg11[%add3A_63, %dma_start3A_66] : memref<10240x128xf32, #tpu.memory_space<vmem_shared>> -> memref<128x128xf32, #tpu.memory_space<vmem_shared>>
    tpu.enqueue_dma source(%arg10 : memref<128x128xf32, #tpu.memory_space<vmem>>) target(%dma_start3A_67 : memref<128x128xf32, #tpu.memory_space<vmem_shared>>) target_semaphore(%arg14 : memref<!tpu.dma_semaphore, #tpu.memory_space<semaphore_mem>>)
    %dma_wait3A = arith.constant 0 : i32
    %dma_wait3A_68 = tpu.memref_slice %arg11[%add3A_31, %dma_wait3A] : memref<10240x128xf32, #tpu.memory_space<vmem_shared>> -> memref<128x128xf32, #tpu.memory_space<vmem_shared>>
    %dma_wait3A_69 = arith.constant 0 : i32
    %dma_wait3A_70 = tpu.memref_slice %arg11[%add3A_31, %dma_wait3A_69] : memref<10240x128xf32, #tpu.memory_space<vmem_shared>> -> memref<128x128xf32, #tpu.memory_space<vmem_shared>>
    tpu.wait_dma2 semaphore(%arg14 : memref<!tpu.dma_semaphore, #tpu.memory_space<semaphore_mem>>) src(%arg10 : memref<128x128xf32, #tpu.memory_space<vmem>>) dst(%dma_wait3A_70 : memref<128x128xf32, #tpu.memory_space<vmem_shared>>)
    %dma_wait3A_71 = arith.constant 0 : i32
    %dma_wait3A_72 = tpu.memref_slice %arg11[%add3A_39, %dma_wait3A_71] : memref<10240x128xf32, #tpu.memory_space<vmem_shared>> -> memref<128x128xf32, #tpu.memory_space<vmem_shared>>
    %dma_wait3A_73 = arith.constant 0 : i32
    %dma_wait3A_74 = tpu.memref_slice %arg11[%add3A_39, %dma_wait3A_73] : memref<10240x128xf32, #tpu.memory_space<vmem_shared>> -> memref<128x128xf32, #tpu.memory_space<vmem_shared>>
    tpu.wait_dma2 semaphore(%arg14 : memref<!tpu.dma_semaphore, #tpu.memory_space<semaphore_mem>>) src(%arg10 : memref<128x128xf32, #tpu.memory_space<vmem>>) dst(%dma_wait3A_74 : memref<128x128xf32, #tpu.memory_space<vmem_shared>>)
    %dma_wait3A_75 = arith.constant 0 : i32
    %dma_wait3A_76 = tpu.memref_slice %arg11[%add3A_47, %dma_wait3A_75] : memref<10240x128xf32, #tpu.memory_space<vmem_shared>> -> memref<128x128xf32, #tpu.memory_space<vmem_shared>>
    %dma_wait3A_77 = arith.constant 0 : i32
    %dma_wait3A_78 = tpu.memref_slice %arg11[%add3A_47, %dma_wait3A_77] : memref<10240x128xf32, #tpu.memory_space<vmem_shared>> -> memref<128x128xf32, #tpu.memory_space<vmem_shared>>
    tpu.wait_dma2 semaphore(%arg14 : memref<!tpu.dma_semaphore, #tpu.memory_space<semaphore_mem>>) src(%arg10 : memref<128x128xf32, #tpu.memory_space<vmem>>) dst(%dma_wait3A_78 : memref<128x128xf32, #tpu.memory_space<vmem_shared>>)
    %dma_wait3A_79 = arith.constant 0 : i32
    %dma_wait3A_80 = tpu.memref_slice %arg11[%add3A_55, %dma_wait3A_79] : memref<10240x128xf32, #tpu.memory_space<vmem_shared>> -> memref<128x128xf32, #tpu.memory_space<vmem_shared>>
    %dma_wait3A_81 = arith.constant 0 : i32
    %dma_wait3A_82 = tpu.memref_slice %arg11[%add3A_55, %dma_wait3A_81] : memref<10240x128xf32, #tpu.memory_space<vmem_shared>> -> memref<128x128xf32, #tpu.memory_space<vmem_shared>>
    tpu.wait_dma2 semaphore(%arg14 : memref<!tpu.dma_semaphore, #tpu.memory_space<semaphore_mem>>) src(%arg10 : memref<128x128xf32, #tpu.memory_space<vmem>>) dst(%dma_wait3A_82 : memref<128x128xf32, #tpu.memory_space<vmem_shared>>)
    %dma_wait3A_83 = arith.constant 0 : i32
    %dma_wait3A_84 = tpu.memref_slice %arg11[%add3A_63, %dma_wait3A_83] : memref<10240x128xf32, #tpu.memory_space<vmem_shared>> -> memref<128x128xf32, #tpu.memory_space<vmem_shared>>
    %dma_wait3A_85 = arith.constant 0 : i32
    %dma_wait3A_86 = tpu.memref_slice %arg11[%add3A_63, %dma_wait3A_85] : memref<10240x128xf32, #tpu.memory_space<vmem_shared>> -> memref<128x128xf32, #tpu.memory_space<vmem_shared>>
    tpu.wait_dma2 semaphore(%arg14 : memref<!tpu.dma_semaphore, #tpu.memory_space<semaphore_mem>>) src(%arg10 : memref<128x128xf32, #tpu.memory_space<vmem>>) dst(%dma_wait3A_86 : memref<128x128xf32, #tpu.memory_space<vmem_shared>>)
    %dma_wait3A_87 = arith.constant 0 : i32
    %dma_wait3A_88 = arith.constant 0 : i32
    %dma_wait3A_89 = tpu.memref_slice %arg3[%add3A, %dma_wait3A_87, %dma_wait3A_88] : memref<32x80x128xi32, #tpu.memory_space<hbm>> -> memref<1x80x128xi32, #tpu.memory_space<hbm>>
    %dma_wait3A_90 = tpu.memref_squeeze %dma_wait3A_89 : memref<1x80x128xi32, #tpu.memory_space<hbm>> -> memref<80x128xi32, #tpu.memory_space<hbm>>
    %dma_wait3A_91 = arith.constant 0 : i32
    %dma_wait3A_92 = arith.constant 0 : i32
    %dma_wait3A_93 = tpu.memref_slice %dma_wait3A_90[%dma_wait3A_91, %dma_wait3A_92] : memref<80x128xi32, #tpu.memory_space<hbm>> -> memref<40x128xi32, #tpu.memory_space<hbm>>
    %dma_wait3A_94 = arith.constant 0 : i32
    %dma_wait3A_95 = arith.constant 0 : i32
    %dma_wait3A_96 = tpu.memref_slice %arg3[%add3A, %dma_wait3A_94, %dma_wait3A_95] : memref<32x80x128xi32, #tpu.memory_space<hbm>> -> memref<1x80x128xi32, #tpu.memory_space<hbm>>
    %dma_wait3A_97 = tpu.memref_squeeze %dma_wait3A_96 : memref<1x80x128xi32, #tpu.memory_space<hbm>> -> memref<80x128xi32, #tpu.memory_space<hbm>>
    %dma_wait3A_98 = arith.constant 0 : i32
    %dma_wait3A_99 = arith.constant 0 : i32
    %dma_wait3A_100 = tpu.memref_slice %dma_wait3A_97[%dma_wait3A_98, %dma_wait3A_99] : memref<80x128xi32, #tpu.memory_space<hbm>> -> memref<40x128xi32, #tpu.memory_space<hbm>>
    tpu.wait_dma2 semaphore(%arg12 : memref<!tpu.dma_semaphore, #tpu.memory_space<semaphore_mem>>) src(%dma_wait3A_100 : memref<40x128xi32, #tpu.memory_space<hbm>>) dst(%arg7 : memref<40x128xi32, #tpu.memory_space<vmem>>)
    %dma_wait3A_101 = arith.constant 0 : i32
    %dma_wait3A_102 = arith.constant 0 : i32
    %dma_wait3A_103 = tpu.memref_slice %arg4[%add3A, %dma_wait3A_101, %dma_wait3A_102] : memref<32x80x128xi32, #tpu.memory_space<hbm>> -> memref<1x80x128xi32, #tpu.memory_space<hbm>>
    %dma_wait3A_104 = tpu.memref_squeeze %dma_wait3A_103 : memref<1x80x128xi32, #tpu.memory_space<hbm>> -> memref<80x128xi32, #tpu.memory_space<hbm>>
    %dma_wait3A_105 = arith.constant 0 : i32
    %dma_wait3A_106 = arith.constant 0 : i32
    %dma_wait3A_107 = tpu.memref_slice %dma_wait3A_104[%dma_wait3A_105, %dma_wait3A_106] : memref<80x128xi32, #tpu.memory_space<hbm>> -> memref<40x128xi32, #tpu.memory_space<hbm>>
    %dma_wait3A_108 = arith.constant 0 : i32
    %dma_wait3A_109 = arith.constant 0 : i32
    %dma_wait3A_110 = tpu.memref_slice %arg4[%add3A, %dma_wait3A_108, %dma_wait3A_109] : memref<32x80x128xi32, #tpu.memory_space<hbm>> -> memref<1x80x128xi32, #tpu.memory_space<hbm>>
    %dma_wait3A_111 = tpu.memref_squeeze %dma_wait3A_110 : memref<1x80x128xi32, #tpu.memory_space<hbm>> -> memref<80x128xi32, #tpu.memory_space<hbm>>
    %dma_wait3A_112 = arith.constant 0 : i32
    %dma_wait3A_113 = arith.constant 0 : i32
    %dma_wait3A_114 = tpu.memref_slice %dma_wait3A_111[%dma_wait3A_112, %dma_wait3A_113] : memref<80x128xi32, #tpu.memory_space<hbm>> -> memref<40x128xi32, #tpu.memory_space<hbm>>
    tpu.wait_dma2 semaphore(%arg13 : memref<!tpu.dma_semaphore, #tpu.memory_space<semaphore_mem>>) src(%dma_wait3A_114 : memref<40x128xi32, #tpu.memory_space<hbm>>) dst(%arg8 : memref<40x128xi32, #tpu.memory_space<vmem>>)
    %barrier3A = arith.constant 0 : index
    tpu.barrier barrier_id(%barrier3A)
    %dma_start3A_115 = arith.constant 0 : i32
    %dma_start3A_116 = arith.constant 0 : i32
    %dma_start3A_117 = tpu.memref_slice %arg7[%dma_start3A_115, %dma_start3A_116] : memref<40x128xi32, #tpu.memory_space<vmem>> -> memref<1x128xi32, #tpu.memory_space<vmem>>
    %dma_start3A_118 = tpu.memref_squeeze %dma_start3A_117 : memref<1x128xi32, #tpu.memory_space<vmem>> -> memref<128xi32, #tpu.memory_space<vmem>>
    %dma_start3A_119 = arith.constant 0 : i32
    %dma_start3A_120 = arith.constant 0 : i32
    %dma_start3A_121 = tpu.memref_slice %arg2[%dma_start3A_119, %dma_start3A_120] : memref<10000x128xf32, #tpu.memory_space<hbm>> -> memref<10000x128xf32, #tpu.memory_space<hbm>>
    tpu.enqueue_indirect_dma source(%dma_start3A_121 : memref<10000x128xf32, #tpu.memory_space<hbm>>) target(%arg9 : memref<128x128xf32, #tpu.memory_space<vmem>>) offsets(%dma_start3A_118 : memref<128xi32, #tpu.memory_space<vmem>>) semaphore(%arg12 : memref<!tpu.dma_semaphore, #tpu.memory_space<semaphore_mem>>)
    %scan3A = arith.constant 0 : i32
    %scan3A_122 = arith.constant 0 : i32
    %scan3A_123 = arith.constant 20 : i32
    %scan3A_124 = arith.addi %scan3A_122, %scan3A_123 : i32
    %scan3A_125 = arith.constant 1 : i32
    scf.for %scan3A_147 = %scan3A_122 to %scan3A_124 step %scan3A_125  : i32 {
      %mul3A_148 = arith.constant 2 : i32
      %mul3A_149 = arith.muli %scan3A_147, %mul3A_148 : i32
      %add3A_150 = arith.constant 1 : i32
      %add3A_151 = arith.addi %mul3A_149, %add3A_150 : i32
      %dma_start3A_152 = arith.constant 0 : i32
      %dma_start3A_153 = tpu.memref_slice %arg7[%add3A_151, %dma_start3A_152] : memref<40x128xi32, #tpu.memory_space<vmem>> -> memref<1x128xi32, #tpu.memory_space<vmem>>
      %dma_start3A_154 = tpu.memref_squeeze %dma_start3A_153 : memref<1x128xi32, #tpu.memory_space<vmem>> -> memref<128xi32, #tpu.memory_space<vmem>>
      %dma_start3A_155 = arith.constant 0 : i32
      %dma_start3A_156 = arith.constant 0 : i32
      %dma_start3A_157 = tpu.memref_slice %arg2[%dma_start3A_155, %dma_start3A_156] : memref<10000x128xf32, #tpu.memory_space<hbm>> -> memref<10000x128xf32, #tpu.memory_space<hbm>>
      tpu.enqueue_indirect_dma source(%dma_start3A_157 : memref<10000x128xf32, #tpu.memory_space<hbm>>) target(%arg10 : memref<128x128xf32, #tpu.memory_space<vmem>>) offsets(%dma_start3A_154 : memref<128xi32, #tpu.memory_space<vmem>>) semaphore(%arg13 : memref<!tpu.dma_semaphore, #tpu.memory_space<semaphore_mem>>)
      %dma_wait3A_158 = arith.constant 0 : i32
      %dma_wait3A_159 = arith.constant 0 : i32
      %dma_wait3A_160 = tpu.memref_slice %arg7[%dma_wait3A_158, %dma_wait3A_159] : memref<40x128xi32, #tpu.memory_space<vmem>> -> memref<1x128xi32, #tpu.memory_space<vmem>>
      %dma_wait3A_161 = tpu.memref_squeeze %dma_wait3A_160 : memref<1x128xi32, #tpu.memory_space<vmem>> -> memref<128xi32, #tpu.memory_space<vmem>>
      %dma_wait3A_162 = arith.constant 0 : i32
      %dma_wait3A_163 = arith.constant 0 : i32
      %dma_wait3A_164 = tpu.memref_slice %arg2[%dma_wait3A_162, %dma_wait3A_163] : memref<10000x128xf32, #tpu.memory_space<hbm>> -> memref<10000x128xf32, #tpu.memory_space<hbm>>
      tpu.wait_indirect_dma semaphore(%arg12 : memref<!tpu.dma_semaphore, #tpu.memory_space<semaphore_mem>>) src(%dma_wait3A_164 : memref<10000x128xf32, #tpu.memory_space<hbm>>) dst(%arg9 : memref<128x128xf32, #tpu.memory_space<vmem>>)
      "tpu.region"() ({
        %run_scoped3A = tpu.sem_alloc : memref<!tpu.dma_semaphore, #tpu.memory_space<semaphore_mem>>
        %dma_start3A_179 = arith.constant 0 : i32
        %dma_start3A_180 = tpu.memref_slice %arg8[%mul3A_149, %dma_start3A_179] : memref<40x128xi32, #tpu.memory_space<vmem>> -> memref<1x128xi32, #tpu.memory_space<vmem>>
        %dma_start3A_181 = tpu.memref_squeeze %dma_start3A_180 : memref<1x128xi32, #tpu.memory_space<vmem>> -> memref<128xi32, #tpu.memory_space<vmem>>
        %dma_start3A_182 = arith.constant 0 : i32
        %dma_start3A_183 = arith.constant 0 : i32
        %dma_start3A_184 = tpu.memref_slice %arg11[%dma_start3A_182, %dma_start3A_183] : memref<10240x128xf32, #tpu.memory_space<vmem_shared>> -> memref<10240x128xf32, #tpu.memory_space<vmem_shared>>
        tpu.enqueue_indirect_dma source(%arg9 : memref<128x128xf32, #tpu.memory_space<vmem>>) target(%dma_start3A_184 : memref<10240x128xf32, #tpu.memory_space<vmem_shared>>) offsets(%dma_start3A_181 : memref<128xi32, #tpu.memory_space<vmem>>) semaphore(%run_scoped3A : memref<!tpu.dma_semaphore, #tpu.memory_space<semaphore_mem>>) {add = true}
        %dma_wait3A_185 = arith.constant 0 : i32
        %dma_wait3A_186 = tpu.memref_slice %arg8[%mul3A_149, %dma_wait3A_185] : memref<40x128xi32, #tpu.memory_space<vmem>> -> memref<1x128xi32, #tpu.memory_space<vmem>>
        %dma_wait3A_187 = tpu.memref_squeeze %dma_wait3A_186 : memref<1x128xi32, #tpu.memory_space<vmem>> -> memref<128xi32, #tpu.memory_space<vmem>>
        %dma_wait3A_188 = arith.constant 0 : i32
        %dma_wait3A_189 = arith.constant 0 : i32
        %dma_wait3A_190 = tpu.memref_slice %arg11[%dma_wait3A_188, %dma_wait3A_189] : memref<10240x128xf32, #tpu.memory_space<vmem_shared>> -> memref<10240x128xf32, #tpu.memory_space<vmem_shared>>
        tpu.wait_indirect_dma semaphore(%run_scoped3A : memref<!tpu.dma_semaphore, #tpu.memory_space<semaphore_mem>>) src(%arg9 : memref<128x128xf32, #tpu.memory_space<vmem>>) dst(%dma_wait3A_190 : memref<10240x128xf32, #tpu.memory_space<vmem_shared>>)
        tpu.yield
      }) : () -> ()
      %add3A_165 = arith.constant 2 : i32
      %add3A_166 = arith.addi %mul3A_149, %add3A_165 : i32
      %lt3A_167 = arith.constant 40 : i32
      %lt3A_168 = arith.cmpi slt, %add3A_166, %lt3A_167 : i32
      %convert_element_type3A_169 = arith.extui %lt3A_168 : i1 to i32
      %cond3A_170 = arith.constant 0 : i32
      %cond3A_171 = arith.cmpi ne, %convert_element_type3A_169, %cond3A_170 : i32
      scf.if %cond3A_171 {
        %add3A_179 = arith.constant 2 : i32
        %add3A_180 = arith.addi %mul3A_149, %add3A_179 : i32
        %dma_start3A_181 = arith.constant 0 : i32
        %dma_start3A_182 = tpu.memref_slice %arg7[%add3A_180, %dma_start3A_181] : memref<40x128xi32, #tpu.memory_space<vmem>> -> memref<1x128xi32, #tpu.memory_space<vmem>>
        %dma_start3A_183 = tpu.memref_squeeze %dma_start3A_182 : memref<1x128xi32, #tpu.memory_space<vmem>> -> memref<128xi32, #tpu.memory_space<vmem>>
        %dma_start3A_184 = arith.constant 0 : i32
        %dma_start3A_185 = arith.constant 0 : i32
        %dma_start3A_186 = tpu.memref_slice %arg2[%dma_start3A_184, %dma_start3A_185] : memref<10000x128xf32, #tpu.memory_space<hbm>> -> memref<10000x128xf32, #tpu.memory_space<hbm>>
        tpu.enqueue_indirect_dma source(%dma_start3A_186 : memref<10000x128xf32, #tpu.memory_space<hbm>>) target(%arg9 : memref<128x128xf32, #tpu.memory_space<vmem>>) offsets(%dma_start3A_183 : memref<128xi32, #tpu.memory_space<vmem>>) semaphore(%arg12 : memref<!tpu.dma_semaphore, #tpu.memory_space<semaphore_mem>>)
      } else {
      }
      %dma_wait3A_172 = arith.constant 0 : i32
      %dma_wait3A_173 = arith.constant 0 : i32
      %dma_wait3A_174 = tpu.memref_slice %arg7[%dma_wait3A_172, %dma_wait3A_173] : memref<40x128xi32, #tpu.memory_space<vmem>> -> memref<1x128xi32, #tpu.memory_space<vmem>>
      %dma_wait3A_175 = tpu.memref_squeeze %dma_wait3A_174 : memref<1x128xi32, #tpu.memory_space<vmem>> -> memref<128xi32, #tpu.memory_space<vmem>>
      %dma_wait3A_176 = arith.constant 0 : i32
      %dma_wait3A_177 = arith.constant 0 : i32
      %dma_wait3A_178 = tpu.memref_slice %arg2[%dma_wait3A_176, %dma_wait3A_177] : memref<10000x128xf32, #tpu.memory_space<hbm>> -> memref<10000x128xf32, #tpu.memory_space<hbm>>
      tpu.wait_indirect_dma semaphore(%arg13 : memref<!tpu.dma_semaphore, #tpu.memory_space<semaphore_mem>>) src(%dma_wait3A_178 : memref<10000x128xf32, #tpu.memory_space<hbm>>) dst(%arg10 : memref<128x128xf32, #tpu.memory_space<vmem>>)
      "tpu.region"() ({
        %run_scoped3A = tpu.sem_alloc : memref<!tpu.dma_semaphore, #tpu.memory_space<semaphore_mem>>
        %dma_start3A_179 = arith.constant 0 : i32
        %dma_start3A_180 = tpu.memref_slice %arg8[%add3A_151, %dma_start3A_179] : memref<40x128xi32, #tpu.memory_space<vmem>> -> memref<1x128xi32, #tpu.memory_space<vmem>>
        %dma_start3A_181 = tpu.memref_squeeze %dma_start3A_180 : memref<1x128xi32, #tpu.memory_space<vmem>> -> memref<128xi32, #tpu.memory_space<vmem>>
        %dma_start3A_182 = arith.constant 0 : i32
        %dma_start3A_183 = arith.constant 0 : i32
        %dma_start3A_184 = tpu.memref_slice %arg11[%dma_start3A_182, %dma_start3A_183] : memref<10240x128xf32, #tpu.memory_space<vmem_shared>> -> memref<10240x128xf32, #tpu.memory_space<vmem_shared>>
        tpu.enqueue_indirect_dma source(%arg10 : memref<128x128xf32, #tpu.memory_space<vmem>>) target(%dma_start3A_184 : memref<10240x128xf32, #tpu.memory_space<vmem_shared>>) offsets(%dma_start3A_181 : memref<128xi32, #tpu.memory_space<vmem>>) semaphore(%run_scoped3A : memref<!tpu.dma_semaphore, #tpu.memory_space<semaphore_mem>>) {add = true}
        %dma_wait3A_185 = arith.constant 0 : i32
        %dma_wait3A_186 = tpu.memref_slice %arg8[%add3A_151, %dma_wait3A_185] : memref<40x128xi32, #tpu.memory_space<vmem>> -> memref<1x128xi32, #tpu.memory_space<vmem>>
        %dma_wait3A_187 = tpu.memref_squeeze %dma_wait3A_186 : memref<1x128xi32, #tpu.memory_space<vmem>> -> memref<128xi32, #tpu.memory_space<vmem>>
        %dma_wait3A_188 = arith.constant 0 : i32
        %dma_wait3A_189 = arith.constant 0 : i32
        %dma_wait3A_190 = tpu.memref_slice %arg11[%dma_wait3A_188, %dma_wait3A_189] : memref<10240x128xf32, #tpu.memory_space<vmem_shared>> -> memref<10240x128xf32, #tpu.memory_space<vmem_shared>>
        tpu.wait_indirect_dma semaphore(%run_scoped3A : memref<!tpu.dma_semaphore, #tpu.memory_space<semaphore_mem>>) src(%arg10 : memref<128x128xf32, #tpu.memory_space<vmem>>) dst(%dma_wait3A_190 : memref<10240x128xf32, #tpu.memory_space<vmem_shared>>)
        tpu.yield
      }) : () -> ()
    }
    %scan3A_126 = arith.constant 20 : i32
    "tpu.region"() ({
      %run_scoped3A = tpu.sem_alloc : memref<!tpu.dma_semaphore, #tpu.memory_space<semaphore_mem>>
      %dma_start3A_147 = arith.constant 0 : i32
      %dma_start3A_148 = arith.constant 0 : i32
      %dma_start3A_149 = tpu.memref_slice %arg3[%add3A, %dma_start3A_147, %dma_start3A_148] : memref<32x80x128xi32, #tpu.memory_space<hbm>> -> memref<1x80x128xi32, #tpu.memory_space<hbm>>
      %dma_start3A_150 = tpu.memref_squeeze %dma_start3A_149 : memref<1x80x128xi32, #tpu.memory_space<hbm>> -> memref<80x128xi32, #tpu.memory_space<hbm>>
      %dma_start3A_151 = arith.constant 40 : i32
      %dma_start3A_152 = arith.constant 0 : i32
      %dma_start3A_153 = tpu.memref_slice %dma_start3A_150[%dma_start3A_151, %dma_start3A_152] : memref<80x128xi32, #tpu.memory_space<hbm>> -> memref<40x128xi32, #tpu.memory_space<hbm>>
      %dma_start3A_154 = arith.constant 0 : i32
      %dma_start3A_155 = arith.constant 0 : i32
      %dma_start3A_156 = tpu.memref_slice %arg3[%add3A, %dma_start3A_154, %dma_start3A_155] : memref<32x80x128xi32, #tpu.memory_space<hbm>> -> memref<1x80x128xi32, #tpu.memory_space<hbm>>
      %dma_start3A_157 = tpu.memref_squeeze %dma_start3A_156 : memref<1x80x128xi32, #tpu.memory_space<hbm>> -> memref<80x128xi32, #tpu.memory_space<hbm>>
      %dma_start3A_158 = arith.constant 40 : i32
      %dma_start3A_159 = arith.constant 0 : i32
      %dma_start3A_160 = tpu.memref_slice %dma_start3A_157[%dma_start3A_158, %dma_start3A_159] : memref<80x128xi32, #tpu.memory_space<hbm>> -> memref<40x128xi32, #tpu.memory_space<hbm>>
      tpu.enqueue_dma source(%dma_start3A_160 : memref<40x128xi32, #tpu.memory_space<hbm>>) target(%arg7 : memref<40x128xi32, #tpu.memory_space<vmem>>) target_semaphore(%run_scoped3A : memref<!tpu.dma_semaphore, #tpu.memory_space<semaphore_mem>>)
      %dma_wait3A_161 = arith.constant 0 : i32
      %dma_wait3A_162 = arith.constant 0 : i32
      %dma_wait3A_163 = tpu.memref_slice %arg3[%add3A, %dma_wait3A_161, %dma_wait3A_162] : memref<32x80x128xi32, #tpu.memory_space<hbm>> -> memref<1x80x128xi32, #tpu.memory_space<hbm>>
      %dma_wait3A_164 = tpu.memref_squeeze %dma_wait3A_163 : memref<1x80x128xi32, #tpu.memory_space<hbm>> -> memref<80x128xi32, #tpu.memory_space<hbm>>
      %dma_wait3A_165 = arith.constant 40 : i32
      %dma_wait3A_166 = arith.constant 0 : i32
      %dma_wait3A_167 = tpu.memref_slice %dma_wait3A_164[%dma_wait3A_165, %dma_wait3A_166] : memref<80x128xi32, #tpu.memory_space<hbm>> -> memref<40x128xi32, #tpu.memory_space<hbm>>
      %dma_wait3A_168 = arith.constant 0 : i32
      %dma_wait3A_169 = arith.constant 0 : i32
      %dma_wait3A_170 = tpu.memref_slice %arg3[%add3A, %dma_wait3A_168, %dma_wait3A_169] : memref<32x80x128xi32, #tpu.memory_space<hbm>> -> memref<1x80x128xi32, #tpu.memory_space<hbm>>
      %dma_wait3A_171 = tpu.memref_squeeze %dma_wait3A_170 : memref<1x80x128xi32, #tpu.memory_space<hbm>> -> memref<80x128xi32, #tpu.memory_space<hbm>>
      %dma_wait3A_172 = arith.constant 40 : i32
      %dma_wait3A_173 = arith.constant 0 : i32
      %dma_wait3A_174 = tpu.memref_slice %dma_wait3A_171[%dma_wait3A_172, %dma_wait3A_173] : memref<80x128xi32, #tpu.memory_space<hbm>> -> memref<40x128xi32, #tpu.memory_space<hbm>>
      tpu.wait_dma2 semaphore(%run_scoped3A : memref<!tpu.dma_semaphore, #tpu.memory_space<semaphore_mem>>) src(%dma_wait3A_174 : memref<40x128xi32, #tpu.memory_space<hbm>>) dst(%arg7 : memref<40x128xi32, #tpu.memory_space<vmem>>)
      tpu.yield
    }) : () -> ()
    "tpu.region"() ({
      %run_scoped3A = tpu.sem_alloc : memref<!tpu.dma_semaphore, #tpu.memory_space<semaphore_mem>>
      %dma_start3A_147 = arith.constant 0 : i32
      %dma_start3A_148 = arith.constant 0 : i32
      %dma_start3A_149 = tpu.memref_slice %arg4[%add3A, %dma_start3A_147, %dma_start3A_148] : memref<32x80x128xi32, #tpu.memory_space<hbm>> -> memref<1x80x128xi32, #tpu.memory_space<hbm>>
      %dma_start3A_150 = tpu.memref_squeeze %dma_start3A_149 : memref<1x80x128xi32, #tpu.memory_space<hbm>> -> memref<80x128xi32, #tpu.memory_space<hbm>>
      %dma_start3A_151 = arith.constant 40 : i32
      %dma_start3A_152 = arith.constant 0 : i32
      %dma_start3A_153 = tpu.memref_slice %dma_start3A_150[%dma_start3A_151, %dma_start3A_152] : memref<80x128xi32, #tpu.memory_space<hbm>> -> memref<40x128xi32, #tpu.memory_space<hbm>>
      %dma_start3A_154 = arith.constant 0 : i32
      %dma_start3A_155 = arith.constant 0 : i32
      %dma_start3A_156 = tpu.memref_slice %arg4[%add3A, %dma_start3A_154, %dma_start3A_155] : memref<32x80x128xi32, #tpu.memory_space<hbm>> -> memref<1x80x128xi32, #tpu.memory_space<hbm>>
      %dma_start3A_157 = tpu.memref_squeeze %dma_start3A_156 : memref<1x80x128xi32, #tpu.memory_space<hbm>> -> memref<80x128xi32, #tpu.memory_space<hbm>>
      %dma_start3A_158 = arith.constant 40 : i32
      %dma_start3A_159 = arith.constant 0 : i32
      %dma_start3A_160 = tpu.memref_slice %dma_start3A_157[%dma_start3A_158, %dma_start3A_159] : memref<80x128xi32, #tpu.memory_space<hbm>> -> memref<40x128xi32, #tpu.memory_space<hbm>>
      tpu.enqueue_dma source(%dma_start3A_160 : memref<40x128xi32, #tpu.memory_space<hbm>>) target(%arg8 : memref<40x128xi32, #tpu.memory_space<vmem>>) target_semaphore(%run_scoped3A : memref<!tpu.dma_semaphore, #tpu.memory_space<semaphore_mem>>)
      %dma_wait3A_161 = arith.constant 0 : i32
      %dma_wait3A_162 = arith.constant 0 : i32
      %dma_wait3A_163 = tpu.memref_slice %arg4[%add3A, %dma_wait3A_161, %dma_wait3A_162] : memref<32x80x128xi32, #tpu.memory_space<hbm>> -> memref<1x80x128xi32, #tpu.memory_space<hbm>>
      %dma_wait3A_164 = tpu.memref_squeeze %dma_wait3A_163 : memref<1x80x128xi32, #tpu.memory_space<hbm>> -> memref<80x128xi32, #tpu.memory_space<hbm>>
      %dma_wait3A_165 = arith.constant 40 : i32
      %dma_wait3A_166 = arith.constant 0 : i32
      %dma_wait3A_167 = tpu.memref_slice %dma_wait3A_164[%dma_wait3A_165, %dma_wait3A_166] : memref<80x128xi32, #tpu.memory_space<hbm>> -> memref<40x128xi32, #tpu.memory_space<hbm>>
      %dma_wait3A_168 = arith.constant 0 : i32
      %dma_wait3A_169 = arith.constant 0 : i32
      %dma_wait3A_170 = tpu.memref_slice %arg4[%add3A, %dma_wait3A_168, %dma_wait3A_169] : memref<32x80x128xi32, #tpu.memory_space<hbm>> -> memref<1x80x128xi32, #tpu.memory_space<hbm>>
      %dma_wait3A_171 = tpu.memref_squeeze %dma_wait3A_170 : memref<1x80x128xi32, #tpu.memory_space<hbm>> -> memref<80x128xi32, #tpu.memory_space<hbm>>
      %dma_wait3A_172 = arith.constant 40 : i32
      %dma_wait3A_173 = arith.constant 0 : i32
      %dma_wait3A_174 = tpu.memref_slice %dma_wait3A_171[%dma_wait3A_172, %dma_wait3A_173] : memref<80x128xi32, #tpu.memory_space<hbm>> -> memref<40x128xi32, #tpu.memory_space<hbm>>
      tpu.wait_dma2 semaphore(%run_scoped3A : memref<!tpu.dma_semaphore, #tpu.memory_space<semaphore_mem>>) src(%dma_wait3A_174 : memref<40x128xi32, #tpu.memory_space<hbm>>) dst(%arg8 : memref<40x128xi32, #tpu.memory_space<vmem>>)
      tpu.yield
    }) : () -> ()
    %dma_start3A_127 = arith.constant 0 : i32
    %dma_start3A_128 = arith.constant 0 : i32
    %dma_start3A_129 = tpu.memref_slice %arg7[%dma_start3A_127, %dma_start3A_128] : memref<40x128xi32, #tpu.memory_space<vmem>> -> memref<1x128xi32, #tpu.memory_space<vmem>>
    %dma_start3A_130 = tpu.memref_squeeze %dma_start3A_129 : memref<1x128xi32, #tpu.memory_space<vmem>> -> memref<128xi32, #tpu.memory_space<vmem>>
    %dma_start3A_131 = arith.constant 0 : i32
    %dma_start3A_132 = arith.constant 0 : i32
    %dma_start3A_133 = tpu.memref_slice %arg2[%dma_start3A_131, %dma_start3A_132] : memref<10000x128xf32, #tpu.memory_space<hbm>> -> memref<10000x128xf32, #tpu.memory_space<hbm>>
    tpu.enqueue_indirect_dma source(%dma_start3A_133 : memref<10000x128xf32, #tpu.memory_space<hbm>>) target(%arg9 : memref<128x128xf32, #tpu.memory_space<vmem>>) offsets(%dma_start3A_130 : memref<128xi32, #tpu.memory_space<vmem>>) semaphore(%arg12 : memref<!tpu.dma_semaphore, #tpu.memory_space<semaphore_mem>>)
    %scan3A_134 = arith.constant 0 : i32
    %scan3A_135 = arith.constant 0 : i32
    %scan3A_136 = arith.constant 20 : i32
    %scan3A_137 = arith.addi %scan3A_135, %scan3A_136 : i32
    %scan3A_138 = arith.constant 1 : i32
    scf.for %scan3A_147 = %scan3A_135 to %scan3A_137 step %scan3A_138  : i32 {
      %mul3A_148 = arith.constant 2 : i32
      %mul3A_149 = arith.muli %scan3A_147, %mul3A_148 : i32
      %add3A_150 = arith.constant 1 : i32
      %add3A_151 = arith.addi %mul3A_149, %add3A_150 : i32
      %dma_start3A_152 = arith.constant 0 : i32
      %dma_start3A_153 = tpu.memref_slice %arg7[%add3A_151, %dma_start3A_152] : memref<40x128xi32, #tpu.memory_space<vmem>> -> memref<1x128xi32, #tpu.memory_space<vmem>>
      %dma_start3A_154 = tpu.memref_squeeze %dma_start3A_153 : memref<1x128xi32, #tpu.memory_space<vmem>> -> memref<128xi32, #tpu.memory_space<vmem>>
      %dma_start3A_155 = arith.constant 0 : i32
      %dma_start3A_156 = arith.constant 0 : i32
      %dma_start3A_157 = tpu.memref_slice %arg2[%dma_start3A_155, %dma_start3A_156] : memref<10000x128xf32, #tpu.memory_space<hbm>> -> memref<10000x128xf32, #tpu.memory_space<hbm>>
      tpu.enqueue_indirect_dma source(%dma_start3A_157 : memref<10000x128xf32, #tpu.memory_space<hbm>>) target(%arg10 : memref<128x128xf32, #tpu.memory_space<vmem>>) offsets(%dma_start3A_154 : memref<128xi32, #tpu.memory_space<vmem>>) semaphore(%arg13 : memref<!tpu.dma_semaphore, #tpu.memory_space<semaphore_mem>>)
      %dma_wait3A_158 = arith.constant 0 : i32
      %dma_wait3A_159 = arith.constant 0 : i32
      %dma_wait3A_160 = tpu.memref_slice %arg7[%dma_wait3A_158, %dma_wait3A_159] : memref<40x128xi32, #tpu.memory_space<vmem>> -> memref<1x128xi32, #tpu.memory_space<vmem>>
      %dma_wait3A_161 = tpu.memref_squeeze %dma_wait3A_160 : memref<1x128xi32, #tpu.memory_space<vmem>> -> memref<128xi32, #tpu.memory_space<vmem>>
      %dma_wait3A_162 = arith.constant 0 : i32
      %dma_wait3A_163 = arith.constant 0 : i32
      %dma_wait3A_164 = tpu.memref_slice %arg2[%dma_wait3A_162, %dma_wait3A_163] : memref<10000x128xf32, #tpu.memory_space<hbm>> -> memref<10000x128xf32, #tpu.memory_space<hbm>>
      tpu.wait_indirect_dma semaphore(%arg12 : memref<!tpu.dma_semaphore, #tpu.memory_space<semaphore_mem>>) src(%dma_wait3A_164 : memref<10000x128xf32, #tpu.memory_space<hbm>>) dst(%arg9 : memref<128x128xf32, #tpu.memory_space<vmem>>)
      "tpu.region"() ({
        %run_scoped3A = tpu.sem_alloc : memref<!tpu.dma_semaphore, #tpu.memory_space<semaphore_mem>>
        %dma_start3A_179 = arith.constant 0 : i32
        %dma_start3A_180 = tpu.memref_slice %arg8[%mul3A_149, %dma_start3A_179] : memref<40x128xi32, #tpu.memory_space<vmem>> -> memref<1x128xi32, #tpu.memory_space<vmem>>
        %dma_start3A_181 = tpu.memref_squeeze %dma_start3A_180 : memref<1x128xi32, #tpu.memory_space<vmem>> -> memref<128xi32, #tpu.memory_space<vmem>>
        %dma_start3A_182 = arith.constant 0 : i32
        %dma_start3A_183 = arith.constant 0 : i32
        %dma_start3A_184 = tpu.memref_slice %arg11[%dma_start3A_182, %dma_start3A_183] : memref<10240x128xf32, #tpu.memory_space<vmem_shared>> -> memref<10240x128xf32, #tpu.memory_space<vmem_shared>>
        tpu.enqueue_indirect_dma source(%arg9 : memref<128x128xf32, #tpu.memory_space<vmem>>) target(%dma_start3A_184 : memref<10240x128xf32, #tpu.memory_space<vmem_shared>>) offsets(%dma_start3A_181 : memref<128xi32, #tpu.memory_space<vmem>>) semaphore(%run_scoped3A : memref<!tpu.dma_semaphore, #tpu.memory_space<semaphore_mem>>) {add = true}
        %dma_wait3A_185 = arith.constant 0 : i32
        %dma_wait3A_186 = tpu.memref_slice %arg8[%mul3A_149, %dma_wait3A_185] : memref<40x128xi32, #tpu.memory_space<vmem>> -> memref<1x128xi32, #tpu.memory_space<vmem>>
        %dma_wait3A_187 = tpu.memref_squeeze %dma_wait3A_186 : memref<1x128xi32, #tpu.memory_space<vmem>> -> memref<128xi32, #tpu.memory_space<vmem>>
        %dma_wait3A_188 = arith.constant 0 : i32
        %dma_wait3A_189 = arith.constant 0 : i32
        %dma_wait3A_190 = tpu.memref_slice %arg11[%dma_wait3A_188, %dma_wait3A_189] : memref<10240x128xf32, #tpu.memory_space<vmem_shared>> -> memref<10240x128xf32, #tpu.memory_space<vmem_shared>>
        tpu.wait_indirect_dma semaphore(%run_scoped3A : memref<!tpu.dma_semaphore, #tpu.memory_space<semaphore_mem>>) src(%arg9 : memref<128x128xf32, #tpu.memory_space<vmem>>) dst(%dma_wait3A_190 : memref<10240x128xf32, #tpu.memory_space<vmem_shared>>)
        tpu.yield
      }) : () -> ()
      %add3A_165 = arith.constant 2 : i32
      %add3A_166 = arith.addi %mul3A_149, %add3A_165 : i32
      %lt3A_167 = arith.constant 40 : i32
      %lt3A_168 = arith.cmpi slt, %add3A_166, %lt3A_167 : i32
      %convert_element_type3A_169 = arith.extui %lt3A_168 : i1 to i32
      %cond3A_170 = arith.constant 0 : i32
      %cond3A_171 = arith.cmpi ne, %convert_element_type3A_169, %cond3A_170 : i32
      scf.if %cond3A_171 {
        %add3A_179 = arith.constant 2 : i32
        %add3A_180 = arith.addi %mul3A_149, %add3A_179 : i32
        %dma_start3A_181 = arith.constant 0 : i32
        %dma_start3A_182 = tpu.memref_slice %arg7[%add3A_180, %dma_start3A_181] : memref<40x128xi32, #tpu.memory_space<vmem>> -> memref<1x128xi32, #tpu.memory_space<vmem>>
        %dma_start3A_183 = tpu.memref_squeeze %dma_start3A_182 : memref<1x128xi32, #tpu.memory_space<vmem>> -> memref<128xi32, #tpu.memory_space<vmem>>
        %dma_start3A_184 = arith.constant 0 : i32
        %dma_start3A_185 = arith.constant 0 : i32
        %dma_start3A_186 = tpu.memref_slice %arg2[%dma_start3A_184, %dma_start3A_185] : memref<10000x128xf32, #tpu.memory_space<hbm>> -> memref<10000x128xf32, #tpu.memory_space<hbm>>
        tpu.enqueue_indirect_dma source(%dma_start3A_186 : memref<10000x128xf32, #tpu.memory_space<hbm>>) target(%arg9 : memref<128x128xf32, #tpu.memory_space<vmem>>) offsets(%dma_start3A_183 : memref<128xi32, #tpu.memory_space<vmem>>) semaphore(%arg12 : memref<!tpu.dma_semaphore, #tpu.memory_space<semaphore_mem>>)
      } else {
      }
      %dma_wait3A_172 = arith.constant 0 : i32
      %dma_wait3A_173 = arith.constant 0 : i32
      %dma_wait3A_174 = tpu.memref_slice %arg7[%dma_wait3A_172, %dma_wait3A_173] : memref<40x128xi32, #tpu.memory_space<vmem>> -> memref<1x128xi32, #tpu.memory_space<vmem>>
      %dma_wait3A_175 = tpu.memref_squeeze %dma_wait3A_174 : memref<1x128xi32, #tpu.memory_space<vmem>> -> memref<128xi32, #tpu.memory_space<vmem>>
      %dma_wait3A_176 = arith.constant 0 : i32
      %dma_wait3A_177 = arith.constant 0 : i32
      %dma_wait3A_178 = tpu.memref_slice %arg2[%dma_wait3A_176, %dma_wait3A_177] : memref<10000x128xf32, #tpu.memory_space<hbm>> -> memref<10000x128xf32, #tpu.memory_space<hbm>>
      tpu.wait_indirect_dma semaphore(%arg13 : memref<!tpu.dma_semaphore, #tpu.memory_space<semaphore_mem>>) src(%dma_wait3A_178 : memref<10000x128xf32, #tpu.memory_space<hbm>>) dst(%arg10 : memref<128x128xf32, #tpu.memory_space<vmem>>)
      "tpu.region"() ({
        %run_scoped3A = tpu.sem_alloc : memref<!tpu.dma_semaphore, #tpu.memory_space<semaphore_mem>>
        %dma_start3A_179 = arith.constant 0 : i32
        %dma_start3A_180 = tpu.memref_slice %arg8[%add3A_151, %dma_start3A_179] : memref<40x128xi32, #tpu.memory_space<vmem>> -> memref<1x128xi32, #tpu.memory_space<vmem>>
        %dma_start3A_181 = tpu.memref_squeeze %dma_start3A_180 : memref<1x128xi32, #tpu.memory_space<vmem>> -> memref<128xi32, #tpu.memory_space<vmem>>
        %dma_start3A_182 = arith.constant 0 : i32
        %dma_start3A_183 = arith.constant 0 : i32
        %dma_start3A_184 = tpu.memref_slice %arg11[%dma_start3A_182, %dma_start3A_183] : memref<10240x128xf32, #tpu.memory_space<vmem_shared>> -> memref<10240x128xf32, #tpu.memory_space<vmem_shared>>
        tpu.enqueue_indirect_dma source(%arg10 : memref<128x128xf32, #tpu.memory_space<vmem>>) target(%dma_start3A_184 : memref<10240x128xf32, #tpu.memory_space<vmem_shared>>) offsets(%dma_start3A_181 : memref<128xi32, #tpu.memory_space<vmem>>) semaphore(%run_scoped3A : memref<!tpu.dma_semaphore, #tpu.memory_space<semaphore_mem>>) {add = true}
        %dma_wait3A_185 = arith.constant 0 : i32
        %dma_wait3A_186 = tpu.memref_slice %arg8[%add3A_151, %dma_wait3A_185] : memref<40x128xi32, #tpu.memory_space<vmem>> -> memref<1x128xi32, #tpu.memory_space<vmem>>
        %dma_wait3A_187 = tpu.memref_squeeze %dma_wait3A_186 : memref<1x128xi32, #tpu.memory_space<vmem>> -> memref<128xi32, #tpu.memory_space<vmem>>
        %dma_wait3A_188 = arith.constant 0 : i32
        %dma_wait3A_189 = arith.constant 0 : i32
        %dma_wait3A_190 = tpu.memref_slice %arg11[%dma_wait3A_188, %dma_wait3A_189] : memref<10240x128xf32, #tpu.memory_space<vmem_shared>> -> memref<10240x128xf32, #tpu.memory_space<vmem_shared>>
        tpu.wait_indirect_dma semaphore(%run_scoped3A : memref<!tpu.dma_semaphore, #tpu.memory_space<semaphore_mem>>) src(%arg10 : memref<128x128xf32, #tpu.memory_space<vmem>>) dst(%dma_wait3A_190 : memref<10240x128xf32, #tpu.memory_space<vmem_shared>>)
        tpu.yield
      }) : () -> ()
    }
    %scan3A_139 = arith.constant 20 : i32
    %barrier3A_140 = arith.constant 0 : index
    tpu.barrier barrier_id(%barrier3A_140)
    %lt3A = arith.constant 15 : i32
    %lt3A_141 = arith.cmpi slt, %arg1, %lt3A : i32
    %convert_element_type3A = arith.extui %lt3A_141 : i1 to i32
    %cond3A = arith.constant 0 : i32
    %cond3A_142 = arith.cmpi ne, %convert_element_type3A, %cond3A : i32
    scf.if %cond3A_142 {
      %mul3A_147 = arith.constant 640 : i32
      %mul3A_148 = arith.muli %arg1, %mul3A_147 : i32
      %mul3A_149 = arith.constant 640 : i32
      %mul3A_150 = arith.muli %arg1, %mul3A_149 : i32
      "tpu.region"() ({
        %run_scoped3A = tpu.sem_alloc : memref<!tpu.dma_semaphore, #tpu.memory_space<semaphore_mem>>
        %dma_start3A_151 = arith.constant 0 : i32
        %dma_start3A_152 = arith.constant 0 : i32
        %dma_start3A_153 = tpu.memref_slice %arg6[%arg0, %dma_start3A_151, %dma_start3A_152] : memref<2x10000x128xf32, #tpu.memory_space<hbm>> -> memref<1x10000x128xf32, #tpu.memory_space<hbm>>
        %dma_start3A_154 = tpu.memref_squeeze %dma_start3A_153 : memref<1x10000x128xf32, #tpu.memory_space<hbm>> -> memref<10000x128xf32, #tpu.memory_space<hbm>>
        %dma_start3A_155 = arith.constant 0 : i32
        %dma_start3A_156 = tpu.memref_slice %dma_start3A_154[%mul3A_150, %dma_start3A_155] : memref<10000x128xf32, #tpu.memory_space<hbm>> -> memref<640x128xf32, #tpu.memory_space<hbm>>
        %dma_start3A_157 = arith.constant 0 : i32
        %dma_start3A_158 = tpu.memref_slice %arg11[%mul3A_148, %dma_start3A_157] : memref<10240x128xf32, #tpu.memory_space<vmem_shared>> -> memref<640x128xf32, #tpu.memory_space<vmem_shared>>
        tpu.enqueue_dma source(%dma_start3A_158 : memref<640x128xf32, #tpu.memory_space<vmem_shared>>) target(%dma_start3A_156 : memref<640x128xf32, #tpu.memory_space<hbm>>) target_semaphore(%run_scoped3A : memref<!tpu.dma_semaphore, #tpu.memory_space<semaphore_mem>>)
        %dma_wait3A_159 = arith.constant 0 : i32
        %dma_wait3A_160 = arith.constant 0 : i32
        %dma_wait3A_161 = tpu.memref_slice %arg6[%arg0, %dma_wait3A_159, %dma_wait3A_160] : memref<2x10000x128xf32, #tpu.memory_space<hbm>> -> memref<1x10000x128xf32, #tpu.memory_space<hbm>>
        %dma_wait3A_162 = tpu.memref_squeeze %dma_wait3A_161 : memref<1x10000x128xf32, #tpu.memory_space<hbm>> -> memref<10000x128xf32, #tpu.memory_space<hbm>>
        %dma_wait3A_163 = arith.constant 0 : i32
        %dma_wait3A_164 = tpu.memref_slice %dma_wait3A_162[%mul3A_150, %dma_wait3A_163] : memref<10000x128xf32, #tpu.memory_space<hbm>> -> memref<640x128xf32, #tpu.memory_space<hbm>>
        %dma_wait3A_165 = arith.constant 0 : i32
        %dma_wait3A_166 = tpu.memref_slice %arg11[%mul3A_148, %dma_wait3A_165] : memref<10240x128xf32, #tpu.memory_space<vmem_shared>> -> memref<640x128xf32, #tpu.memory_space<vmem_shared>>
        tpu.wait_dma2 semaphore(%run_scoped3A : memref<!tpu.dma_semaphore, #tpu.memory_space<semaphore_mem>>) src(%dma_wait3A_166 : memref<640x128xf32, #tpu.memory_space<vmem_shared>>) dst(%dma_wait3A_164 : memref<640x128xf32, #tpu.memory_space<hbm>>)
        tpu.yield
      }) : () -> ()
    } else {
    }
    %eq3A = arith.constant 15 : i32
    %eq3A_143 = arith.cmpi eq, %arg1, %eq3A : i32
    %convert_element_type3A_144 = arith.extui %eq3A_143 : i1 to i32
    %cond3A_145 = arith.constant 0 : i32
    %cond3A_146 = arith.cmpi ne, %convert_element_type3A_144, %cond3A_145 : i32
    scf.if %cond3A_146 {
      "tpu.region"() ({
        %run_scoped3A = tpu.sem_alloc : memref<!tpu.dma_semaphore, #tpu.memory_space<semaphore_mem>>
        %dma_start3A_147 = arith.constant 0 : i32
        %dma_start3A_148 = arith.constant 0 : i32
        %dma_start3A_149 = tpu.memref_slice %arg6[%arg0, %dma_start3A_147, %dma_start3A_148] : memref<2x10000x128xf32, #tpu.memory_space<hbm>> -> memref<1x10000x128xf32, #tpu.memory_space<hbm>>
        %dma_start3A_150 = tpu.memref_squeeze %dma_start3A_149 : memref<1x10000x128xf32, #tpu.memory_space<hbm>> -> memref<10000x128xf32, #tpu.memory_space<hbm>>
        %dma_start3A_151 = arith.constant 9600 : i32
        %dma_start3A_152 = arith.constant 0 : i32
        %dma_start3A_153 = tpu.memref_slice %dma_start3A_150[%dma_start3A_151, %dma_start3A_152] : memref<10000x128xf32, #tpu.memory_space<hbm>> -> memref<400x128xf32, #tpu.memory_space<hbm>>
        %dma_start3A_154 = arith.constant 9600 : i32
        %dma_start3A_155 = arith.constant 0 : i32
        %dma_start3A_156 = tpu.memref_slice %arg11[%dma_start3A_154, %dma_start3A_155] : memref<10240x128xf32, #tpu.memory_space<vmem_shared>> -> memref<400x128xf32, #tpu.memory_space<vmem_shared>>
        tpu.enqueue_dma source(%dma_start3A_156 : memref<400x128xf32, #tpu.memory_space<vmem_shared>>) target(%dma_start3A_153 : memref<400x128xf32, #tpu.memory_space<hbm>>) target_semaphore(%run_scoped3A : memref<!tpu.dma_semaphore, #tpu.memory_space<semaphore_mem>>)
        %dma_wait3A_157 = arith.constant 0 : i32
        %dma_wait3A_158 = arith.constant 0 : i32
        %dma_wait3A_159 = tpu.memref_slice %arg6[%arg0, %dma_wait3A_157, %dma_wait3A_158] : memref<2x10000x128xf32, #tpu.memory_space<hbm>> -> memref<1x10000x128xf32, #tpu.memory_space<hbm>>
        %dma_wait3A_160 = tpu.memref_squeeze %dma_wait3A_159 : memref<1x10000x128xf32, #tpu.memory_space<hbm>> -> memref<10000x128xf32, #tpu.memory_space<hbm>>
        %dma_wait3A_161 = arith.constant 9600 : i32
        %dma_wait3A_162 = arith.constant 0 : i32
        %dma_wait3A_163 = tpu.memref_slice %dma_wait3A_160[%dma_wait3A_161, %dma_wait3A_162] : memref<10000x128xf32, #tpu.memory_space<hbm>> -> memref<400x128xf32, #tpu.memory_space<hbm>>
        %dma_wait3A_164 = arith.constant 9600 : i32
        %dma_wait3A_165 = arith.constant 0 : i32
        %dma_wait3A_166 = tpu.memref_slice %arg11[%dma_wait3A_164, %dma_wait3A_165] : memref<10240x128xf32, #tpu.memory_space<vmem_shared>> -> memref<400x128xf32, #tpu.memory_space<vmem_shared>>
        tpu.wait_dma2 semaphore(%run_scoped3A : memref<!tpu.dma_semaphore, #tpu.memory_space<semaphore_mem>>) src(%dma_wait3A_166 : memref<400x128xf32, #tpu.memory_space<vmem_shared>>) dst(%dma_wait3A_163 : memref<400x128xf32, #tpu.memory_space<hbm>>)
        tpu.yield
      }) : () -> ()
    } else {
    }
    return
  }
}

#map = affine_map<(d0, d1) -> (0, 0)>
#map1 = affine_map<(d0, d1) -> (0, 0, 0)>
module attributes {stable_mosaic.version = 14 : i64} {
  func.func @_sc_agg(%arg0: i32, %arg1: i32, %arg2: memref<10000x128xf32, #tpu.memory_space<hbm>>, %arg3: memref<32x80x128xi32, #tpu.memory_space<hbm>>, %arg4: memref<32x80x128xi32, #tpu.memory_space<hbm>>, %arg5: memref<128x128xf32, #tpu.memory_space<hbm>>, %arg6: memref<2x10000x128xf32, #tpu.memory_space<hbm>>, %arg7: memref<40x128xi32, #tpu.memory_space<vmem>>, %arg8: memref<40x128xi32, #tpu.memory_space<vmem>>, %arg9: memref<128x128xf32, #tpu.memory_space<vmem>>, %arg10: memref<128x128xf32, #tpu.memory_space<vmem>>, %arg11: memref<10240x128xf32, #tpu.memory_space<vmem_shared>>, %arg12: memref<!tpu.dma_semaphore, #tpu.memory_space<semaphore_mem>>, %arg13: memref<!tpu.dma_semaphore, #tpu.memory_space<semaphore_mem>>, %arg14: memref<!tpu.dma_semaphore, #tpu.memory_space<semaphore_mem>>) attributes {dimension_semantics = [#tpu.dimension_semantics<core_parallel>, #tpu.dimension_semantics<subcore_parallel>], iteration_bounds = array<i64: 2, 16>, scalar_prefetch = 0 : i64, scratch_operands = 8 : i64, tpu.core_type = #tpu.core_type<sc_vector_subcore>, window_params = [{transform_indices = #map}, {transform_indices = #map1}, {transform_indices = #map1}, {transform_indices = #map}, {transform_indices = #map1}]} {
    %mul3A = arith.constant 16 : i32
    %mul3A_0 = arith.muli %arg0, %mul3A : i32
    %add3A = arith.addi %mul3A_0, %arg1 : i32
    %dma_start3A = arith.constant 0 : i32
    %dma_start3A_1 = arith.constant 0 : i32
    %dma_start3A_2 = tpu.memref_slice %arg3[%add3A, %dma_start3A, %dma_start3A_1] : memref<32x80x128xi32, #tpu.memory_space<hbm>> -> memref<1x80x128xi32, #tpu.memory_space<hbm>>
    %dma_start3A_3 = tpu.memref_squeeze %dma_start3A_2 : memref<1x80x128xi32, #tpu.memory_space<hbm>> -> memref<80x128xi32, #tpu.memory_space<hbm>>
    %dma_start3A_4 = arith.constant 0 : i32
    %dma_start3A_5 = arith.constant 0 : i32
    %dma_start3A_6 = tpu.memref_slice %dma_start3A_3[%dma_start3A_4, %dma_start3A_5] : memref<80x128xi32, #tpu.memory_space<hbm>> -> memref<40x128xi32, #tpu.memory_space<hbm>>
    %dma_start3A_7 = arith.constant 0 : i32
    %dma_start3A_8 = arith.constant 0 : i32
    %dma_start3A_9 = tpu.memref_slice %arg3[%add3A, %dma_start3A_7, %dma_start3A_8] : memref<32x80x128xi32, #tpu.memory_space<hbm>> -> memref<1x80x128xi32, #tpu.memory_space<hbm>>
    %dma_start3A_10 = tpu.memref_squeeze %dma_start3A_9 : memref<1x80x128xi32, #tpu.memory_space<hbm>> -> memref<80x128xi32, #tpu.memory_space<hbm>>
    %dma_start3A_11 = arith.constant 0 : i32
    %dma_start3A_12 = arith.constant 0 : i32
    %dma_start3A_13 = tpu.memref_slice %dma_start3A_10[%dma_start3A_11, %dma_start3A_12] : memref<80x128xi32, #tpu.memory_space<hbm>> -> memref<40x128xi32, #tpu.memory_space<hbm>>
    tpu.enqueue_dma source(%dma_start3A_13 : memref<40x128xi32, #tpu.memory_space<hbm>>) target(%arg7 : memref<40x128xi32, #tpu.memory_space<vmem>>) target_semaphore(%arg12 : memref<!tpu.dma_semaphore, #tpu.memory_space<semaphore_mem>>)
    %dma_start3A_14 = arith.constant 0 : i32
    %dma_start3A_15 = arith.constant 0 : i32
    %dma_start3A_16 = tpu.memref_slice %arg4[%add3A, %dma_start3A_14, %dma_start3A_15] : memref<32x80x128xi32, #tpu.memory_space<hbm>> -> memref<1x80x128xi32, #tpu.memory_space<hbm>>
    %dma_start3A_17 = tpu.memref_squeeze %dma_start3A_16 : memref<1x80x128xi32, #tpu.memory_space<hbm>> -> memref<80x128xi32, #tpu.memory_space<hbm>>
    %dma_start3A_18 = arith.constant 0 : i32
    %dma_start3A_19 = arith.constant 0 : i32
    %dma_start3A_20 = tpu.memref_slice %dma_start3A_17[%dma_start3A_18, %dma_start3A_19] : memref<80x128xi32, #tpu.memory_space<hbm>> -> memref<40x128xi32, #tpu.memory_space<hbm>>
    %dma_start3A_21 = arith.constant 0 : i32
    %dma_start3A_22 = arith.constant 0 : i32
    %dma_start3A_23 = tpu.memref_slice %arg4[%add3A, %dma_start3A_21, %dma_start3A_22] : memref<32x80x128xi32, #tpu.memory_space<hbm>> -> memref<1x80x128xi32, #tpu.memory_space<hbm>>
    %dma_start3A_24 = tpu.memref_squeeze %dma_start3A_23 : memref<1x80x128xi32, #tpu.memory_space<hbm>> -> memref<80x128xi32, #tpu.memory_space<hbm>>
    %dma_start3A_25 = arith.constant 0 : i32
    %dma_start3A_26 = arith.constant 0 : i32
    %dma_start3A_27 = tpu.memref_slice %dma_start3A_24[%dma_start3A_25, %dma_start3A_26] : memref<80x128xi32, #tpu.memory_space<hbm>> -> memref<40x128xi32, #tpu.memory_space<hbm>>
    tpu.enqueue_dma source(%dma_start3A_27 : memref<40x128xi32, #tpu.memory_space<hbm>>) target(%arg8 : memref<40x128xi32, #tpu.memory_space<vmem>>) target_semaphore(%arg13 : memref<!tpu.dma_semaphore, #tpu.memory_space<semaphore_mem>>)
    "tpu.region"() ({
      %run_scoped3A = tpu.sem_alloc : memref<!tpu.dma_semaphore, #tpu.memory_space<semaphore_mem>>
      tpu.enqueue_dma source(%arg5 : memref<128x128xf32, #tpu.memory_space<hbm>>) target(%arg10 : memref<128x128xf32, #tpu.memory_space<vmem>>) target_semaphore(%run_scoped3A : memref<!tpu.dma_semaphore, #tpu.memory_space<semaphore_mem>>)
      tpu.wait_dma2 semaphore(%run_scoped3A : memref<!tpu.dma_semaphore, #tpu.memory_space<semaphore_mem>>) src(%arg5 : memref<128x128xf32, #tpu.memory_space<hbm>>) dst(%arg10 : memref<128x128xf32, #tpu.memory_space<vmem>>)
      tpu.yield
    }) : () -> ()
    %mul3A_28 = arith.constant 640 : i32
    %mul3A_29 = arith.muli %arg1, %mul3A_28 : i32
    %add3A_30 = arith.constant 0 : i32
    %add3A_31 = arith.addi %mul3A_29, %add3A_30 : i32
    %dma_start3A_32 = arith.constant 0 : i32
    %dma_start3A_33 = tpu.memref_slice %arg11[%add3A_31, %dma_start3A_32] : memref<10240x128xf32, #tpu.memory_space<vmem_shared>> -> memref<128x128xf32, #tpu.memory_space<vmem_shared>>
    %dma_start3A_34 = arith.constant 0 : i32
    %dma_start3A_35 = tpu.memref_slice %arg11[%add3A_31, %dma_start3A_34] : memref<10240x128xf32, #tpu.memory_space<vmem_shared>> -> memref<128x128xf32, #tpu.memory_space<vmem_shared>>
    tpu.enqueue_dma source(%arg10 : memref<128x128xf32, #tpu.memory_space<vmem>>) target(%dma_start3A_35 : memref<128x128xf32, #tpu.memory_space<vmem_shared>>) target_semaphore(%arg14 : memref<!tpu.dma_semaphore, #tpu.memory_space<semaphore_mem>>)
    %mul3A_36 = arith.constant 640 : i32
    %mul3A_37 = arith.muli %arg1, %mul3A_36 : i32
    %add3A_38 = arith.constant 128 : i32
    %add3A_39 = arith.addi %mul3A_37, %add3A_38 : i32
    %dma_start3A_40 = arith.constant 0 : i32
    %dma_start3A_41 = tpu.memref_slice %arg11[%add3A_39, %dma_start3A_40] : memref<10240x128xf32, #tpu.memory_space<vmem_shared>> -> memref<128x128xf32, #tpu.memory_space<vmem_shared>>
    %dma_start3A_42 = arith.constant 0 : i32
    %dma_start3A_43 = tpu.memref_slice %arg11[%add3A_39, %dma_start3A_42] : memref<10240x128xf32, #tpu.memory_space<vmem_shared>> -> memref<128x128xf32, #tpu.memory_space<vmem_shared>>
    tpu.enqueue_dma source(%arg10 : memref<128x128xf32, #tpu.memory_space<vmem>>) target(%dma_start3A_43 : memref<128x128xf32, #tpu.memory_space<vmem_shared>>) target_semaphore(%arg14 : memref<!tpu.dma_semaphore, #tpu.memory_space<semaphore_mem>>)
    %mul3A_44 = arith.constant 640 : i32
    %mul3A_45 = arith.muli %arg1, %mul3A_44 : i32
    %add3A_46 = arith.constant 256 : i32
    %add3A_47 = arith.addi %mul3A_45, %add3A_46 : i32
    %dma_start3A_48 = arith.constant 0 : i32
    %dma_start3A_49 = tpu.memref_slice %arg11[%add3A_47, %dma_start3A_48] : memref<10240x128xf32, #tpu.memory_space<vmem_shared>> -> memref<128x128xf32, #tpu.memory_space<vmem_shared>>
    %dma_start3A_50 = arith.constant 0 : i32
    %dma_start3A_51 = tpu.memref_slice %arg11[%add3A_47, %dma_start3A_50] : memref<10240x128xf32, #tpu.memory_space<vmem_shared>> -> memref<128x128xf32, #tpu.memory_space<vmem_shared>>
    tpu.enqueue_dma source(%arg10 : memref<128x128xf32, #tpu.memory_space<vmem>>) target(%dma_start3A_51 : memref<128x128xf32, #tpu.memory_space<vmem_shared>>) target_semaphore(%arg14 : memref<!tpu.dma_semaphore, #tpu.memory_space<semaphore_mem>>)
    %mul3A_52 = arith.constant 640 : i32
    %mul3A_53 = arith.muli %arg1, %mul3A_52 : i32
    %add3A_54 = arith.constant 384 : i32
    %add3A_55 = arith.addi %mul3A_53, %add3A_54 : i32
    %dma_start3A_56 = arith.constant 0 : i32
    %dma_start3A_57 = tpu.memref_slice %arg11[%add3A_55, %dma_start3A_56] : memref<10240x128xf32, #tpu.memory_space<vmem_shared>> -> memref<128x128xf32, #tpu.memory_space<vmem_shared>>
    %dma_start3A_58 = arith.constant 0 : i32
    %dma_start3A_59 = tpu.memref_slice %arg11[%add3A_55, %dma_start3A_58] : memref<10240x128xf32, #tpu.memory_space<vmem_shared>> -> memref<128x128xf32, #tpu.memory_space<vmem_shared>>
    tpu.enqueue_dma source(%arg10 : memref<128x128xf32, #tpu.memory_space<vmem>>) target(%dma_start3A_59 : memref<128x128xf32, #tpu.memory_space<vmem_shared>>) target_semaphore(%arg14 : memref<!tpu.dma_semaphore, #tpu.memory_space<semaphore_mem>>)
    %mul3A_60 = arith.constant 640 : i32
    %mul3A_61 = arith.muli %arg1, %mul3A_60 : i32
    %add3A_62 = arith.constant 512 : i32
    %add3A_63 = arith.addi %mul3A_61, %add3A_62 : i32
    %dma_start3A_64 = arith.constant 0 : i32
    %dma_start3A_65 = tpu.memref_slice %arg11[%add3A_63, %dma_start3A_64] : memref<10240x128xf32, #tpu.memory_space<vmem_shared>> -> memref<128x128xf32, #tpu.memory_space<vmem_shared>>
    %dma_start3A_66 = arith.constant 0 : i32
    %dma_start3A_67 = tpu.memref_slice %arg11[%add3A_63, %dma_start3A_66] : memref<10240x128xf32, #tpu.memory_space<vmem_shared>> -> memref<128x128xf32, #tpu.memory_space<vmem_shared>>
    tpu.enqueue_dma source(%arg10 : memref<128x128xf32, #tpu.memory_space<vmem>>) target(%dma_start3A_67 : memref<128x128xf32, #tpu.memory_space<vmem_shared>>) target_semaphore(%arg14 : memref<!tpu.dma_semaphore, #tpu.memory_space<semaphore_mem>>)
    %dma_wait3A = arith.constant 0 : i32
    %dma_wait3A_68 = tpu.memref_slice %arg11[%add3A_31, %dma_wait3A] : memref<10240x128xf32, #tpu.memory_space<vmem_shared>> -> memref<128x128xf32, #tpu.memory_space<vmem_shared>>
    %dma_wait3A_69 = arith.constant 0 : i32
    %dma_wait3A_70 = tpu.memref_slice %arg11[%add3A_31, %dma_wait3A_69] : memref<10240x128xf32, #tpu.memory_space<vmem_shared>> -> memref<128x128xf32, #tpu.memory_space<vmem_shared>>
    tpu.wait_dma2 semaphore(%arg14 : memref<!tpu.dma_semaphore, #tpu.memory_space<semaphore_mem>>) src(%arg10 : memref<128x128xf32, #tpu.memory_space<vmem>>) dst(%dma_wait3A_70 : memref<128x128xf32, #tpu.memory_space<vmem_shared>>)
    %dma_wait3A_71 = arith.constant 0 : i32
    %dma_wait3A_72 = tpu.memref_slice %arg11[%add3A_39, %dma_wait3A_71] : memref<10240x128xf32, #tpu.memory_space<vmem_shared>> -> memref<128x128xf32, #tpu.memory_space<vmem_shared>>
    %dma_wait3A_73 = arith.constant 0 : i32
    %dma_wait3A_74 = tpu.memref_slice %arg11[%add3A_39, %dma_wait3A_73] : memref<10240x128xf32, #tpu.memory_space<vmem_shared>> -> memref<128x128xf32, #tpu.memory_space<vmem_shared>>
    tpu.wait_dma2 semaphore(%arg14 : memref<!tpu.dma_semaphore, #tpu.memory_space<semaphore_mem>>) src(%arg10 : memref<128x128xf32, #tpu.memory_space<vmem>>) dst(%dma_wait3A_74 : memref<128x128xf32, #tpu.memory_space<vmem_shared>>)
    %dma_wait3A_75 = arith.constant 0 : i32
    %dma_wait3A_76 = tpu.memref_slice %arg11[%add3A_47, %dma_wait3A_75] : memref<10240x128xf32, #tpu.memory_space<vmem_shared>> -> memref<128x128xf32, #tpu.memory_space<vmem_shared>>
    %dma_wait3A_77 = arith.constant 0 : i32
    %dma_wait3A_78 = tpu.memref_slice %arg11[%add3A_47, %dma_wait3A_77] : memref<10240x128xf32, #tpu.memory_space<vmem_shared>> -> memref<128x128xf32, #tpu.memory_space<vmem_shared>>
    tpu.wait_dma2 semaphore(%arg14 : memref<!tpu.dma_semaphore, #tpu.memory_space<semaphore_mem>>) src(%arg10 : memref<128x128xf32, #tpu.memory_space<vmem>>) dst(%dma_wait3A_78 : memref<128x128xf32, #tpu.memory_space<vmem_shared>>)
    %dma_wait3A_79 = arith.constant 0 : i32
    %dma_wait3A_80 = tpu.memref_slice %arg11[%add3A_55, %dma_wait3A_79] : memref<10240x128xf32, #tpu.memory_space<vmem_shared>> -> memref<128x128xf32, #tpu.memory_space<vmem_shared>>
    %dma_wait3A_81 = arith.constant 0 : i32
    %dma_wait3A_82 = tpu.memref_slice %arg11[%add3A_55, %dma_wait3A_81] : memref<10240x128xf32, #tpu.memory_space<vmem_shared>> -> memref<128x128xf32, #tpu.memory_space<vmem_shared>>
    tpu.wait_dma2 semaphore(%arg14 : memref<!tpu.dma_semaphore, #tpu.memory_space<semaphore_mem>>) src(%arg10 : memref<128x128xf32, #tpu.memory_space<vmem>>) dst(%dma_wait3A_82 : memref<128x128xf32, #tpu.memory_space<vmem_shared>>)
    %dma_wait3A_83 = arith.constant 0 : i32
    %dma_wait3A_84 = tpu.memref_slice %arg11[%add3A_63, %dma_wait3A_83] : memref<10240x128xf32, #tpu.memory_space<vmem_shared>> -> memref<128x128xf32, #tpu.memory_space<vmem_shared>>
    %dma_wait3A_85 = arith.constant 0 : i32
    %dma_wait3A_86 = tpu.memref_slice %arg11[%add3A_63, %dma_wait3A_85] : memref<10240x128xf32, #tpu.memory_space<vmem_shared>> -> memref<128x128xf32, #tpu.memory_space<vmem_shared>>
    tpu.wait_dma2 semaphore(%arg14 : memref<!tpu.dma_semaphore, #tpu.memory_space<semaphore_mem>>) src(%arg10 : memref<128x128xf32, #tpu.memory_space<vmem>>) dst(%dma_wait3A_86 : memref<128x128xf32, #tpu.memory_space<vmem_shared>>)
    %dma_wait3A_87 = arith.constant 0 : i32
    %dma_wait3A_88 = arith.constant 0 : i32
    %dma_wait3A_89 = tpu.memref_slice %arg3[%add3A, %dma_wait3A_87, %dma_wait3A_88] : memref<32x80x128xi32, #tpu.memory_space<hbm>> -> memref<1x80x128xi32, #tpu.memory_space<hbm>>
    %dma_wait3A_90 = tpu.memref_squeeze %dma_wait3A_89 : memref<1x80x128xi32, #tpu.memory_space<hbm>> -> memref<80x128xi32, #tpu.memory_space<hbm>>
    %dma_wait3A_91 = arith.constant 0 : i32
    %dma_wait3A_92 = arith.constant 0 : i32
    %dma_wait3A_93 = tpu.memref_slice %dma_wait3A_90[%dma_wait3A_91, %dma_wait3A_92] : memref<80x128xi32, #tpu.memory_space<hbm>> -> memref<40x128xi32, #tpu.memory_space<hbm>>
    %dma_wait3A_94 = arith.constant 0 : i32
    %dma_wait3A_95 = arith.constant 0 : i32
    %dma_wait3A_96 = tpu.memref_slice %arg3[%add3A, %dma_wait3A_94, %dma_wait3A_95] : memref<32x80x128xi32, #tpu.memory_space<hbm>> -> memref<1x80x128xi32, #tpu.memory_space<hbm>>
    %dma_wait3A_97 = tpu.memref_squeeze %dma_wait3A_96 : memref<1x80x128xi32, #tpu.memory_space<hbm>> -> memref<80x128xi32, #tpu.memory_space<hbm>>
    %dma_wait3A_98 = arith.constant 0 : i32
    %dma_wait3A_99 = arith.constant 0 : i32
    %dma_wait3A_100 = tpu.memref_slice %dma_wait3A_97[%dma_wait3A_98, %dma_wait3A_99] : memref<80x128xi32, #tpu.memory_space<hbm>> -> memref<40x128xi32, #tpu.memory_space<hbm>>
    tpu.wait_dma2 semaphore(%arg12 : memref<!tpu.dma_semaphore, #tpu.memory_space<semaphore_mem>>) src(%dma_wait3A_100 : memref<40x128xi32, #tpu.memory_space<hbm>>) dst(%arg7 : memref<40x128xi32, #tpu.memory_space<vmem>>)
    %dma_wait3A_101 = arith.constant 0 : i32
    %dma_wait3A_102 = arith.constant 0 : i32
    %dma_wait3A_103 = tpu.memref_slice %arg4[%add3A, %dma_wait3A_101, %dma_wait3A_102] : memref<32x80x128xi32, #tpu.memory_space<hbm>> -> memref<1x80x128xi32, #tpu.memory_space<hbm>>
    %dma_wait3A_104 = tpu.memref_squeeze %dma_wait3A_103 : memref<1x80x128xi32, #tpu.memory_space<hbm>> -> memref<80x128xi32, #tpu.memory_space<hbm>>
    %dma_wait3A_105 = arith.constant 0 : i32
    %dma_wait3A_106 = arith.constant 0 : i32
    %dma_wait3A_107 = tpu.memref_slice %dma_wait3A_104[%dma_wait3A_105, %dma_wait3A_106] : memref<80x128xi32, #tpu.memory_space<hbm>> -> memref<40x128xi32, #tpu.memory_space<hbm>>
    %dma_wait3A_108 = arith.constant 0 : i32
    %dma_wait3A_109 = arith.constant 0 : i32
    %dma_wait3A_110 = tpu.memref_slice %arg4[%add3A, %dma_wait3A_108, %dma_wait3A_109] : memref<32x80x128xi32, #tpu.memory_space<hbm>> -> memref<1x80x128xi32, #tpu.memory_space<hbm>>
    %dma_wait3A_111 = tpu.memref_squeeze %dma_wait3A_110 : memref<1x80x128xi32, #tpu.memory_space<hbm>> -> memref<80x128xi32, #tpu.memory_space<hbm>>
    %dma_wait3A_112 = arith.constant 0 : i32
    %dma_wait3A_113 = arith.constant 0 : i32
    %dma_wait3A_114 = tpu.memref_slice %dma_wait3A_111[%dma_wait3A_112, %dma_wait3A_113] : memref<80x128xi32, #tpu.memory_space<hbm>> -> memref<40x128xi32, #tpu.memory_space<hbm>>
    tpu.wait_dma2 semaphore(%arg13 : memref<!tpu.dma_semaphore, #tpu.memory_space<semaphore_mem>>) src(%dma_wait3A_114 : memref<40x128xi32, #tpu.memory_space<hbm>>) dst(%arg8 : memref<40x128xi32, #tpu.memory_space<vmem>>)
    %barrier3A = arith.constant 0 : index
    tpu.barrier barrier_id(%barrier3A)
    %dma_start3A_115 = arith.constant 0 : i32
    %dma_start3A_116 = arith.constant 0 : i32
    %dma_start3A_117 = tpu.memref_slice %arg7[%dma_start3A_115, %dma_start3A_116] : memref<40x128xi32, #tpu.memory_space<vmem>> -> memref<1x128xi32, #tpu.memory_space<vmem>>
    %dma_start3A_118 = tpu.memref_squeeze %dma_start3A_117 : memref<1x128xi32, #tpu.memory_space<vmem>> -> memref<128xi32, #tpu.memory_space<vmem>>
    %dma_start3A_119 = arith.constant 0 : i32
    %dma_start3A_120 = arith.constant 0 : i32
    %dma_start3A_121 = tpu.memref_slice %arg2[%dma_start3A_119, %dma_start3A_120] : memref<10000x128xf32, #tpu.memory_space<hbm>> -> memref<10000x128xf32, #tpu.memory_space<hbm>>
    tpu.enqueue_indirect_dma source(%dma_start3A_121 : memref<10000x128xf32, #tpu.memory_space<hbm>>) target(%arg9 : memref<128x128xf32, #tpu.memory_space<vmem>>) offsets(%dma_start3A_118 : memref<128xi32, #tpu.memory_space<vmem>>) semaphore(%arg12 : memref<!tpu.dma_semaphore, #tpu.memory_space<semaphore_mem>>)
    %scan3A = arith.constant 0 : i32
    %scan3A_122 = arith.constant 0 : i32
    %scan3A_123 = arith.constant 20 : i32
    %scan3A_124 = arith.addi %scan3A_122, %scan3A_123 : i32
    %scan3A_125 = arith.constant 1 : i32
    scf.for %scan3A_147 = %scan3A_122 to %scan3A_124 step %scan3A_125  : i32 {
      %mul3A_148 = arith.constant 2 : i32
      %mul3A_149 = arith.muli %scan3A_147, %mul3A_148 : i32
      %add3A_150 = arith.constant 1 : i32
      %add3A_151 = arith.addi %mul3A_149, %add3A_150 : i32
      %dma_start3A_152 = arith.constant 0 : i32
      %dma_start3A_153 = tpu.memref_slice %arg7[%add3A_151, %dma_start3A_152] : memref<40x128xi32, #tpu.memory_space<vmem>> -> memref<1x128xi32, #tpu.memory_space<vmem>>
      %dma_start3A_154 = tpu.memref_squeeze %dma_start3A_153 : memref<1x128xi32, #tpu.memory_space<vmem>> -> memref<128xi32, #tpu.memory_space<vmem>>
      %dma_start3A_155 = arith.constant 0 : i32
      %dma_start3A_156 = arith.constant 0 : i32
      %dma_start3A_157 = tpu.memref_slice %arg2[%dma_start3A_155, %dma_start3A_156] : memref<10000x128xf32, #tpu.memory_space<hbm>> -> memref<10000x128xf32, #tpu.memory_space<hbm>>
      tpu.enqueue_indirect_dma source(%dma_start3A_157 : memref<10000x128xf32, #tpu.memory_space<hbm>>) target(%arg10 : memref<128x128xf32, #tpu.memory_space<vmem>>) offsets(%dma_start3A_154 : memref<128xi32, #tpu.memory_space<vmem>>) semaphore(%arg13 : memref<!tpu.dma_semaphore, #tpu.memory_space<semaphore_mem>>)
      %dma_wait3A_158 = arith.constant 0 : i32
      %dma_wait3A_159 = arith.constant 0 : i32
      %dma_wait3A_160 = tpu.memref_slice %arg7[%dma_wait3A_158, %dma_wait3A_159] : memref<40x128xi32, #tpu.memory_space<vmem>> -> memref<1x128xi32, #tpu.memory_space<vmem>>
      %dma_wait3A_161 = tpu.memref_squeeze %dma_wait3A_160 : memref<1x128xi32, #tpu.memory_space<vmem>> -> memref<128xi32, #tpu.memory_space<vmem>>
      %dma_wait3A_162 = arith.constant 0 : i32
      %dma_wait3A_163 = arith.constant 0 : i32
      %dma_wait3A_164 = tpu.memref_slice %arg2[%dma_wait3A_162, %dma_wait3A_163] : memref<10000x128xf32, #tpu.memory_space<hbm>> -> memref<10000x128xf32, #tpu.memory_space<hbm>>
      tpu.wait_indirect_dma semaphore(%arg12 : memref<!tpu.dma_semaphore, #tpu.memory_space<semaphore_mem>>) src(%dma_wait3A_164 : memref<10000x128xf32, #tpu.memory_space<hbm>>) dst(%arg9 : memref<128x128xf32, #tpu.memory_space<vmem>>)
      "tpu.region"() ({
        %run_scoped3A = tpu.sem_alloc : memref<!tpu.dma_semaphore, #tpu.memory_space<semaphore_mem>>
        %dma_start3A_179 = arith.constant 0 : i32
        %dma_start3A_180 = tpu.memref_slice %arg8[%mul3A_149, %dma_start3A_179] : memref<40x128xi32, #tpu.memory_space<vmem>> -> memref<1x128xi32, #tpu.memory_space<vmem>>
        %dma_start3A_181 = tpu.memref_squeeze %dma_start3A_180 : memref<1x128xi32, #tpu.memory_space<vmem>> -> memref<128xi32, #tpu.memory_space<vmem>>
        %dma_start3A_182 = arith.constant 0 : i32
        %dma_start3A_183 = arith.constant 0 : i32
        %dma_start3A_184 = tpu.memref_slice %arg11[%dma_start3A_182, %dma_start3A_183] : memref<10240x128xf32, #tpu.memory_space<vmem_shared>> -> memref<10240x128xf32, #tpu.memory_space<vmem_shared>>
        tpu.enqueue_indirect_dma source(%arg9 : memref<128x128xf32, #tpu.memory_space<vmem>>) target(%dma_start3A_184 : memref<10240x128xf32, #tpu.memory_space<vmem_shared>>) offsets(%dma_start3A_181 : memref<128xi32, #tpu.memory_space<vmem>>) semaphore(%run_scoped3A : memref<!tpu.dma_semaphore, #tpu.memory_space<semaphore_mem>>) {add = true}
        %dma_wait3A_185 = arith.constant 0 : i32
        %dma_wait3A_186 = tpu.memref_slice %arg8[%mul3A_149, %dma_wait3A_185] : memref<40x128xi32, #tpu.memory_space<vmem>> -> memref<1x128xi32, #tpu.memory_space<vmem>>
        %dma_wait3A_187 = tpu.memref_squeeze %dma_wait3A_186 : memref<1x128xi32, #tpu.memory_space<vmem>> -> memref<128xi32, #tpu.memory_space<vmem>>
        %dma_wait3A_188 = arith.constant 0 : i32
        %dma_wait3A_189 = arith.constant 0 : i32
        %dma_wait3A_190 = tpu.memref_slice %arg11[%dma_wait3A_188, %dma_wait3A_189] : memref<10240x128xf32, #tpu.memory_space<vmem_shared>> -> memref<10240x128xf32, #tpu.memory_space<vmem_shared>>
        tpu.wait_indirect_dma semaphore(%run_scoped3A : memref<!tpu.dma_semaphore, #tpu.memory_space<semaphore_mem>>) src(%arg9 : memref<128x128xf32, #tpu.memory_space<vmem>>) dst(%dma_wait3A_190 : memref<10240x128xf32, #tpu.memory_space<vmem_shared>>)
        tpu.yield
      }) : () -> ()
      %add3A_165 = arith.constant 2 : i32
      %add3A_166 = arith.addi %mul3A_149, %add3A_165 : i32
      %lt3A_167 = arith.constant 40 : i32
      %lt3A_168 = arith.cmpi slt, %add3A_166, %lt3A_167 : i32
      %convert_element_type3A_169 = arith.extui %lt3A_168 : i1 to i32
      %cond3A_170 = arith.constant 0 : i32
      %cond3A_171 = arith.cmpi ne, %convert_element_type3A_169, %cond3A_170 : i32
      scf.if %cond3A_171 {
        %add3A_179 = arith.constant 2 : i32
        %add3A_180 = arith.addi %mul3A_149, %add3A_179 : i32
        %dma_start3A_181 = arith.constant 0 : i32
        %dma_start3A_182 = tpu.memref_slice %arg7[%add3A_180, %dma_start3A_181] : memref<40x128xi32, #tpu.memory_space<vmem>> -> memref<1x128xi32, #tpu.memory_space<vmem>>
        %dma_start3A_183 = tpu.memref_squeeze %dma_start3A_182 : memref<1x128xi32, #tpu.memory_space<vmem>> -> memref<128xi32, #tpu.memory_space<vmem>>
        %dma_start3A_184 = arith.constant 0 : i32
        %dma_start3A_185 = arith.constant 0 : i32
        %dma_start3A_186 = tpu.memref_slice %arg2[%dma_start3A_184, %dma_start3A_185] : memref<10000x128xf32, #tpu.memory_space<hbm>> -> memref<10000x128xf32, #tpu.memory_space<hbm>>
        tpu.enqueue_indirect_dma source(%dma_start3A_186 : memref<10000x128xf32, #tpu.memory_space<hbm>>) target(%arg9 : memref<128x128xf32, #tpu.memory_space<vmem>>) offsets(%dma_start3A_183 : memref<128xi32, #tpu.memory_space<vmem>>) semaphore(%arg12 : memref<!tpu.dma_semaphore, #tpu.memory_space<semaphore_mem>>)
      } else {
      }
      %dma_wait3A_172 = arith.constant 0 : i32
      %dma_wait3A_173 = arith.constant 0 : i32
      %dma_wait3A_174 = tpu.memref_slice %arg7[%dma_wait3A_172, %dma_wait3A_173] : memref<40x128xi32, #tpu.memory_space<vmem>> -> memref<1x128xi32, #tpu.memory_space<vmem>>
      %dma_wait3A_175 = tpu.memref_squeeze %dma_wait3A_174 : memref<1x128xi32, #tpu.memory_space<vmem>> -> memref<128xi32, #tpu.memory_space<vmem>>
      %dma_wait3A_176 = arith.constant 0 : i32
      %dma_wait3A_177 = arith.constant 0 : i32
      %dma_wait3A_178 = tpu.memref_slice %arg2[%dma_wait3A_176, %dma_wait3A_177] : memref<10000x128xf32, #tpu.memory_space<hbm>> -> memref<10000x128xf32, #tpu.memory_space<hbm>>
      tpu.wait_indirect_dma semaphore(%arg13 : memref<!tpu.dma_semaphore, #tpu.memory_space<semaphore_mem>>) src(%dma_wait3A_178 : memref<10000x128xf32, #tpu.memory_space<hbm>>) dst(%arg10 : memref<128x128xf32, #tpu.memory_space<vmem>>)
      "tpu.region"() ({
        %run_scoped3A = tpu.sem_alloc : memref<!tpu.dma_semaphore, #tpu.memory_space<semaphore_mem>>
        %dma_start3A_179 = arith.constant 0 : i32
        %dma_start3A_180 = tpu.memref_slice %arg8[%add3A_151, %dma_start3A_179] : memref<40x128xi32, #tpu.memory_space<vmem>> -> memref<1x128xi32, #tpu.memory_space<vmem>>
        %dma_start3A_181 = tpu.memref_squeeze %dma_start3A_180 : memref<1x128xi32, #tpu.memory_space<vmem>> -> memref<128xi32, #tpu.memory_space<vmem>>
        %dma_start3A_182 = arith.constant 0 : i32
        %dma_start3A_183 = arith.constant 0 : i32
        %dma_start3A_184 = tpu.memref_slice %arg11[%dma_start3A_182, %dma_start3A_183] : memref<10240x128xf32, #tpu.memory_space<vmem_shared>> -> memref<10240x128xf32, #tpu.memory_space<vmem_shared>>
        tpu.enqueue_indirect_dma source(%arg10 : memref<128x128xf32, #tpu.memory_space<vmem>>) target(%dma_start3A_184 : memref<10240x128xf32, #tpu.memory_space<vmem_shared>>) offsets(%dma_start3A_181 : memref<128xi32, #tpu.memory_space<vmem>>) semaphore(%run_scoped3A : memref<!tpu.dma_semaphore, #tpu.memory_space<semaphore_mem>>) {add = true}
        %dma_wait3A_185 = arith.constant 0 : i32
        %dma_wait3A_186 = tpu.memref_slice %arg8[%add3A_151, %dma_wait3A_185] : memref<40x128xi32, #tpu.memory_space<vmem>> -> memref<1x128xi32, #tpu.memory_space<vmem>>
        %dma_wait3A_187 = tpu.memref_squeeze %dma_wait3A_186 : memref<1x128xi32, #tpu.memory_space<vmem>> -> memref<128xi32, #tpu.memory_space<vmem>>
        %dma_wait3A_188 = arith.constant 0 : i32
        %dma_wait3A_189 = arith.constant 0 : i32
        %dma_wait3A_190 = tpu.memref_slice %arg11[%dma_wait3A_188, %dma_wait3A_189] : memref<10240x128xf32, #tpu.memory_space<vmem_shared>> -> memref<10240x128xf32, #tpu.memory_space<vmem_shared>>
        tpu.wait_indirect_dma semaphore(%run_scoped3A : memref<!tpu.dma_semaphore, #tpu.memory_space<semaphore_mem>>) src(%arg10 : memref<128x128xf32, #tpu.memory_space<vmem>>) dst(%dma_wait3A_190 : memref<10240x128xf32, #tpu.memory_space<vmem_shared>>)
        tpu.yield
      }) : () -> ()
    }
    %scan3A_126 = arith.constant 20 : i32
    "tpu.region"() ({
      %run_scoped3A = tpu.sem_alloc : memref<!tpu.dma_semaphore, #tpu.memory_space<semaphore_mem>>
      %dma_start3A_147 = arith.constant 0 : i32
      %dma_start3A_148 = arith.constant 0 : i32
      %dma_start3A_149 = tpu.memref_slice %arg3[%add3A, %dma_start3A_147, %dma_start3A_148] : memref<32x80x128xi32, #tpu.memory_space<hbm>> -> memref<1x80x128xi32, #tpu.memory_space<hbm>>
      %dma_start3A_150 = tpu.memref_squeeze %dma_start3A_149 : memref<1x80x128xi32, #tpu.memory_space<hbm>> -> memref<80x128xi32, #tpu.memory_space<hbm>>
      %dma_start3A_151 = arith.constant 40 : i32
      %dma_start3A_152 = arith.constant 0 : i32
      %dma_start3A_153 = tpu.memref_slice %dma_start3A_150[%dma_start3A_151, %dma_start3A_152] : memref<80x128xi32, #tpu.memory_space<hbm>> -> memref<40x128xi32, #tpu.memory_space<hbm>>
      %dma_start3A_154 = arith.constant 0 : i32
      %dma_start3A_155 = arith.constant 0 : i32
      %dma_start3A_156 = tpu.memref_slice %arg3[%add3A, %dma_start3A_154, %dma_start3A_155] : memref<32x80x128xi32, #tpu.memory_space<hbm>> -> memref<1x80x128xi32, #tpu.memory_space<hbm>>
      %dma_start3A_157 = tpu.memref_squeeze %dma_start3A_156 : memref<1x80x128xi32, #tpu.memory_space<hbm>> -> memref<80x128xi32, #tpu.memory_space<hbm>>
      %dma_start3A_158 = arith.constant 40 : i32
      %dma_start3A_159 = arith.constant 0 : i32
      %dma_start3A_160 = tpu.memref_slice %dma_start3A_157[%dma_start3A_158, %dma_start3A_159] : memref<80x128xi32, #tpu.memory_space<hbm>> -> memref<40x128xi32, #tpu.memory_space<hbm>>
      tpu.enqueue_dma source(%dma_start3A_160 : memref<40x128xi32, #tpu.memory_space<hbm>>) target(%arg7 : memref<40x128xi32, #tpu.memory_space<vmem>>) target_semaphore(%run_scoped3A : memref<!tpu.dma_semaphore, #tpu.memory_space<semaphore_mem>>)
      %dma_wait3A_161 = arith.constant 0 : i32
      %dma_wait3A_162 = arith.constant 0 : i32
      %dma_wait3A_163 = tpu.memref_slice %arg3[%add3A, %dma_wait3A_161, %dma_wait3A_162] : memref<32x80x128xi32, #tpu.memory_space<hbm>> -> memref<1x80x128xi32, #tpu.memory_space<hbm>>
      %dma_wait3A_164 = tpu.memref_squeeze %dma_wait3A_163 : memref<1x80x128xi32, #tpu.memory_space<hbm>> -> memref<80x128xi32, #tpu.memory_space<hbm>>
      %dma_wait3A_165 = arith.constant 40 : i32
      %dma_wait3A_166 = arith.constant 0 : i32
      %dma_wait3A_167 = tpu.memref_slice %dma_wait3A_164[%dma_wait3A_165, %dma_wait3A_166] : memref<80x128xi32, #tpu.memory_space<hbm>> -> memref<40x128xi32, #tpu.memory_space<hbm>>
      %dma_wait3A_168 = arith.constant 0 : i32
      %dma_wait3A_169 = arith.constant 0 : i32
      %dma_wait3A_170 = tpu.memref_slice %arg3[%add3A, %dma_wait3A_168, %dma_wait3A_169] : memref<32x80x128xi32, #tpu.memory_space<hbm>> -> memref<1x80x128xi32, #tpu.memory_space<hbm>>
      %dma_wait3A_171 = tpu.memref_squeeze %dma_wait3A_170 : memref<1x80x128xi32, #tpu.memory_space<hbm>> -> memref<80x128xi32, #tpu.memory_space<hbm>>
      %dma_wait3A_172 = arith.constant 40 : i32
      %dma_wait3A_173 = arith.constant 0 : i32
      %dma_wait3A_174 = tpu.memref_slice %dma_wait3A_171[%dma_wait3A_172, %dma_wait3A_173] : memref<80x128xi32, #tpu.memory_space<hbm>> -> memref<40x128xi32, #tpu.memory_space<hbm>>
      tpu.wait_dma2 semaphore(%run_scoped3A : memref<!tpu.dma_semaphore, #tpu.memory_space<semaphore_mem>>) src(%dma_wait3A_174 : memref<40x128xi32, #tpu.memory_space<hbm>>) dst(%arg7 : memref<40x128xi32, #tpu.memory_space<vmem>>)
      tpu.yield
    }) : () -> ()
    "tpu.region"() ({
      %run_scoped3A = tpu.sem_alloc : memref<!tpu.dma_semaphore, #tpu.memory_space<semaphore_mem>>
      %dma_start3A_147 = arith.constant 0 : i32
      %dma_start3A_148 = arith.constant 0 : i32
      %dma_start3A_149 = tpu.memref_slice %arg4[%add3A, %dma_start3A_147, %dma_start3A_148] : memref<32x80x128xi32, #tpu.memory_space<hbm>> -> memref<1x80x128xi32, #tpu.memory_space<hbm>>
      %dma_start3A_150 = tpu.memref_squeeze %dma_start3A_149 : memref<1x80x128xi32, #tpu.memory_space<hbm>> -> memref<80x128xi32, #tpu.memory_space<hbm>>
      %dma_start3A_151 = arith.constant 40 : i32
      %dma_start3A_152 = arith.constant 0 : i32
      %dma_start3A_153 = tpu.memref_slice %dma_start3A_150[%dma_start3A_151, %dma_start3A_152] : memref<80x128xi32, #tpu.memory_space<hbm>> -> memref<40x128xi32, #tpu.memory_space<hbm>>
      %dma_start3A_154 = arith.constant 0 : i32
      %dma_start3A_155 = arith.constant 0 : i32
      %dma_start3A_156 = tpu.memref_slice %arg4[%add3A, %dma_start3A_154, %dma_start3A_155] : memref<32x80x128xi32, #tpu.memory_space<hbm>> -> memref<1x80x128xi32, #tpu.memory_space<hbm>>
      %dma_start3A_157 = tpu.memref_squeeze %dma_start3A_156 : memref<1x80x128xi32, #tpu.memory_space<hbm>> -> memref<80x128xi32, #tpu.memory_space<hbm>>
      %dma_start3A_158 = arith.constant 40 : i32
      %dma_start3A_159 = arith.constant 0 : i32
      %dma_start3A_160 = tpu.memref_slice %dma_start3A_157[%dma_start3A_158, %dma_start3A_159] : memref<80x128xi32, #tpu.memory_space<hbm>> -> memref<40x128xi32, #tpu.memory_space<hbm>>
      tpu.enqueue_dma source(%dma_start3A_160 : memref<40x128xi32, #tpu.memory_space<hbm>>) target(%arg8 : memref<40x128xi32, #tpu.memory_space<vmem>>) target_semaphore(%run_scoped3A : memref<!tpu.dma_semaphore, #tpu.memory_space<semaphore_mem>>)
      %dma_wait3A_161 = arith.constant 0 : i32
      %dma_wait3A_162 = arith.constant 0 : i32
      %dma_wait3A_163 = tpu.memref_slice %arg4[%add3A, %dma_wait3A_161, %dma_wait3A_162] : memref<32x80x128xi32, #tpu.memory_space<hbm>> -> memref<1x80x128xi32, #tpu.memory_space<hbm>>
      %dma_wait3A_164 = tpu.memref_squeeze %dma_wait3A_163 : memref<1x80x128xi32, #tpu.memory_space<hbm>> -> memref<80x128xi32, #tpu.memory_space<hbm>>
      %dma_wait3A_165 = arith.constant 40 : i32
      %dma_wait3A_166 = arith.constant 0 : i32
      %dma_wait3A_167 = tpu.memref_slice %dma_wait3A_164[%dma_wait3A_165, %dma_wait3A_166] : memref<80x128xi32, #tpu.memory_space<hbm>> -> memref<40x128xi32, #tpu.memory_space<hbm>>
      %dma_wait3A_168 = arith.constant 0 : i32
      %dma_wait3A_169 = arith.constant 0 : i32
      %dma_wait3A_170 = tpu.memref_slice %arg4[%add3A, %dma_wait3A_168, %dma_wait3A_169] : memref<32x80x128xi32, #tpu.memory_space<hbm>> -> memref<1x80x128xi32, #tpu.memory_space<hbm>>
      %dma_wait3A_171 = tpu.memref_squeeze %dma_wait3A_170 : memref<1x80x128xi32, #tpu.memory_space<hbm>> -> memref<80x128xi32, #tpu.memory_space<hbm>>
      %dma_wait3A_172 = arith.constant 40 : i32
      %dma_wait3A_173 = arith.constant 0 : i32
      %dma_wait3A_174 = tpu.memref_slice %dma_wait3A_171[%dma_wait3A_172, %dma_wait3A_173] : memref<80x128xi32, #tpu.memory_space<hbm>> -> memref<40x128xi32, #tpu.memory_space<hbm>>
      tpu.wait_dma2 semaphore(%run_scoped3A : memref<!tpu.dma_semaphore, #tpu.memory_space<semaphore_mem>>) src(%dma_wait3A_174 : memref<40x128xi32, #tpu.memory_space<hbm>>) dst(%arg8 : memref<40x128xi32, #tpu.memory_space<vmem>>)
      tpu.yield
    }) : () -> ()
    %dma_start3A_127 = arith.constant 0 : i32
    %dma_start3A_128 = arith.constant 0 : i32
    %dma_start3A_129 = tpu.memref_slice %arg7[%dma_start3A_127, %dma_start3A_128] : memref<40x128xi32, #tpu.memory_space<vmem>> -> memref<1x128xi32, #tpu.memory_space<vmem>>
    %dma_start3A_130 = tpu.memref_squeeze %dma_start3A_129 : memref<1x128xi32, #tpu.memory_space<vmem>> -> memref<128xi32, #tpu.memory_space<vmem>>
    %dma_start3A_131 = arith.constant 0 : i32
    %dma_start3A_132 = arith.constant 0 : i32
    %dma_start3A_133 = tpu.memref_slice %arg2[%dma_start3A_131, %dma_start3A_132] : memref<10000x128xf32, #tpu.memory_space<hbm>> -> memref<10000x128xf32, #tpu.memory_space<hbm>>
    tpu.enqueue_indirect_dma source(%dma_start3A_133 : memref<10000x128xf32, #tpu.memory_space<hbm>>) target(%arg9 : memref<128x128xf32, #tpu.memory_space<vmem>>) offsets(%dma_start3A_130 : memref<128xi32, #tpu.memory_space<vmem>>) semaphore(%arg12 : memref<!tpu.dma_semaphore, #tpu.memory_space<semaphore_mem>>)
    %scan3A_134 = arith.constant 0 : i32
    %scan3A_135 = arith.constant 0 : i32
    %scan3A_136 = arith.constant 20 : i32
    %scan3A_137 = arith.addi %scan3A_135, %scan3A_136 : i32
    %scan3A_138 = arith.constant 1 : i32
    scf.for %scan3A_147 = %scan3A_135 to %scan3A_137 step %scan3A_138  : i32 {
      %mul3A_148 = arith.constant 2 : i32
      %mul3A_149 = arith.muli %scan3A_147, %mul3A_148 : i32
      %add3A_150 = arith.constant 1 : i32
      %add3A_151 = arith.addi %mul3A_149, %add3A_150 : i32
      %dma_start3A_152 = arith.constant 0 : i32
      %dma_start3A_153 = tpu.memref_slice %arg7[%add3A_151, %dma_start3A_152] : memref<40x128xi32, #tpu.memory_space<vmem>> -> memref<1x128xi32, #tpu.memory_space<vmem>>
      %dma_start3A_154 = tpu.memref_squeeze %dma_start3A_153 : memref<1x128xi32, #tpu.memory_space<vmem>> -> memref<128xi32, #tpu.memory_space<vmem>>
      %dma_start3A_155 = arith.constant 0 : i32
      %dma_start3A_156 = arith.constant 0 : i32
      %dma_start3A_157 = tpu.memref_slice %arg2[%dma_start3A_155, %dma_start3A_156] : memref<10000x128xf32, #tpu.memory_space<hbm>> -> memref<10000x128xf32, #tpu.memory_space<hbm>>
      tpu.enqueue_indirect_dma source(%dma_start3A_157 : memref<10000x128xf32, #tpu.memory_space<hbm>>) target(%arg10 : memref<128x128xf32, #tpu.memory_space<vmem>>) offsets(%dma_start3A_154 : memref<128xi32, #tpu.memory_space<vmem>>) semaphore(%arg13 : memref<!tpu.dma_semaphore, #tpu.memory_space<semaphore_mem>>)
      %dma_wait3A_158 = arith.constant 0 : i32
      %dma_wait3A_159 = arith.constant 0 : i32
      %dma_wait3A_160 = tpu.memref_slice %arg7[%dma_wait3A_158, %dma_wait3A_159] : memref<40x128xi32, #tpu.memory_space<vmem>> -> memref<1x128xi32, #tpu.memory_space<vmem>>
      %dma_wait3A_161 = tpu.memref_squeeze %dma_wait3A_160 : memref<1x128xi32, #tpu.memory_space<vmem>> -> memref<128xi32, #tpu.memory_space<vmem>>
      %dma_wait3A_162 = arith.constant 0 : i32
      %dma_wait3A_163 = arith.constant 0 : i32
      %dma_wait3A_164 = tpu.memref_slice %arg2[%dma_wait3A_162, %dma_wait3A_163] : memref<10000x128xf32, #tpu.memory_space<hbm>> -> memref<10000x128xf32, #tpu.memory_space<hbm>>
      tpu.wait_indirect_dma semaphore(%arg12 : memref<!tpu.dma_semaphore, #tpu.memory_space<semaphore_mem>>) src(%dma_wait3A_164 : memref<10000x128xf32, #tpu.memory_space<hbm>>) dst(%arg9 : memref<128x128xf32, #tpu.memory_space<vmem>>)
      "tpu.region"() ({
        %run_scoped3A = tpu.sem_alloc : memref<!tpu.dma_semaphore, #tpu.memory_space<semaphore_mem>>
        %dma_start3A_179 = arith.constant 0 : i32
        %dma_start3A_180 = tpu.memref_slice %arg8[%mul3A_149, %dma_start3A_179] : memref<40x128xi32, #tpu.memory_space<vmem>> -> memref<1x128xi32, #tpu.memory_space<vmem>>
        %dma_start3A_181 = tpu.memref_squeeze %dma_start3A_180 : memref<1x128xi32, #tpu.memory_space<vmem>> -> memref<128xi32, #tpu.memory_space<vmem>>
        %dma_start3A_182 = arith.constant 0 : i32
        %dma_start3A_183 = arith.constant 0 : i32
        %dma_start3A_184 = tpu.memref_slice %arg11[%dma_start3A_182, %dma_start3A_183] : memref<10240x128xf32, #tpu.memory_space<vmem_shared>> -> memref<10240x128xf32, #tpu.memory_space<vmem_shared>>
        tpu.enqueue_indirect_dma source(%arg9 : memref<128x128xf32, #tpu.memory_space<vmem>>) target(%dma_start3A_184 : memref<10240x128xf32, #tpu.memory_space<vmem_shared>>) offsets(%dma_start3A_181 : memref<128xi32, #tpu.memory_space<vmem>>) semaphore(%run_scoped3A : memref<!tpu.dma_semaphore, #tpu.memory_space<semaphore_mem>>) {add = true}
        %dma_wait3A_185 = arith.constant 0 : i32
        %dma_wait3A_186 = tpu.memref_slice %arg8[%mul3A_149, %dma_wait3A_185] : memref<40x128xi32, #tpu.memory_space<vmem>> -> memref<1x128xi32, #tpu.memory_space<vmem>>
        %dma_wait3A_187 = tpu.memref_squeeze %dma_wait3A_186 : memref<1x128xi32, #tpu.memory_space<vmem>> -> memref<128xi32, #tpu.memory_space<vmem>>
        %dma_wait3A_188 = arith.constant 0 : i32
        %dma_wait3A_189 = arith.constant 0 : i32
        %dma_wait3A_190 = tpu.memref_slice %arg11[%dma_wait3A_188, %dma_wait3A_189] : memref<10240x128xf32, #tpu.memory_space<vmem_shared>> -> memref<10240x128xf32, #tpu.memory_space<vmem_shared>>
        tpu.wait_indirect_dma semaphore(%run_scoped3A : memref<!tpu.dma_semaphore, #tpu.memory_space<semaphore_mem>>) src(%arg9 : memref<128x128xf32, #tpu.memory_space<vmem>>) dst(%dma_wait3A_190 : memref<10240x128xf32, #tpu.memory_space<vmem_shared>>)
        tpu.yield
      }) : () -> ()
      %add3A_165 = arith.constant 2 : i32
      %add3A_166 = arith.addi %mul3A_149, %add3A_165 : i32
      %lt3A_167 = arith.constant 40 : i32
      %lt3A_168 = arith.cmpi slt, %add3A_166, %lt3A_167 : i32
      %convert_element_type3A_169 = arith.extui %lt3A_168 : i1 to i32
      %cond3A_170 = arith.constant 0 : i32
      %cond3A_171 = arith.cmpi ne, %convert_element_type3A_169, %cond3A_170 : i32
      scf.if %cond3A_171 {
        %add3A_179 = arith.constant 2 : i32
        %add3A_180 = arith.addi %mul3A_149, %add3A_179 : i32
        %dma_start3A_181 = arith.constant 0 : i32
        %dma_start3A_182 = tpu.memref_slice %arg7[%add3A_180, %dma_start3A_181] : memref<40x128xi32, #tpu.memory_space<vmem>> -> memref<1x128xi32, #tpu.memory_space<vmem>>
        %dma_start3A_183 = tpu.memref_squeeze %dma_start3A_182 : memref<1x128xi32, #tpu.memory_space<vmem>> -> memref<128xi32, #tpu.memory_space<vmem>>
        %dma_start3A_184 = arith.constant 0 : i32
        %dma_start3A_185 = arith.constant 0 : i32
        %dma_start3A_186 = tpu.memref_slice %arg2[%dma_start3A_184, %dma_start3A_185] : memref<10000x128xf32, #tpu.memory_space<hbm>> -> memref<10000x128xf32, #tpu.memory_space<hbm>>
        tpu.enqueue_indirect_dma source(%dma_start3A_186 : memref<10000x128xf32, #tpu.memory_space<hbm>>) target(%arg9 : memref<128x128xf32, #tpu.memory_space<vmem>>) offsets(%dma_start3A_183 : memref<128xi32, #tpu.memory_space<vmem>>) semaphore(%arg12 : memref<!tpu.dma_semaphore, #tpu.memory_space<semaphore_mem>>)
      } else {
      }
      %dma_wait3A_172 = arith.constant 0 : i32
      %dma_wait3A_173 = arith.constant 0 : i32
      %dma_wait3A_174 = tpu.memref_slice %arg7[%dma_wait3A_172, %dma_wait3A_173] : memref<40x128xi32, #tpu.memory_space<vmem>> -> memref<1x128xi32, #tpu.memory_space<vmem>>
      %dma_wait3A_175 = tpu.memref_squeeze %dma_wait3A_174 : memref<1x128xi32, #tpu.memory_space<vmem>> -> memref<128xi32, #tpu.memory_space<vmem>>
      %dma_wait3A_176 = arith.constant 0 : i32
      %dma_wait3A_177 = arith.constant 0 : i32
      %dma_wait3A_178 = tpu.memref_slice %arg2[%dma_wait3A_176, %dma_wait3A_177] : memref<10000x128xf32, #tpu.memory_space<hbm>> -> memref<10000x128xf32, #tpu.memory_space<hbm>>
      tpu.wait_indirect_dma semaphore(%arg13 : memref<!tpu.dma_semaphore, #tpu.memory_space<semaphore_mem>>) src(%dma_wait3A_178 : memref<10000x128xf32, #tpu.memory_space<hbm>>) dst(%arg10 : memref<128x128xf32, #tpu.memory_space<vmem>>)
      "tpu.region"() ({
        %run_scoped3A = tpu.sem_alloc : memref<!tpu.dma_semaphore, #tpu.memory_space<semaphore_mem>>
        %dma_start3A_179 = arith.constant 0 : i32
        %dma_start3A_180 = tpu.memref_slice %arg8[%add3A_151, %dma_start3A_179] : memref<40x128xi32, #tpu.memory_space<vmem>> -> memref<1x128xi32, #tpu.memory_space<vmem>>
        %dma_start3A_181 = tpu.memref_squeeze %dma_start3A_180 : memref<1x128xi32, #tpu.memory_space<vmem>> -> memref<128xi32, #tpu.memory_space<vmem>>
        %dma_start3A_182 = arith.constant 0 : i32
        %dma_start3A_183 = arith.constant 0 : i32
        %dma_start3A_184 = tpu.memref_slice %arg11[%dma_start3A_182, %dma_start3A_183] : memref<10240x128xf32, #tpu.memory_space<vmem_shared>> -> memref<10240x128xf32, #tpu.memory_space<vmem_shared>>
        tpu.enqueue_indirect_dma source(%arg10 : memref<128x128xf32, #tpu.memory_space<vmem>>) target(%dma_start3A_184 : memref<10240x128xf32, #tpu.memory_space<vmem_shared>>) offsets(%dma_start3A_181 : memref<128xi32, #tpu.memory_space<vmem>>) semaphore(%run_scoped3A : memref<!tpu.dma_semaphore, #tpu.memory_space<semaphore_mem>>) {add = true}
        %dma_wait3A_185 = arith.constant 0 : i32
        %dma_wait3A_186 = tpu.memref_slice %arg8[%add3A_151, %dma_wait3A_185] : memref<40x128xi32, #tpu.memory_space<vmem>> -> memref<1x128xi32, #tpu.memory_space<vmem>>
        %dma_wait3A_187 = tpu.memref_squeeze %dma_wait3A_186 : memref<1x128xi32, #tpu.memory_space<vmem>> -> memref<128xi32, #tpu.memory_space<vmem>>
        %dma_wait3A_188 = arith.constant 0 : i32
        %dma_wait3A_189 = arith.constant 0 : i32
        %dma_wait3A_190 = tpu.memref_slice %arg11[%dma_wait3A_188, %dma_wait3A_189] : memref<10240x128xf32, #tpu.memory_space<vmem_shared>> -> memref<10240x128xf32, #tpu.memory_space<vmem_shared>>
        tpu.wait_indirect_dma semaphore(%run_scoped3A : memref<!tpu.dma_semaphore, #tpu.memory_space<semaphore_mem>>) src(%arg10 : memref<128x128xf32, #tpu.memory_space<vmem>>) dst(%dma_wait3A_190 : memref<10240x128xf32, #tpu.memory_space<vmem_shared>>)
        tpu.yield
      }) : () -> ()
    }
    %scan3A_139 = arith.constant 20 : i32
    %barrier3A_140 = arith.constant 0 : index
    tpu.barrier barrier_id(%barrier3A_140)
    %lt3A = arith.constant 15 : i32
    %lt3A_141 = arith.cmpi slt, %arg1, %lt3A : i32
    %convert_element_type3A = arith.extui %lt3A_141 : i1 to i32
    %cond3A = arith.constant 0 : i32
    %cond3A_142 = arith.cmpi ne, %convert_element_type3A, %cond3A : i32
    scf.if %cond3A_142 {
      %mul3A_147 = arith.constant 640 : i32
      %mul3A_148 = arith.muli %arg1, %mul3A_147 : i32
      %mul3A_149 = arith.constant 640 : i32
      %mul3A_150 = arith.muli %arg1, %mul3A_149 : i32
      "tpu.region"() ({
        %run_scoped3A = tpu.sem_alloc : memref<!tpu.dma_semaphore, #tpu.memory_space<semaphore_mem>>
        %dma_start3A_151 = arith.constant 0 : i32
        %dma_start3A_152 = arith.constant 0 : i32
        %dma_start3A_153 = tpu.memref_slice %arg6[%arg0, %dma_start3A_151, %dma_start3A_152] : memref<2x10000x128xf32, #tpu.memory_space<hbm>> -> memref<1x10000x128xf32, #tpu.memory_space<hbm>>
        %dma_start3A_154 = tpu.memref_squeeze %dma_start3A_153 : memref<1x10000x128xf32, #tpu.memory_space<hbm>> -> memref<10000x128xf32, #tpu.memory_space<hbm>>
        %dma_start3A_155 = arith.constant 0 : i32
        %dma_start3A_156 = tpu.memref_slice %dma_start3A_154[%mul3A_150, %dma_start3A_155] : memref<10000x128xf32, #tpu.memory_space<hbm>> -> memref<640x128xf32, #tpu.memory_space<hbm>>
        %dma_start3A_157 = arith.constant 0 : i32
        %dma_start3A_158 = tpu.memref_slice %arg11[%mul3A_148, %dma_start3A_157] : memref<10240x128xf32, #tpu.memory_space<vmem_shared>> -> memref<640x128xf32, #tpu.memory_space<vmem_shared>>
        tpu.enqueue_dma source(%dma_start3A_158 : memref<640x128xf32, #tpu.memory_space<vmem_shared>>) target(%dma_start3A_156 : memref<640x128xf32, #tpu.memory_space<hbm>>) target_semaphore(%run_scoped3A : memref<!tpu.dma_semaphore, #tpu.memory_space<semaphore_mem>>)
        %dma_wait3A_159 = arith.constant 0 : i32
        %dma_wait3A_160 = arith.constant 0 : i32
        %dma_wait3A_161 = tpu.memref_slice %arg6[%arg0, %dma_wait3A_159, %dma_wait3A_160] : memref<2x10000x128xf32, #tpu.memory_space<hbm>> -> memref<1x10000x128xf32, #tpu.memory_space<hbm>>
        %dma_wait3A_162 = tpu.memref_squeeze %dma_wait3A_161 : memref<1x10000x128xf32, #tpu.memory_space<hbm>> -> memref<10000x128xf32, #tpu.memory_space<hbm>>
        %dma_wait3A_163 = arith.constant 0 : i32
        %dma_wait3A_164 = tpu.memref_slice %dma_wait3A_162[%mul3A_150, %dma_wait3A_163] : memref<10000x128xf32, #tpu.memory_space<hbm>> -> memref<640x128xf32, #tpu.memory_space<hbm>>
        %dma_wait3A_165 = arith.constant 0 : i32
        %dma_wait3A_166 = tpu.memref_slice %arg11[%mul3A_148, %dma_wait3A_165] : memref<10240x128xf32, #tpu.memory_space<vmem_shared>> -> memref<640x128xf32, #tpu.memory_space<vmem_shared>>
        tpu.wait_dma2 semaphore(%run_scoped3A : memref<!tpu.dma_semaphore, #tpu.memory_space<semaphore_mem>>) src(%dma_wait3A_166 : memref<640x128xf32, #tpu.memory_space<vmem_shared>>) dst(%dma_wait3A_164 : memref<640x128xf32, #tpu.memory_space<hbm>>)
        tpu.yield
      }) : () -> ()
    } else {
    }
    %eq3A = arith.constant 15 : i32
    %eq3A_143 = arith.cmpi eq, %arg1, %eq3A : i32
    %convert_element_type3A_144 = arith.extui %eq3A_143 : i1 to i32
    %cond3A_145 = arith.constant 0 : i32
    %cond3A_146 = arith.cmpi ne, %convert_element_type3A_144, %cond3A_145 : i32
    scf.if %cond3A_146 {
      "tpu.region"() ({
        %run_scoped3A = tpu.sem_alloc : memref<!tpu.dma_semaphore, #tpu.memory_space<semaphore_mem>>
        %dma_start3A_147 = arith.constant 0 : i32
        %dma_start3A_148 = arith.constant 0 : i32
        %dma_start3A_149 = tpu.memref_slice %arg6[%arg0, %dma_start3A_147, %dma_start3A_148] : memref<2x10000x128xf32, #tpu.memory_space<hbm>> -> memref<1x10000x128xf32, #tpu.memory_space<hbm>>
        %dma_start3A_150 = tpu.memref_squeeze %dma_start3A_149 : memref<1x10000x128xf32, #tpu.memory_space<hbm>> -> memref<10000x128xf32, #tpu.memory_space<hbm>>
        %dma_start3A_151 = arith.constant 9600 : i32
        %dma_start3A_152 = arith.constant 0 : i32
        %dma_start3A_153 = tpu.memref_slice %dma_start3A_150[%dma_start3A_151, %dma_start3A_152] : memref<10000x128xf32, #tpu.memory_space<hbm>> -> memref<400x128xf32, #tpu.memory_space<hbm>>
        %dma_start3A_154 = arith.constant 9600 : i32
        %dma_start3A_155 = arith.constant 0 : i32
        %dma_start3A_156 = tpu.memref_slice %arg11[%dma_start3A_154, %dma_start3A_155] : memref<10240x128xf32, #tpu.memory_space<vmem_shared>> -> memref<400x128xf32, #tpu.memory_space<vmem_shared>>
        tpu.enqueue_dma source(%dma_start3A_156 : memref<400x128xf32, #tpu.memory_space<vmem_shared>>) target(%dma_start3A_153 : memref<400x128xf32, #tpu.memory_space<hbm>>) target_semaphore(%run_scoped3A : memref<!tpu.dma_semaphore, #tpu.memory_space<semaphore_mem>>)
        %dma_wait3A_157 = arith.constant 0 : i32
        %dma_wait3A_158 = arith.constant 0 : i32
        %dma_wait3A_159 = tpu.memref_slice %arg6[%arg0, %dma_wait3A_157, %dma_wait3A_158] : memref<2x10000x128xf32, #tpu.memory_space<hbm>> -> memref<1x10000x128xf32, #tpu.memory_space<hbm>>
        %dma_wait3A_160 = tpu.memref_squeeze %dma_wait3A_159 : memref<1x10000x128xf32, #tpu.memory_space<hbm>> -> memref<10000x128xf32, #tpu.memory_space<hbm>>
        %dma_wait3A_161 = arith.constant 9600 : i32
        %dma_wait3A_162 = arith.constant 0 : i32
        %dma_wait3A_163 = tpu.memref_slice %dma_wait3A_160[%dma_wait3A_161, %dma_wait3A_162] : memref<10000x128xf32, #tpu.memory_space<hbm>> -> memref<400x128xf32, #tpu.memory_space<hbm>>
        %dma_wait3A_164 = arith.constant 9600 : i32
        %dma_wait3A_165 = arith.constant 0 : i32
        %dma_wait3A_166 = tpu.memref_slice %arg11[%dma_wait3A_164, %dma_wait3A_165] : memref<10240x128xf32, #tpu.memory_space<vmem_shared>> -> memref<400x128xf32, #tpu.memory_space<vmem_shared>>
        tpu.wait_dma2 semaphore(%run_scoped3A : memref<!tpu.dma_semaphore, #tpu.memory_space<semaphore_mem>>) src(%dma_wait3A_166 : memref<400x128xf32, #tpu.memory_space<vmem_shared>>) dst(%dma_wait3A_163 : memref<400x128xf32, #tpu.memory_space<hbm>>)
        tpu.yield
      }) : () -> ()
    } else {
    }
    return
  }
}

#map = affine_map<(d0, d1) -> (0, 0)>
#map1 = affine_map<(d0, d1) -> (0, 0, 0)>
module attributes {stable_mosaic.version = 14 : i64} {
  func.func @_sc_agg(%arg0: i32, %arg1: i32, %arg2: memref<10000x128xf32, #tpu.memory_space<hbm>>, %arg3: memref<32x80x128xi32, #tpu.memory_space<hbm>>, %arg4: memref<32x80x128xi32, #tpu.memory_space<hbm>>, %arg5: memref<128x128xf32, #tpu.memory_space<hbm>>, %arg6: memref<2x10000x128xf32, #tpu.memory_space<hbm>>, %arg7: memref<40x128xi32, #tpu.memory_space<vmem>>, %arg8: memref<40x128xi32, #tpu.memory_space<vmem>>, %arg9: memref<128x128xf32, #tpu.memory_space<vmem>>, %arg10: memref<128x128xf32, #tpu.memory_space<vmem>>, %arg11: memref<10240x128xf32, #tpu.memory_space<vmem_shared>>, %arg12: memref<!tpu.dma_semaphore, #tpu.memory_space<semaphore_mem>>, %arg13: memref<!tpu.dma_semaphore, #tpu.memory_space<semaphore_mem>>, %arg14: memref<!tpu.dma_semaphore, #tpu.memory_space<semaphore_mem>>) attributes {dimension_semantics = [#tpu.dimension_semantics<core_parallel>, #tpu.dimension_semantics<subcore_parallel>], iteration_bounds = array<i64: 2, 16>, scalar_prefetch = 0 : i64, scratch_operands = 8 : i64, tpu.core_type = #tpu.core_type<sc_vector_subcore>, window_params = [{transform_indices = #map}, {transform_indices = #map1}, {transform_indices = #map1}, {transform_indices = #map}, {transform_indices = #map1}]} {
    %mul3A = arith.constant 16 : i32
    %mul3A_0 = arith.muli %arg0, %mul3A : i32
    %add3A = arith.addi %mul3A_0, %arg1 : i32
    %dma_start3A = arith.constant 0 : i32
    %dma_start3A_1 = arith.constant 0 : i32
    %dma_start3A_2 = tpu.memref_slice %arg3[%add3A, %dma_start3A, %dma_start3A_1] : memref<32x80x128xi32, #tpu.memory_space<hbm>> -> memref<1x80x128xi32, #tpu.memory_space<hbm>>
    %dma_start3A_3 = tpu.memref_squeeze %dma_start3A_2 : memref<1x80x128xi32, #tpu.memory_space<hbm>> -> memref<80x128xi32, #tpu.memory_space<hbm>>
    %dma_start3A_4 = arith.constant 0 : i32
    %dma_start3A_5 = arith.constant 0 : i32
    %dma_start3A_6 = tpu.memref_slice %dma_start3A_3[%dma_start3A_4, %dma_start3A_5] : memref<80x128xi32, #tpu.memory_space<hbm>> -> memref<40x128xi32, #tpu.memory_space<hbm>>
    %dma_start3A_7 = arith.constant 0 : i32
    %dma_start3A_8 = arith.constant 0 : i32
    %dma_start3A_9 = tpu.memref_slice %arg3[%add3A, %dma_start3A_7, %dma_start3A_8] : memref<32x80x128xi32, #tpu.memory_space<hbm>> -> memref<1x80x128xi32, #tpu.memory_space<hbm>>
    %dma_start3A_10 = tpu.memref_squeeze %dma_start3A_9 : memref<1x80x128xi32, #tpu.memory_space<hbm>> -> memref<80x128xi32, #tpu.memory_space<hbm>>
    %dma_start3A_11 = arith.constant 0 : i32
    %dma_start3A_12 = arith.constant 0 : i32
    %dma_start3A_13 = tpu.memref_slice %dma_start3A_10[%dma_start3A_11, %dma_start3A_12] : memref<80x128xi32, #tpu.memory_space<hbm>> -> memref<40x128xi32, #tpu.memory_space<hbm>>
    tpu.enqueue_dma source(%dma_start3A_13 : memref<40x128xi32, #tpu.memory_space<hbm>>) target(%arg7 : memref<40x128xi32, #tpu.memory_space<vmem>>) target_semaphore(%arg12 : memref<!tpu.dma_semaphore, #tpu.memory_space<semaphore_mem>>)
    %dma_start3A_14 = arith.constant 0 : i32
    %dma_start3A_15 = arith.constant 0 : i32
    %dma_start3A_16 = tpu.memref_slice %arg4[%add3A, %dma_start3A_14, %dma_start3A_15] : memref<32x80x128xi32, #tpu.memory_space<hbm>> -> memref<1x80x128xi32, #tpu.memory_space<hbm>>
    %dma_start3A_17 = tpu.memref_squeeze %dma_start3A_16 : memref<1x80x128xi32, #tpu.memory_space<hbm>> -> memref<80x128xi32, #tpu.memory_space<hbm>>
    %dma_start3A_18 = arith.constant 0 : i32
    %dma_start3A_19 = arith.constant 0 : i32
    %dma_start3A_20 = tpu.memref_slice %dma_start3A_17[%dma_start3A_18, %dma_start3A_19] : memref<80x128xi32, #tpu.memory_space<hbm>> -> memref<40x128xi32, #tpu.memory_space<hbm>>
    %dma_start3A_21 = arith.constant 0 : i32
    %dma_start3A_22 = arith.constant 0 : i32
    %dma_start3A_23 = tpu.memref_slice %arg4[%add3A, %dma_start3A_21, %dma_start3A_22] : memref<32x80x128xi32, #tpu.memory_space<hbm>> -> memref<1x80x128xi32, #tpu.memory_space<hbm>>
    %dma_start3A_24 = tpu.memref_squeeze %dma_start3A_23 : memref<1x80x128xi32, #tpu.memory_space<hbm>> -> memref<80x128xi32, #tpu.memory_space<hbm>>
    %dma_start3A_25 = arith.constant 0 : i32
    %dma_start3A_26 = arith.constant 0 : i32
    %dma_start3A_27 = tpu.memref_slice %dma_start3A_24[%dma_start3A_25, %dma_start3A_26] : memref<80x128xi32, #tpu.memory_space<hbm>> -> memref<40x128xi32, #tpu.memory_space<hbm>>
    tpu.enqueue_dma source(%dma_start3A_27 : memref<40x128xi32, #tpu.memory_space<hbm>>) target(%arg8 : memref<40x128xi32, #tpu.memory_space<vmem>>) target_semaphore(%arg13 : memref<!tpu.dma_semaphore, #tpu.memory_space<semaphore_mem>>)
    "tpu.region"() ({
      %run_scoped3A = tpu.sem_alloc : memref<!tpu.dma_semaphore, #tpu.memory_space<semaphore_mem>>
      tpu.enqueue_dma source(%arg5 : memref<128x128xf32, #tpu.memory_space<hbm>>) target(%arg10 : memref<128x128xf32, #tpu.memory_space<vmem>>) target_semaphore(%run_scoped3A : memref<!tpu.dma_semaphore, #tpu.memory_space<semaphore_mem>>)
      tpu.wait_dma2 semaphore(%run_scoped3A : memref<!tpu.dma_semaphore, #tpu.memory_space<semaphore_mem>>) src(%arg5 : memref<128x128xf32, #tpu.memory_space<hbm>>) dst(%arg10 : memref<128x128xf32, #tpu.memory_space<vmem>>)
      tpu.yield
    }) : () -> ()
    %mul3A_28 = arith.constant 640 : i32
    %mul3A_29 = arith.muli %arg1, %mul3A_28 : i32
    %add3A_30 = arith.constant 0 : i32
    %add3A_31 = arith.addi %mul3A_29, %add3A_30 : i32
    %dma_start3A_32 = arith.constant 0 : i32
    %dma_start3A_33 = tpu.memref_slice %arg11[%add3A_31, %dma_start3A_32] : memref<10240x128xf32, #tpu.memory_space<vmem_shared>> -> memref<128x128xf32, #tpu.memory_space<vmem_shared>>
    %dma_start3A_34 = arith.constant 0 : i32
    %dma_start3A_35 = tpu.memref_slice %arg11[%add3A_31, %dma_start3A_34] : memref<10240x128xf32, #tpu.memory_space<vmem_shared>> -> memref<128x128xf32, #tpu.memory_space<vmem_shared>>
    tpu.enqueue_dma source(%arg10 : memref<128x128xf32, #tpu.memory_space<vmem>>) target(%dma_start3A_35 : memref<128x128xf32, #tpu.memory_space<vmem_shared>>) target_semaphore(%arg14 : memref<!tpu.dma_semaphore, #tpu.memory_space<semaphore_mem>>)
    %mul3A_36 = arith.constant 640 : i32
    %mul3A_37 = arith.muli %arg1, %mul3A_36 : i32
    %add3A_38 = arith.constant 128 : i32
    %add3A_39 = arith.addi %mul3A_37, %add3A_38 : i32
    %dma_start3A_40 = arith.constant 0 : i32
    %dma_start3A_41 = tpu.memref_slice %arg11[%add3A_39, %dma_start3A_40] : memref<10240x128xf32, #tpu.memory_space<vmem_shared>> -> memref<128x128xf32, #tpu.memory_space<vmem_shared>>
    %dma_start3A_42 = arith.constant 0 : i32
    %dma_start3A_43 = tpu.memref_slice %arg11[%add3A_39, %dma_start3A_42] : memref<10240x128xf32, #tpu.memory_space<vmem_shared>> -> memref<128x128xf32, #tpu.memory_space<vmem_shared>>
    tpu.enqueue_dma source(%arg10 : memref<128x128xf32, #tpu.memory_space<vmem>>) target(%dma_start3A_43 : memref<128x128xf32, #tpu.memory_space<vmem_shared>>) target_semaphore(%arg14 : memref<!tpu.dma_semaphore, #tpu.memory_space<semaphore_mem>>)
    %mul3A_44 = arith.constant 640 : i32
    %mul3A_45 = arith.muli %arg1, %mul3A_44 : i32
    %add3A_46 = arith.constant 256 : i32
    %add3A_47 = arith.addi %mul3A_45, %add3A_46 : i32
    %dma_start3A_48 = arith.constant 0 : i32
    %dma_start3A_49 = tpu.memref_slice %arg11[%add3A_47, %dma_start3A_48] : memref<10240x128xf32, #tpu.memory_space<vmem_shared>> -> memref<128x128xf32, #tpu.memory_space<vmem_shared>>
    %dma_start3A_50 = arith.constant 0 : i32
    %dma_start3A_51 = tpu.memref_slice %arg11[%add3A_47, %dma_start3A_50] : memref<10240x128xf32, #tpu.memory_space<vmem_shared>> -> memref<128x128xf32, #tpu.memory_space<vmem_shared>>
    tpu.enqueue_dma source(%arg10 : memref<128x128xf32, #tpu.memory_space<vmem>>) target(%dma_start3A_51 : memref<128x128xf32, #tpu.memory_space<vmem_shared>>) target_semaphore(%arg14 : memref<!tpu.dma_semaphore, #tpu.memory_space<semaphore_mem>>)
    %mul3A_52 = arith.constant 640 : i32
    %mul3A_53 = arith.muli %arg1, %mul3A_52 : i32
    %add3A_54 = arith.constant 384 : i32
    %add3A_55 = arith.addi %mul3A_53, %add3A_54 : i32
    %dma_start3A_56 = arith.constant 0 : i32
    %dma_start3A_57 = tpu.memref_slice %arg11[%add3A_55, %dma_start3A_56] : memref<10240x128xf32, #tpu.memory_space<vmem_shared>> -> memref<128x128xf32, #tpu.memory_space<vmem_shared>>
    %dma_start3A_58 = arith.constant 0 : i32
    %dma_start3A_59 = tpu.memref_slice %arg11[%add3A_55, %dma_start3A_58] : memref<10240x128xf32, #tpu.memory_space<vmem_shared>> -> memref<128x128xf32, #tpu.memory_space<vmem_shared>>
    tpu.enqueue_dma source(%arg10 : memref<128x128xf32, #tpu.memory_space<vmem>>) target(%dma_start3A_59 : memref<128x128xf32, #tpu.memory_space<vmem_shared>>) target_semaphore(%arg14 : memref<!tpu.dma_semaphore, #tpu.memory_space<semaphore_mem>>)
    %mul3A_60 = arith.constant 640 : i32
    %mul3A_61 = arith.muli %arg1, %mul3A_60 : i32
    %add3A_62 = arith.constant 512 : i32
    %add3A_63 = arith.addi %mul3A_61, %add3A_62 : i32
    %dma_start3A_64 = arith.constant 0 : i32
    %dma_start3A_65 = tpu.memref_slice %arg11[%add3A_63, %dma_start3A_64] : memref<10240x128xf32, #tpu.memory_space<vmem_shared>> -> memref<128x128xf32, #tpu.memory_space<vmem_shared>>
    %dma_start3A_66 = arith.constant 0 : i32
    %dma_start3A_67 = tpu.memref_slice %arg11[%add3A_63, %dma_start3A_66] : memref<10240x128xf32, #tpu.memory_space<vmem_shared>> -> memref<128x128xf32, #tpu.memory_space<vmem_shared>>
    tpu.enqueue_dma source(%arg10 : memref<128x128xf32, #tpu.memory_space<vmem>>) target(%dma_start3A_67 : memref<128x128xf32, #tpu.memory_space<vmem_shared>>) target_semaphore(%arg14 : memref<!tpu.dma_semaphore, #tpu.memory_space<semaphore_mem>>)
    %dma_wait3A = arith.constant 0 : i32
    %dma_wait3A_68 = tpu.memref_slice %arg11[%add3A_31, %dma_wait3A] : memref<10240x128xf32, #tpu.memory_space<vmem_shared>> -> memref<128x128xf32, #tpu.memory_space<vmem_shared>>
    %dma_wait3A_69 = arith.constant 0 : i32
    %dma_wait3A_70 = tpu.memref_slice %arg11[%add3A_31, %dma_wait3A_69] : memref<10240x128xf32, #tpu.memory_space<vmem_shared>> -> memref<128x128xf32, #tpu.memory_space<vmem_shared>>
    tpu.wait_dma2 semaphore(%arg14 : memref<!tpu.dma_semaphore, #tpu.memory_space<semaphore_mem>>) src(%arg10 : memref<128x128xf32, #tpu.memory_space<vmem>>) dst(%dma_wait3A_70 : memref<128x128xf32, #tpu.memory_space<vmem_shared>>)
    %dma_wait3A_71 = arith.constant 0 : i32
    %dma_wait3A_72 = tpu.memref_slice %arg11[%add3A_39, %dma_wait3A_71] : memref<10240x128xf32, #tpu.memory_space<vmem_shared>> -> memref<128x128xf32, #tpu.memory_space<vmem_shared>>
    %dma_wait3A_73 = arith.constant 0 : i32
    %dma_wait3A_74 = tpu.memref_slice %arg11[%add3A_39, %dma_wait3A_73] : memref<10240x128xf32, #tpu.memory_space<vmem_shared>> -> memref<128x128xf32, #tpu.memory_space<vmem_shared>>
    tpu.wait_dma2 semaphore(%arg14 : memref<!tpu.dma_semaphore, #tpu.memory_space<semaphore_mem>>) src(%arg10 : memref<128x128xf32, #tpu.memory_space<vmem>>) dst(%dma_wait3A_74 : memref<128x128xf32, #tpu.memory_space<vmem_shared>>)
    %dma_wait3A_75 = arith.constant 0 : i32
    %dma_wait3A_76 = tpu.memref_slice %arg11[%add3A_47, %dma_wait3A_75] : memref<10240x128xf32, #tpu.memory_space<vmem_shared>> -> memref<128x128xf32, #tpu.memory_space<vmem_shared>>
    %dma_wait3A_77 = arith.constant 0 : i32
    %dma_wait3A_78 = tpu.memref_slice %arg11[%add3A_47, %dma_wait3A_77] : memref<10240x128xf32, #tpu.memory_space<vmem_shared>> -> memref<128x128xf32, #tpu.memory_space<vmem_shared>>
    tpu.wait_dma2 semaphore(%arg14 : memref<!tpu.dma_semaphore, #tpu.memory_space<semaphore_mem>>) src(%arg10 : memref<128x128xf32, #tpu.memory_space<vmem>>) dst(%dma_wait3A_78 : memref<128x128xf32, #tpu.memory_space<vmem_shared>>)
    %dma_wait3A_79 = arith.constant 0 : i32
    %dma_wait3A_80 = tpu.memref_slice %arg11[%add3A_55, %dma_wait3A_79] : memref<10240x128xf32, #tpu.memory_space<vmem_shared>> -> memref<128x128xf32, #tpu.memory_space<vmem_shared>>
    %dma_wait3A_81 = arith.constant 0 : i32
    %dma_wait3A_82 = tpu.memref_slice %arg11[%add3A_55, %dma_wait3A_81] : memref<10240x128xf32, #tpu.memory_space<vmem_shared>> -> memref<128x128xf32, #tpu.memory_space<vmem_shared>>
    tpu.wait_dma2 semaphore(%arg14 : memref<!tpu.dma_semaphore, #tpu.memory_space<semaphore_mem>>) src(%arg10 : memref<128x128xf32, #tpu.memory_space<vmem>>) dst(%dma_wait3A_82 : memref<128x128xf32, #tpu.memory_space<vmem_shared>>)
    %dma_wait3A_83 = arith.constant 0 : i32
    %dma_wait3A_84 = tpu.memref_slice %arg11[%add3A_63, %dma_wait3A_83] : memref<10240x128xf32, #tpu.memory_space<vmem_shared>> -> memref<128x128xf32, #tpu.memory_space<vmem_shared>>
    %dma_wait3A_85 = arith.constant 0 : i32
    %dma_wait3A_86 = tpu.memref_slice %arg11[%add3A_63, %dma_wait3A_85] : memref<10240x128xf32, #tpu.memory_space<vmem_shared>> -> memref<128x128xf32, #tpu.memory_space<vmem_shared>>
    tpu.wait_dma2 semaphore(%arg14 : memref<!tpu.dma_semaphore, #tpu.memory_space<semaphore_mem>>) src(%arg10 : memref<128x128xf32, #tpu.memory_space<vmem>>) dst(%dma_wait3A_86 : memref<128x128xf32, #tpu.memory_space<vmem_shared>>)
    %dma_wait3A_87 = arith.constant 0 : i32
    %dma_wait3A_88 = arith.constant 0 : i32
    %dma_wait3A_89 = tpu.memref_slice %arg3[%add3A, %dma_wait3A_87, %dma_wait3A_88] : memref<32x80x128xi32, #tpu.memory_space<hbm>> -> memref<1x80x128xi32, #tpu.memory_space<hbm>>
    %dma_wait3A_90 = tpu.memref_squeeze %dma_wait3A_89 : memref<1x80x128xi32, #tpu.memory_space<hbm>> -> memref<80x128xi32, #tpu.memory_space<hbm>>
    %dma_wait3A_91 = arith.constant 0 : i32
    %dma_wait3A_92 = arith.constant 0 : i32
    %dma_wait3A_93 = tpu.memref_slice %dma_wait3A_90[%dma_wait3A_91, %dma_wait3A_92] : memref<80x128xi32, #tpu.memory_space<hbm>> -> memref<40x128xi32, #tpu.memory_space<hbm>>
    %dma_wait3A_94 = arith.constant 0 : i32
    %dma_wait3A_95 = arith.constant 0 : i32
    %dma_wait3A_96 = tpu.memref_slice %arg3[%add3A, %dma_wait3A_94, %dma_wait3A_95] : memref<32x80x128xi32, #tpu.memory_space<hbm>> -> memref<1x80x128xi32, #tpu.memory_space<hbm>>
    %dma_wait3A_97 = tpu.memref_squeeze %dma_wait3A_96 : memref<1x80x128xi32, #tpu.memory_space<hbm>> -> memref<80x128xi32, #tpu.memory_space<hbm>>
    %dma_wait3A_98 = arith.constant 0 : i32
    %dma_wait3A_99 = arith.constant 0 : i32
    %dma_wait3A_100 = tpu.memref_slice %dma_wait3A_97[%dma_wait3A_98, %dma_wait3A_99] : memref<80x128xi32, #tpu.memory_space<hbm>> -> memref<40x128xi32, #tpu.memory_space<hbm>>
    tpu.wait_dma2 semaphore(%arg12 : memref<!tpu.dma_semaphore, #tpu.memory_space<semaphore_mem>>) src(%dma_wait3A_100 : memref<40x128xi32, #tpu.memory_space<hbm>>) dst(%arg7 : memref<40x128xi32, #tpu.memory_space<vmem>>)
    %dma_wait3A_101 = arith.constant 0 : i32
    %dma_wait3A_102 = arith.constant 0 : i32
    %dma_wait3A_103 = tpu.memref_slice %arg4[%add3A, %dma_wait3A_101, %dma_wait3A_102] : memref<32x80x128xi32, #tpu.memory_space<hbm>> -> memref<1x80x128xi32, #tpu.memory_space<hbm>>
    %dma_wait3A_104 = tpu.memref_squeeze %dma_wait3A_103 : memref<1x80x128xi32, #tpu.memory_space<hbm>> -> memref<80x128xi32, #tpu.memory_space<hbm>>
    %dma_wait3A_105 = arith.constant 0 : i32
    %dma_wait3A_106 = arith.constant 0 : i32
    %dma_wait3A_107 = tpu.memref_slice %dma_wait3A_104[%dma_wait3A_105, %dma_wait3A_106] : memref<80x128xi32, #tpu.memory_space<hbm>> -> memref<40x128xi32, #tpu.memory_space<hbm>>
    %dma_wait3A_108 = arith.constant 0 : i32
    %dma_wait3A_109 = arith.constant 0 : i32
    %dma_wait3A_110 = tpu.memref_slice %arg4[%add3A, %dma_wait3A_108, %dma_wait3A_109] : memref<32x80x128xi32, #tpu.memory_space<hbm>> -> memref<1x80x128xi32, #tpu.memory_space<hbm>>
    %dma_wait3A_111 = tpu.memref_squeeze %dma_wait3A_110 : memref<1x80x128xi32, #tpu.memory_space<hbm>> -> memref<80x128xi32, #tpu.memory_space<hbm>>
    %dma_wait3A_112 = arith.constant 0 : i32
    %dma_wait3A_113 = arith.constant 0 : i32
    %dma_wait3A_114 = tpu.memref_slice %dma_wait3A_111[%dma_wait3A_112, %dma_wait3A_113] : memref<80x128xi32, #tpu.memory_space<hbm>> -> memref<40x128xi32, #tpu.memory_space<hbm>>
    tpu.wait_dma2 semaphore(%arg13 : memref<!tpu.dma_semaphore, #tpu.memory_space<semaphore_mem>>) src(%dma_wait3A_114 : memref<40x128xi32, #tpu.memory_space<hbm>>) dst(%arg8 : memref<40x128xi32, #tpu.memory_space<vmem>>)
    %barrier3A = arith.constant 0 : index
    tpu.barrier barrier_id(%barrier3A)
    %dma_start3A_115 = arith.constant 0 : i32
    %dma_start3A_116 = arith.constant 0 : i32
    %dma_start3A_117 = tpu.memref_slice %arg7[%dma_start3A_115, %dma_start3A_116] : memref<40x128xi32, #tpu.memory_space<vmem>> -> memref<1x128xi32, #tpu.memory_space<vmem>>
    %dma_start3A_118 = tpu.memref_squeeze %dma_start3A_117 : memref<1x128xi32, #tpu.memory_space<vmem>> -> memref<128xi32, #tpu.memory_space<vmem>>
    %dma_start3A_119 = arith.constant 0 : i32
    %dma_start3A_120 = arith.constant 0 : i32
    %dma_start3A_121 = tpu.memref_slice %arg2[%dma_start3A_119, %dma_start3A_120] : memref<10000x128xf32, #tpu.memory_space<hbm>> -> memref<10000x128xf32, #tpu.memory_space<hbm>>
    tpu.enqueue_indirect_dma source(%dma_start3A_121 : memref<10000x128xf32, #tpu.memory_space<hbm>>) target(%arg9 : memref<128x128xf32, #tpu.memory_space<vmem>>) offsets(%dma_start3A_118 : memref<128xi32, #tpu.memory_space<vmem>>) semaphore(%arg12 : memref<!tpu.dma_semaphore, #tpu.memory_space<semaphore_mem>>)
    %scan3A = arith.constant 0 : i32
    %scan3A_122 = arith.constant 0 : i32
    %scan3A_123 = arith.constant 20 : i32
    %scan3A_124 = arith.addi %scan3A_122, %scan3A_123 : i32
    %scan3A_125 = arith.constant 1 : i32
    scf.for %scan3A_147 = %scan3A_122 to %scan3A_124 step %scan3A_125  : i32 {
      %mul3A_148 = arith.constant 2 : i32
      %mul3A_149 = arith.muli %scan3A_147, %mul3A_148 : i32
      %add3A_150 = arith.constant 1 : i32
      %add3A_151 = arith.addi %mul3A_149, %add3A_150 : i32
      %dma_start3A_152 = arith.constant 0 : i32
      %dma_start3A_153 = tpu.memref_slice %arg7[%add3A_151, %dma_start3A_152] : memref<40x128xi32, #tpu.memory_space<vmem>> -> memref<1x128xi32, #tpu.memory_space<vmem>>
      %dma_start3A_154 = tpu.memref_squeeze %dma_start3A_153 : memref<1x128xi32, #tpu.memory_space<vmem>> -> memref<128xi32, #tpu.memory_space<vmem>>
      %dma_start3A_155 = arith.constant 0 : i32
      %dma_start3A_156 = arith.constant 0 : i32
      %dma_start3A_157 = tpu.memref_slice %arg2[%dma_start3A_155, %dma_start3A_156] : memref<10000x128xf32, #tpu.memory_space<hbm>> -> memref<10000x128xf32, #tpu.memory_space<hbm>>
      tpu.enqueue_indirect_dma source(%dma_start3A_157 : memref<10000x128xf32, #tpu.memory_space<hbm>>) target(%arg10 : memref<128x128xf32, #tpu.memory_space<vmem>>) offsets(%dma_start3A_154 : memref<128xi32, #tpu.memory_space<vmem>>) semaphore(%arg13 : memref<!tpu.dma_semaphore, #tpu.memory_space<semaphore_mem>>)
      %dma_wait3A_158 = arith.constant 0 : i32
      %dma_wait3A_159 = arith.constant 0 : i32
      %dma_wait3A_160 = tpu.memref_slice %arg7[%dma_wait3A_158, %dma_wait3A_159] : memref<40x128xi32, #tpu.memory_space<vmem>> -> memref<1x128xi32, #tpu.memory_space<vmem>>
      %dma_wait3A_161 = tpu.memref_squeeze %dma_wait3A_160 : memref<1x128xi32, #tpu.memory_space<vmem>> -> memref<128xi32, #tpu.memory_space<vmem>>
      %dma_wait3A_162 = arith.constant 0 : i32
      %dma_wait3A_163 = arith.constant 0 : i32
      %dma_wait3A_164 = tpu.memref_slice %arg2[%dma_wait3A_162, %dma_wait3A_163] : memref<10000x128xf32, #tpu.memory_space<hbm>> -> memref<10000x128xf32, #tpu.memory_space<hbm>>
      tpu.wait_indirect_dma semaphore(%arg12 : memref<!tpu.dma_semaphore, #tpu.memory_space<semaphore_mem>>) src(%dma_wait3A_164 : memref<10000x128xf32, #tpu.memory_space<hbm>>) dst(%arg9 : memref<128x128xf32, #tpu.memory_space<vmem>>)
      "tpu.region"() ({
        %run_scoped3A = tpu.sem_alloc : memref<!tpu.dma_semaphore, #tpu.memory_space<semaphore_mem>>
        %dma_start3A_179 = arith.constant 0 : i32
        %dma_start3A_180 = tpu.memref_slice %arg8[%mul3A_149, %dma_start3A_179] : memref<40x128xi32, #tpu.memory_space<vmem>> -> memref<1x128xi32, #tpu.memory_space<vmem>>
        %dma_start3A_181 = tpu.memref_squeeze %dma_start3A_180 : memref<1x128xi32, #tpu.memory_space<vmem>> -> memref<128xi32, #tpu.memory_space<vmem>>
        %dma_start3A_182 = arith.constant 0 : i32
        %dma_start3A_183 = arith.constant 0 : i32
        %dma_start3A_184 = tpu.memref_slice %arg11[%dma_start3A_182, %dma_start3A_183] : memref<10240x128xf32, #tpu.memory_space<vmem_shared>> -> memref<10240x128xf32, #tpu.memory_space<vmem_shared>>
        tpu.enqueue_indirect_dma source(%arg9 : memref<128x128xf32, #tpu.memory_space<vmem>>) target(%dma_start3A_184 : memref<10240x128xf32, #tpu.memory_space<vmem_shared>>) offsets(%dma_start3A_181 : memref<128xi32, #tpu.memory_space<vmem>>) semaphore(%run_scoped3A : memref<!tpu.dma_semaphore, #tpu.memory_space<semaphore_mem>>) {add = true}
        %dma_wait3A_185 = arith.constant 0 : i32
        %dma_wait3A_186 = tpu.memref_slice %arg8[%mul3A_149, %dma_wait3A_185] : memref<40x128xi32, #tpu.memory_space<vmem>> -> memref<1x128xi32, #tpu.memory_space<vmem>>
        %dma_wait3A_187 = tpu.memref_squeeze %dma_wait3A_186 : memref<1x128xi32, #tpu.memory_space<vmem>> -> memref<128xi32, #tpu.memory_space<vmem>>
        %dma_wait3A_188 = arith.constant 0 : i32
        %dma_wait3A_189 = arith.constant 0 : i32
        %dma_wait3A_190 = tpu.memref_slice %arg11[%dma_wait3A_188, %dma_wait3A_189] : memref<10240x128xf32, #tpu.memory_space<vmem_shared>> -> memref<10240x128xf32, #tpu.memory_space<vmem_shared>>
        tpu.wait_indirect_dma semaphore(%run_scoped3A : memref<!tpu.dma_semaphore, #tpu.memory_space<semaphore_mem>>) src(%arg9 : memref<128x128xf32, #tpu.memory_space<vmem>>) dst(%dma_wait3A_190 : memref<10240x128xf32, #tpu.memory_space<vmem_shared>>)
        tpu.yield
      }) : () -> ()
      %add3A_165 = arith.constant 2 : i32
      %add3A_166 = arith.addi %mul3A_149, %add3A_165 : i32
      %lt3A_167 = arith.constant 40 : i32
      %lt3A_168 = arith.cmpi slt, %add3A_166, %lt3A_167 : i32
      %convert_element_type3A_169 = arith.extui %lt3A_168 : i1 to i32
      %cond3A_170 = arith.constant 0 : i32
      %cond3A_171 = arith.cmpi ne, %convert_element_type3A_169, %cond3A_170 : i32
      scf.if %cond3A_171 {
        %add3A_179 = arith.constant 2 : i32
        %add3A_180 = arith.addi %mul3A_149, %add3A_179 : i32
        %dma_start3A_181 = arith.constant 0 : i32
        %dma_start3A_182 = tpu.memref_slice %arg7[%add3A_180, %dma_start3A_181] : memref<40x128xi32, #tpu.memory_space<vmem>> -> memref<1x128xi32, #tpu.memory_space<vmem>>
        %dma_start3A_183 = tpu.memref_squeeze %dma_start3A_182 : memref<1x128xi32, #tpu.memory_space<vmem>> -> memref<128xi32, #tpu.memory_space<vmem>>
        %dma_start3A_184 = arith.constant 0 : i32
        %dma_start3A_185 = arith.constant 0 : i32
        %dma_start3A_186 = tpu.memref_slice %arg2[%dma_start3A_184, %dma_start3A_185] : memref<10000x128xf32, #tpu.memory_space<hbm>> -> memref<10000x128xf32, #tpu.memory_space<hbm>>
        tpu.enqueue_indirect_dma source(%dma_start3A_186 : memref<10000x128xf32, #tpu.memory_space<hbm>>) target(%arg9 : memref<128x128xf32, #tpu.memory_space<vmem>>) offsets(%dma_start3A_183 : memref<128xi32, #tpu.memory_space<vmem>>) semaphore(%arg12 : memref<!tpu.dma_semaphore, #tpu.memory_space<semaphore_mem>>)
      } else {
      }
      %dma_wait3A_172 = arith.constant 0 : i32
      %dma_wait3A_173 = arith.constant 0 : i32
      %dma_wait3A_174 = tpu.memref_slice %arg7[%dma_wait3A_172, %dma_wait3A_173] : memref<40x128xi32, #tpu.memory_space<vmem>> -> memref<1x128xi32, #tpu.memory_space<vmem>>
      %dma_wait3A_175 = tpu.memref_squeeze %dma_wait3A_174 : memref<1x128xi32, #tpu.memory_space<vmem>> -> memref<128xi32, #tpu.memory_space<vmem>>
      %dma_wait3A_176 = arith.constant 0 : i32
      %dma_wait3A_177 = arith.constant 0 : i32
      %dma_wait3A_178 = tpu.memref_slice %arg2[%dma_wait3A_176, %dma_wait3A_177] : memref<10000x128xf32, #tpu.memory_space<hbm>> -> memref<10000x128xf32, #tpu.memory_space<hbm>>
      tpu.wait_indirect_dma semaphore(%arg13 : memref<!tpu.dma_semaphore, #tpu.memory_space<semaphore_mem>>) src(%dma_wait3A_178 : memref<10000x128xf32, #tpu.memory_space<hbm>>) dst(%arg10 : memref<128x128xf32, #tpu.memory_space<vmem>>)
      "tpu.region"() ({
        %run_scoped3A = tpu.sem_alloc : memref<!tpu.dma_semaphore, #tpu.memory_space<semaphore_mem>>
        %dma_start3A_179 = arith.constant 0 : i32
        %dma_start3A_180 = tpu.memref_slice %arg8[%add3A_151, %dma_start3A_179] : memref<40x128xi32, #tpu.memory_space<vmem>> -> memref<1x128xi32, #tpu.memory_space<vmem>>
        %dma_start3A_181 = tpu.memref_squeeze %dma_start3A_180 : memref<1x128xi32, #tpu.memory_space<vmem>> -> memref<128xi32, #tpu.memory_space<vmem>>
        %dma_start3A_182 = arith.constant 0 : i32
        %dma_start3A_183 = arith.constant 0 : i32
        %dma_start3A_184 = tpu.memref_slice %arg11[%dma_start3A_182, %dma_start3A_183] : memref<10240x128xf32, #tpu.memory_space<vmem_shared>> -> memref<10240x128xf32, #tpu.memory_space<vmem_shared>>
        tpu.enqueue_indirect_dma source(%arg10 : memref<128x128xf32, #tpu.memory_space<vmem>>) target(%dma_start3A_184 : memref<10240x128xf32, #tpu.memory_space<vmem_shared>>) offsets(%dma_start3A_181 : memref<128xi32, #tpu.memory_space<vmem>>) semaphore(%run_scoped3A : memref<!tpu.dma_semaphore, #tpu.memory_space<semaphore_mem>>) {add = true}
        %dma_wait3A_185 = arith.constant 0 : i32
        %dma_wait3A_186 = tpu.memref_slice %arg8[%add3A_151, %dma_wait3A_185] : memref<40x128xi32, #tpu.memory_space<vmem>> -> memref<1x128xi32, #tpu.memory_space<vmem>>
        %dma_wait3A_187 = tpu.memref_squeeze %dma_wait3A_186 : memref<1x128xi32, #tpu.memory_space<vmem>> -> memref<128xi32, #tpu.memory_space<vmem>>
        %dma_wait3A_188 = arith.constant 0 : i32
        %dma_wait3A_189 = arith.constant 0 : i32
        %dma_wait3A_190 = tpu.memref_slice %arg11[%dma_wait3A_188, %dma_wait3A_189] : memref<10240x128xf32, #tpu.memory_space<vmem_shared>> -> memref<10240x128xf32, #tpu.memory_space<vmem_shared>>
        tpu.wait_indirect_dma semaphore(%run_scoped3A : memref<!tpu.dma_semaphore, #tpu.memory_space<semaphore_mem>>) src(%arg10 : memref<128x128xf32, #tpu.memory_space<vmem>>) dst(%dma_wait3A_190 : memref<10240x128xf32, #tpu.memory_space<vmem_shared>>)
        tpu.yield
      }) : () -> ()
    }
    %scan3A_126 = arith.constant 20 : i32
    "tpu.region"() ({
      %run_scoped3A = tpu.sem_alloc : memref<!tpu.dma_semaphore, #tpu.memory_space<semaphore_mem>>
      %dma_start3A_147 = arith.constant 0 : i32
      %dma_start3A_148 = arith.constant 0 : i32
      %dma_start3A_149 = tpu.memref_slice %arg3[%add3A, %dma_start3A_147, %dma_start3A_148] : memref<32x80x128xi32, #tpu.memory_space<hbm>> -> memref<1x80x128xi32, #tpu.memory_space<hbm>>
      %dma_start3A_150 = tpu.memref_squeeze %dma_start3A_149 : memref<1x80x128xi32, #tpu.memory_space<hbm>> -> memref<80x128xi32, #tpu.memory_space<hbm>>
      %dma_start3A_151 = arith.constant 40 : i32
      %dma_start3A_152 = arith.constant 0 : i32
      %dma_start3A_153 = tpu.memref_slice %dma_start3A_150[%dma_start3A_151, %dma_start3A_152] : memref<80x128xi32, #tpu.memory_space<hbm>> -> memref<40x128xi32, #tpu.memory_space<hbm>>
      %dma_start3A_154 = arith.constant 0 : i32
      %dma_start3A_155 = arith.constant 0 : i32
      %dma_start3A_156 = tpu.memref_slice %arg3[%add3A, %dma_start3A_154, %dma_start3A_155] : memref<32x80x128xi32, #tpu.memory_space<hbm>> -> memref<1x80x128xi32, #tpu.memory_space<hbm>>
      %dma_start3A_157 = tpu.memref_squeeze %dma_start3A_156 : memref<1x80x128xi32, #tpu.memory_space<hbm>> -> memref<80x128xi32, #tpu.memory_space<hbm>>
      %dma_start3A_158 = arith.constant 40 : i32
      %dma_start3A_159 = arith.constant 0 : i32
      %dma_start3A_160 = tpu.memref_slice %dma_start3A_157[%dma_start3A_158, %dma_start3A_159] : memref<80x128xi32, #tpu.memory_space<hbm>> -> memref<40x128xi32, #tpu.memory_space<hbm>>
      tpu.enqueue_dma source(%dma_start3A_160 : memref<40x128xi32, #tpu.memory_space<hbm>>) target(%arg7 : memref<40x128xi32, #tpu.memory_space<vmem>>) target_semaphore(%run_scoped3A : memref<!tpu.dma_semaphore, #tpu.memory_space<semaphore_mem>>)
      %dma_wait3A_161 = arith.constant 0 : i32
      %dma_wait3A_162 = arith.constant 0 : i32
      %dma_wait3A_163 = tpu.memref_slice %arg3[%add3A, %dma_wait3A_161, %dma_wait3A_162] : memref<32x80x128xi32, #tpu.memory_space<hbm>> -> memref<1x80x128xi32, #tpu.memory_space<hbm>>
      %dma_wait3A_164 = tpu.memref_squeeze %dma_wait3A_163 : memref<1x80x128xi32, #tpu.memory_space<hbm>> -> memref<80x128xi32, #tpu.memory_space<hbm>>
      %dma_wait3A_165 = arith.constant 40 : i32
      %dma_wait3A_166 = arith.constant 0 : i32
      %dma_wait3A_167 = tpu.memref_slice %dma_wait3A_164[%dma_wait3A_165, %dma_wait3A_166] : memref<80x128xi32, #tpu.memory_space<hbm>> -> memref<40x128xi32, #tpu.memory_space<hbm>>
      %dma_wait3A_168 = arith.constant 0 : i32
      %dma_wait3A_169 = arith.constant 0 : i32
      %dma_wait3A_170 = tpu.memref_slice %arg3[%add3A, %dma_wait3A_168, %dma_wait3A_169] : memref<32x80x128xi32, #tpu.memory_space<hbm>> -> memref<1x80x128xi32, #tpu.memory_space<hbm>>
      %dma_wait3A_171 = tpu.memref_squeeze %dma_wait3A_170 : memref<1x80x128xi32, #tpu.memory_space<hbm>> -> memref<80x128xi32, #tpu.memory_space<hbm>>
      %dma_wait3A_172 = arith.constant 40 : i32
      %dma_wait3A_173 = arith.constant 0 : i32
      %dma_wait3A_174 = tpu.memref_slice %dma_wait3A_171[%dma_wait3A_172, %dma_wait3A_173] : memref<80x128xi32, #tpu.memory_space<hbm>> -> memref<40x128xi32, #tpu.memory_space<hbm>>
      tpu.wait_dma2 semaphore(%run_scoped3A : memref<!tpu.dma_semaphore, #tpu.memory_space<semaphore_mem>>) src(%dma_wait3A_174 : memref<40x128xi32, #tpu.memory_space<hbm>>) dst(%arg7 : memref<40x128xi32, #tpu.memory_space<vmem>>)
      tpu.yield
    }) : () -> ()
    "tpu.region"() ({
      %run_scoped3A = tpu.sem_alloc : memref<!tpu.dma_semaphore, #tpu.memory_space<semaphore_mem>>
      %dma_start3A_147 = arith.constant 0 : i32
      %dma_start3A_148 = arith.constant 0 : i32
      %dma_start3A_149 = tpu.memref_slice %arg4[%add3A, %dma_start3A_147, %dma_start3A_148] : memref<32x80x128xi32, #tpu.memory_space<hbm>> -> memref<1x80x128xi32, #tpu.memory_space<hbm>>
      %dma_start3A_150 = tpu.memref_squeeze %dma_start3A_149 : memref<1x80x128xi32, #tpu.memory_space<hbm>> -> memref<80x128xi32, #tpu.memory_space<hbm>>
      %dma_start3A_151 = arith.constant 40 : i32
      %dma_start3A_152 = arith.constant 0 : i32
      %dma_start3A_153 = tpu.memref_slice %dma_start3A_150[%dma_start3A_151, %dma_start3A_152] : memref<80x128xi32, #tpu.memory_space<hbm>> -> memref<40x128xi32, #tpu.memory_space<hbm>>
      %dma_start3A_154 = arith.constant 0 : i32
      %dma_start3A_155 = arith.constant 0 : i32
      %dma_start3A_156 = tpu.memref_slice %arg4[%add3A, %dma_start3A_154, %dma_start3A_155] : memref<32x80x128xi32, #tpu.memory_space<hbm>> -> memref<1x80x128xi32, #tpu.memory_space<hbm>>
      %dma_start3A_157 = tpu.memref_squeeze %dma_start3A_156 : memref<1x80x128xi32, #tpu.memory_space<hbm>> -> memref<80x128xi32, #tpu.memory_space<hbm>>
      %dma_start3A_158 = arith.constant 40 : i32
      %dma_start3A_159 = arith.constant 0 : i32
      %dma_start3A_160 = tpu.memref_slice %dma_start3A_157[%dma_start3A_158, %dma_start3A_159] : memref<80x128xi32, #tpu.memory_space<hbm>> -> memref<40x128xi32, #tpu.memory_space<hbm>>
      tpu.enqueue_dma source(%dma_start3A_160 : memref<40x128xi32, #tpu.memory_space<hbm>>) target(%arg8 : memref<40x128xi32, #tpu.memory_space<vmem>>) target_semaphore(%run_scoped3A : memref<!tpu.dma_semaphore, #tpu.memory_space<semaphore_mem>>)
      %dma_wait3A_161 = arith.constant 0 : i32
      %dma_wait3A_162 = arith.constant 0 : i32
      %dma_wait3A_163 = tpu.memref_slice %arg4[%add3A, %dma_wait3A_161, %dma_wait3A_162] : memref<32x80x128xi32, #tpu.memory_space<hbm>> -> memref<1x80x128xi32, #tpu.memory_space<hbm>>
      %dma_wait3A_164 = tpu.memref_squeeze %dma_wait3A_163 : memref<1x80x128xi32, #tpu.memory_space<hbm>> -> memref<80x128xi32, #tpu.memory_space<hbm>>
      %dma_wait3A_165 = arith.constant 40 : i32
      %dma_wait3A_166 = arith.constant 0 : i32
      %dma_wait3A_167 = tpu.memref_slice %dma_wait3A_164[%dma_wait3A_165, %dma_wait3A_166] : memref<80x128xi32, #tpu.memory_space<hbm>> -> memref<40x128xi32, #tpu.memory_space<hbm>>
      %dma_wait3A_168 = arith.constant 0 : i32
      %dma_wait3A_169 = arith.constant 0 : i32
      %dma_wait3A_170 = tpu.memref_slice %arg4[%add3A, %dma_wait3A_168, %dma_wait3A_169] : memref<32x80x128xi32, #tpu.memory_space<hbm>> -> memref<1x80x128xi32, #tpu.memory_space<hbm>>
      %dma_wait3A_171 = tpu.memref_squeeze %dma_wait3A_170 : memref<1x80x128xi32, #tpu.memory_space<hbm>> -> memref<80x128xi32, #tpu.memory_space<hbm>>
      %dma_wait3A_172 = arith.constant 40 : i32
      %dma_wait3A_173 = arith.constant 0 : i32
      %dma_wait3A_174 = tpu.memref_slice %dma_wait3A_171[%dma_wait3A_172, %dma_wait3A_173] : memref<80x128xi32, #tpu.memory_space<hbm>> -> memref<40x128xi32, #tpu.memory_space<hbm>>
      tpu.wait_dma2 semaphore(%run_scoped3A : memref<!tpu.dma_semaphore, #tpu.memory_space<semaphore_mem>>) src(%dma_wait3A_174 : memref<40x128xi32, #tpu.memory_space<hbm>>) dst(%arg8 : memref<40x128xi32, #tpu.memory_space<vmem>>)
      tpu.yield
    }) : () -> ()
    %dma_start3A_127 = arith.constant 0 : i32
    %dma_start3A_128 = arith.constant 0 : i32
    %dma_start3A_129 = tpu.memref_slice %arg7[%dma_start3A_127, %dma_start3A_128] : memref<40x128xi32, #tpu.memory_space<vmem>> -> memref<1x128xi32, #tpu.memory_space<vmem>>
    %dma_start3A_130 = tpu.memref_squeeze %dma_start3A_129 : memref<1x128xi32, #tpu.memory_space<vmem>> -> memref<128xi32, #tpu.memory_space<vmem>>
    %dma_start3A_131 = arith.constant 0 : i32
    %dma_start3A_132 = arith.constant 0 : i32
    %dma_start3A_133 = tpu.memref_slice %arg2[%dma_start3A_131, %dma_start3A_132] : memref<10000x128xf32, #tpu.memory_space<hbm>> -> memref<10000x128xf32, #tpu.memory_space<hbm>>
    tpu.enqueue_indirect_dma source(%dma_start3A_133 : memref<10000x128xf32, #tpu.memory_space<hbm>>) target(%arg9 : memref<128x128xf32, #tpu.memory_space<vmem>>) offsets(%dma_start3A_130 : memref<128xi32, #tpu.memory_space<vmem>>) semaphore(%arg12 : memref<!tpu.dma_semaphore, #tpu.memory_space<semaphore_mem>>)
    %scan3A_134 = arith.constant 0 : i32
    %scan3A_135 = arith.constant 0 : i32
    %scan3A_136 = arith.constant 20 : i32
    %scan3A_137 = arith.addi %scan3A_135, %scan3A_136 : i32
    %scan3A_138 = arith.constant 1 : i32
    scf.for %scan3A_147 = %scan3A_135 to %scan3A_137 step %scan3A_138  : i32 {
      %mul3A_148 = arith.constant 2 : i32
      %mul3A_149 = arith.muli %scan3A_147, %mul3A_148 : i32
      %add3A_150 = arith.constant 1 : i32
      %add3A_151 = arith.addi %mul3A_149, %add3A_150 : i32
      %dma_start3A_152 = arith.constant 0 : i32
      %dma_start3A_153 = tpu.memref_slice %arg7[%add3A_151, %dma_start3A_152] : memref<40x128xi32, #tpu.memory_space<vmem>> -> memref<1x128xi32, #tpu.memory_space<vmem>>
      %dma_start3A_154 = tpu.memref_squeeze %dma_start3A_153 : memref<1x128xi32, #tpu.memory_space<vmem>> -> memref<128xi32, #tpu.memory_space<vmem>>
      %dma_start3A_155 = arith.constant 0 : i32
      %dma_start3A_156 = arith.constant 0 : i32
      %dma_start3A_157 = tpu.memref_slice %arg2[%dma_start3A_155, %dma_start3A_156] : memref<10000x128xf32, #tpu.memory_space<hbm>> -> memref<10000x128xf32, #tpu.memory_space<hbm>>
      tpu.enqueue_indirect_dma source(%dma_start3A_157 : memref<10000x128xf32, #tpu.memory_space<hbm>>) target(%arg10 : memref<128x128xf32, #tpu.memory_space<vmem>>) offsets(%dma_start3A_154 : memref<128xi32, #tpu.memory_space<vmem>>) semaphore(%arg13 : memref<!tpu.dma_semaphore, #tpu.memory_space<semaphore_mem>>)
      %dma_wait3A_158 = arith.constant 0 : i32
      %dma_wait3A_159 = arith.constant 0 : i32
      %dma_wait3A_160 = tpu.memref_slice %arg7[%dma_wait3A_158, %dma_wait3A_159] : memref<40x128xi32, #tpu.memory_space<vmem>> -> memref<1x128xi32, #tpu.memory_space<vmem>>
      %dma_wait3A_161 = tpu.memref_squeeze %dma_wait3A_160 : memref<1x128xi32, #tpu.memory_space<vmem>> -> memref<128xi32, #tpu.memory_space<vmem>>
      %dma_wait3A_162 = arith.constant 0 : i32
      %dma_wait3A_163 = arith.constant 0 : i32
      %dma_wait3A_164 = tpu.memref_slice %arg2[%dma_wait3A_162, %dma_wait3A_163] : memref<10000x128xf32, #tpu.memory_space<hbm>> -> memref<10000x128xf32, #tpu.memory_space<hbm>>
      tpu.wait_indirect_dma semaphore(%arg12 : memref<!tpu.dma_semaphore, #tpu.memory_space<semaphore_mem>>) src(%dma_wait3A_164 : memref<10000x128xf32, #tpu.memory_space<hbm>>) dst(%arg9 : memref<128x128xf32, #tpu.memory_space<vmem>>)
      "tpu.region"() ({
        %run_scoped3A = tpu.sem_alloc : memref<!tpu.dma_semaphore, #tpu.memory_space<semaphore_mem>>
        %dma_start3A_179 = arith.constant 0 : i32
        %dma_start3A_180 = tpu.memref_slice %arg8[%mul3A_149, %dma_start3A_179] : memref<40x128xi32, #tpu.memory_space<vmem>> -> memref<1x128xi32, #tpu.memory_space<vmem>>
        %dma_start3A_181 = tpu.memref_squeeze %dma_start3A_180 : memref<1x128xi32, #tpu.memory_space<vmem>> -> memref<128xi32, #tpu.memory_space<vmem>>
        %dma_start3A_182 = arith.constant 0 : i32
        %dma_start3A_183 = arith.constant 0 : i32
        %dma_start3A_184 = tpu.memref_slice %arg11[%dma_start3A_182, %dma_start3A_183] : memref<10240x128xf32, #tpu.memory_space<vmem_shared>> -> memref<10240x128xf32, #tpu.memory_space<vmem_shared>>
        tpu.enqueue_indirect_dma source(%arg9 : memref<128x128xf32, #tpu.memory_space<vmem>>) target(%dma_start3A_184 : memref<10240x128xf32, #tpu.memory_space<vmem_shared>>) offsets(%dma_start3A_181 : memref<128xi32, #tpu.memory_space<vmem>>) semaphore(%run_scoped3A : memref<!tpu.dma_semaphore, #tpu.memory_space<semaphore_mem>>) {add = true}
        %dma_wait3A_185 = arith.constant 0 : i32
        %dma_wait3A_186 = tpu.memref_slice %arg8[%mul3A_149, %dma_wait3A_185] : memref<40x128xi32, #tpu.memory_space<vmem>> -> memref<1x128xi32, #tpu.memory_space<vmem>>
        %dma_wait3A_187 = tpu.memref_squeeze %dma_wait3A_186 : memref<1x128xi32, #tpu.memory_space<vmem>> -> memref<128xi32, #tpu.memory_space<vmem>>
        %dma_wait3A_188 = arith.constant 0 : i32
        %dma_wait3A_189 = arith.constant 0 : i32
        %dma_wait3A_190 = tpu.memref_slice %arg11[%dma_wait3A_188, %dma_wait3A_189] : memref<10240x128xf32, #tpu.memory_space<vmem_shared>> -> memref<10240x128xf32, #tpu.memory_space<vmem_shared>>
        tpu.wait_indirect_dma semaphore(%run_scoped3A : memref<!tpu.dma_semaphore, #tpu.memory_space<semaphore_mem>>) src(%arg9 : memref<128x128xf32, #tpu.memory_space<vmem>>) dst(%dma_wait3A_190 : memref<10240x128xf32, #tpu.memory_space<vmem_shared>>)
        tpu.yield
      }) : () -> ()
      %add3A_165 = arith.constant 2 : i32
      %add3A_166 = arith.addi %mul3A_149, %add3A_165 : i32
      %lt3A_167 = arith.constant 40 : i32
      %lt3A_168 = arith.cmpi slt, %add3A_166, %lt3A_167 : i32
      %convert_element_type3A_169 = arith.extui %lt3A_168 : i1 to i32
      %cond3A_170 = arith.constant 0 : i32
      %cond3A_171 = arith.cmpi ne, %convert_element_type3A_169, %cond3A_170 : i32
      scf.if %cond3A_171 {
        %add3A_179 = arith.constant 2 : i32
        %add3A_180 = arith.addi %mul3A_149, %add3A_179 : i32
        %dma_start3A_181 = arith.constant 0 : i32
        %dma_start3A_182 = tpu.memref_slice %arg7[%add3A_180, %dma_start3A_181] : memref<40x128xi32, #tpu.memory_space<vmem>> -> memref<1x128xi32, #tpu.memory_space<vmem>>
        %dma_start3A_183 = tpu.memref_squeeze %dma_start3A_182 : memref<1x128xi32, #tpu.memory_space<vmem>> -> memref<128xi32, #tpu.memory_space<vmem>>
        %dma_start3A_184 = arith.constant 0 : i32
        %dma_start3A_185 = arith.constant 0 : i32
        %dma_start3A_186 = tpu.memref_slice %arg2[%dma_start3A_184, %dma_start3A_185] : memref<10000x128xf32, #tpu.memory_space<hbm>> -> memref<10000x128xf32, #tpu.memory_space<hbm>>
        tpu.enqueue_indirect_dma source(%dma_start3A_186 : memref<10000x128xf32, #tpu.memory_space<hbm>>) target(%arg9 : memref<128x128xf32, #tpu.memory_space<vmem>>) offsets(%dma_start3A_183 : memref<128xi32, #tpu.memory_space<vmem>>) semaphore(%arg12 : memref<!tpu.dma_semaphore, #tpu.memory_space<semaphore_mem>>)
      } else {
      }
      %dma_wait3A_172 = arith.constant 0 : i32
      %dma_wait3A_173 = arith.constant 0 : i32
      %dma_wait3A_174 = tpu.memref_slice %arg7[%dma_wait3A_172, %dma_wait3A_173] : memref<40x128xi32, #tpu.memory_space<vmem>> -> memref<1x128xi32, #tpu.memory_space<vmem>>
      %dma_wait3A_175 = tpu.memref_squeeze %dma_wait3A_174 : memref<1x128xi32, #tpu.memory_space<vmem>> -> memref<128xi32, #tpu.memory_space<vmem>>
      %dma_wait3A_176 = arith.constant 0 : i32
      %dma_wait3A_177 = arith.constant 0 : i32
      %dma_wait3A_178 = tpu.memref_slice %arg2[%dma_wait3A_176, %dma_wait3A_177] : memref<10000x128xf32, #tpu.memory_space<hbm>> -> memref<10000x128xf32, #tpu.memory_space<hbm>>
      tpu.wait_indirect_dma semaphore(%arg13 : memref<!tpu.dma_semaphore, #tpu.memory_space<semaphore_mem>>) src(%dma_wait3A_178 : memref<10000x128xf32, #tpu.memory_space<hbm>>) dst(%arg10 : memref<128x128xf32, #tpu.memory_space<vmem>>)
      "tpu.region"() ({
        %run_scoped3A = tpu.sem_alloc : memref<!tpu.dma_semaphore, #tpu.memory_space<semaphore_mem>>
        %dma_start3A_179 = arith.constant 0 : i32
        %dma_start3A_180 = tpu.memref_slice %arg8[%add3A_151, %dma_start3A_179] : memref<40x128xi32, #tpu.memory_space<vmem>> -> memref<1x128xi32, #tpu.memory_space<vmem>>
        %dma_start3A_181 = tpu.memref_squeeze %dma_start3A_180 : memref<1x128xi32, #tpu.memory_space<vmem>> -> memref<128xi32, #tpu.memory_space<vmem>>
        %dma_start3A_182 = arith.constant 0 : i32
        %dma_start3A_183 = arith.constant 0 : i32
        %dma_start3A_184 = tpu.memref_slice %arg11[%dma_start3A_182, %dma_start3A_183] : memref<10240x128xf32, #tpu.memory_space<vmem_shared>> -> memref<10240x128xf32, #tpu.memory_space<vmem_shared>>
        tpu.enqueue_indirect_dma source(%arg10 : memref<128x128xf32, #tpu.memory_space<vmem>>) target(%dma_start3A_184 : memref<10240x128xf32, #tpu.memory_space<vmem_shared>>) offsets(%dma_start3A_181 : memref<128xi32, #tpu.memory_space<vmem>>) semaphore(%run_scoped3A : memref<!tpu.dma_semaphore, #tpu.memory_space<semaphore_mem>>) {add = true}
        %dma_wait3A_185 = arith.constant 0 : i32
        %dma_wait3A_186 = tpu.memref_slice %arg8[%add3A_151, %dma_wait3A_185] : memref<40x128xi32, #tpu.memory_space<vmem>> -> memref<1x128xi32, #tpu.memory_space<vmem>>
        %dma_wait3A_187 = tpu.memref_squeeze %dma_wait3A_186 : memref<1x128xi32, #tpu.memory_space<vmem>> -> memref<128xi32, #tpu.memory_space<vmem>>
        %dma_wait3A_188 = arith.constant 0 : i32
        %dma_wait3A_189 = arith.constant 0 : i32
        %dma_wait3A_190 = tpu.memref_slice %arg11[%dma_wait3A_188, %dma_wait3A_189] : memref<10240x128xf32, #tpu.memory_space<vmem_shared>> -> memref<10240x128xf32, #tpu.memory_space<vmem_shared>>
        tpu.wait_indirect_dma semaphore(%run_scoped3A : memref<!tpu.dma_semaphore, #tpu.memory_space<semaphore_mem>>) src(%arg10 : memref<128x128xf32, #tpu.memory_space<vmem>>) dst(%dma_wait3A_190 : memref<10240x128xf32, #tpu.memory_space<vmem_shared>>)
        tpu.yield
      }) : () -> ()
    }
    %scan3A_139 = arith.constant 20 : i32
    %barrier3A_140 = arith.constant 0 : index
    tpu.barrier barrier_id(%barrier3A_140)
    %lt3A = arith.constant 15 : i32
    %lt3A_141 = arith.cmpi slt, %arg1, %lt3A : i32
    %convert_element_type3A = arith.extui %lt3A_141 : i1 to i32
    %cond3A = arith.constant 0 : i32
    %cond3A_142 = arith.cmpi ne, %convert_element_type3A, %cond3A : i32
    scf.if %cond3A_142 {
      %mul3A_147 = arith.constant 640 : i32
      %mul3A_148 = arith.muli %arg1, %mul3A_147 : i32
      %mul3A_149 = arith.constant 640 : i32
      %mul3A_150 = arith.muli %arg1, %mul3A_149 : i32
      "tpu.region"() ({
        %run_scoped3A = tpu.sem_alloc : memref<!tpu.dma_semaphore, #tpu.memory_space<semaphore_mem>>
        %dma_start3A_151 = arith.constant 0 : i32
        %dma_start3A_152 = arith.constant 0 : i32
        %dma_start3A_153 = tpu.memref_slice %arg6[%arg0, %dma_start3A_151, %dma_start3A_152] : memref<2x10000x128xf32, #tpu.memory_space<hbm>> -> memref<1x10000x128xf32, #tpu.memory_space<hbm>>
        %dma_start3A_154 = tpu.memref_squeeze %dma_start3A_153 : memref<1x10000x128xf32, #tpu.memory_space<hbm>> -> memref<10000x128xf32, #tpu.memory_space<hbm>>
        %dma_start3A_155 = arith.constant 0 : i32
        %dma_start3A_156 = tpu.memref_slice %dma_start3A_154[%mul3A_150, %dma_start3A_155] : memref<10000x128xf32, #tpu.memory_space<hbm>> -> memref<640x128xf32, #tpu.memory_space<hbm>>
        %dma_start3A_157 = arith.constant 0 : i32
        %dma_start3A_158 = tpu.memref_slice %arg11[%mul3A_148, %dma_start3A_157] : memref<10240x128xf32, #tpu.memory_space<vmem_shared>> -> memref<640x128xf32, #tpu.memory_space<vmem_shared>>
        tpu.enqueue_dma source(%dma_start3A_158 : memref<640x128xf32, #tpu.memory_space<vmem_shared>>) target(%dma_start3A_156 : memref<640x128xf32, #tpu.memory_space<hbm>>) target_semaphore(%run_scoped3A : memref<!tpu.dma_semaphore, #tpu.memory_space<semaphore_mem>>)
        %dma_wait3A_159 = arith.constant 0 : i32
        %dma_wait3A_160 = arith.constant 0 : i32
        %dma_wait3A_161 = tpu.memref_slice %arg6[%arg0, %dma_wait3A_159, %dma_wait3A_160] : memref<2x10000x128xf32, #tpu.memory_space<hbm>> -> memref<1x10000x128xf32, #tpu.memory_space<hbm>>
        %dma_wait3A_162 = tpu.memref_squeeze %dma_wait3A_161 : memref<1x10000x128xf32, #tpu.memory_space<hbm>> -> memref<10000x128xf32, #tpu.memory_space<hbm>>
        %dma_wait3A_163 = arith.constant 0 : i32
        %dma_wait3A_164 = tpu.memref_slice %dma_wait3A_162[%mul3A_150, %dma_wait3A_163] : memref<10000x128xf32, #tpu.memory_space<hbm>> -> memref<640x128xf32, #tpu.memory_space<hbm>>
        %dma_wait3A_165 = arith.constant 0 : i32
        %dma_wait3A_166 = tpu.memref_slice %arg11[%mul3A_148, %dma_wait3A_165] : memref<10240x128xf32, #tpu.memory_space<vmem_shared>> -> memref<640x128xf32, #tpu.memory_space<vmem_shared>>
        tpu.wait_dma2 semaphore(%run_scoped3A : memref<!tpu.dma_semaphore, #tpu.memory_space<semaphore_mem>>) src(%dma_wait3A_166 : memref<640x128xf32, #tpu.memory_space<vmem_shared>>) dst(%dma_wait3A_164 : memref<640x128xf32, #tpu.memory_space<hbm>>)
        tpu.yield
      }) : () -> ()
    } else {
    }
    %eq3A = arith.constant 15 : i32
    %eq3A_143 = arith.cmpi eq, %arg1, %eq3A : i32
    %convert_element_type3A_144 = arith.extui %eq3A_143 : i1 to i32
    %cond3A_145 = arith.constant 0 : i32
    %cond3A_146 = arith.cmpi ne, %convert_element_type3A_144, %cond3A_145 : i32
    scf.if %cond3A_146 {
      "tpu.region"() ({
        %run_scoped3A = tpu.sem_alloc : memref<!tpu.dma_semaphore, #tpu.memory_space<semaphore_mem>>
        %dma_start3A_147 = arith.constant 0 : i32
        %dma_start3A_148 = arith.constant 0 : i32
        %dma_start3A_149 = tpu.memref_slice %arg6[%arg0, %dma_start3A_147, %dma_start3A_148] : memref<2x10000x128xf32, #tpu.memory_space<hbm>> -> memref<1x10000x128xf32, #tpu.memory_space<hbm>>
        %dma_start3A_150 = tpu.memref_squeeze %dma_start3A_149 : memref<1x10000x128xf32, #tpu.memory_space<hbm>> -> memref<10000x128xf32, #tpu.memory_space<hbm>>
        %dma_start3A_151 = arith.constant 9600 : i32
        %dma_start3A_152 = arith.constant 0 : i32
        %dma_start3A_153 = tpu.memref_slice %dma_start3A_150[%dma_start3A_151, %dma_start3A_152] : memref<10000x128xf32, #tpu.memory_space<hbm>> -> memref<400x128xf32, #tpu.memory_space<hbm>>
        %dma_start3A_154 = arith.constant 9600 : i32
        %dma_start3A_155 = arith.constant 0 : i32
        %dma_start3A_156 = tpu.memref_slice %arg11[%dma_start3A_154, %dma_start3A_155] : memref<10240x128xf32, #tpu.memory_space<vmem_shared>> -> memref<400x128xf32, #tpu.memory_space<vmem_shared>>
        tpu.enqueue_dma source(%dma_start3A_156 : memref<400x128xf32, #tpu.memory_space<vmem_shared>>) target(%dma_start3A_153 : memref<400x128xf32, #tpu.memory_space<hbm>>) target_semaphore(%run_scoped3A : memref<!tpu.dma_semaphore, #tpu.memory_space<semaphore_mem>>)
        %dma_wait3A_157 = arith.constant 0 : i32
        %dma_wait3A_158 = arith.constant 0 : i32
        %dma_wait3A_159 = tpu.memref_slice %arg6[%arg0, %dma_wait3A_157, %dma_wait3A_158] : memref<2x10000x128xf32, #tpu.memory_space<hbm>> -> memref<1x10000x128xf32, #tpu.memory_space<hbm>>
        %dma_wait3A_160 = tpu.memref_squeeze %dma_wait3A_159 : memref<1x10000x128xf32, #tpu.memory_space<hbm>> -> memref<10000x128xf32, #tpu.memory_space<hbm>>
        %dma_wait3A_161 = arith.constant 9600 : i32
        %dma_wait3A_162 = arith.constant 0 : i32
        %dma_wait3A_163 = tpu.memref_slice %dma_wait3A_160[%dma_wait3A_161, %dma_wait3A_162] : memref<10000x128xf32, #tpu.memory_space<hbm>> -> memref<400x128xf32, #tpu.memory_space<hbm>>
        %dma_wait3A_164 = arith.constant 9600 : i32
        %dma_wait3A_165 = arith.constant 0 : i32
        %dma_wait3A_166 = tpu.memref_slice %arg11[%dma_wait3A_164, %dma_wait3A_165] : memref<10240x128xf32, #tpu.memory_space<vmem_shared>> -> memref<400x128xf32, #tpu.memory_space<vmem_shared>>
        tpu.wait_dma2 semaphore(%run_scoped3A : memref<!tpu.dma_semaphore, #tpu.memory_space<semaphore_mem>>) src(%dma_wait3A_166 : memref<400x128xf32, #tpu.memory_space<vmem_shared>>) dst(%dma_wait3A_163 : memref<400x128xf32, #tpu.memory_space<hbm>>)
        tpu.yield
      }) : () -> ()
    } else {
    }
    return
  }
}

module attributes {stable_mosaic.version = 14 : i64} {
  func.func @_mlp_body(%arg0: i32, %arg1: memref<1000x128xf32, #tpu.memory_space<vmem>>, %arg2: memref<2x1000x128xf32, #tpu.memory_space<vmem>>, %arg3: memref<128x128xf32, #tpu.memory_space<vmem>>, %arg4: memref<1x128xf32, #tpu.memory_space<vmem>>, %arg5: memref<128x128xf32, #tpu.memory_space<vmem>>, %arg6: memref<1x128xf32, #tpu.memory_space<vmem>>, %arg7: memref<1000x128xf32, #tpu.memory_space<vmem>>) attributes {dimension_semantics = [#tpu.dimension_semantics<arbitrary>], iteration_bounds = array<i64: 10>, scalar_prefetch = 0 : i64, scratch_operands = 0 : i64, tpu.core_type = #tpu.core_type<tc>, window_params = [{transform_indices = @transform_0, window_bounds = array<i64: 1000, 128>}, {transform_indices = @transform_1, window_bounds = array<i64: 2, 1000, 128>}, {pipeline_mode = #tpu.pipeline_mode<synchronous>, transform_indices = @transform_2, window_bounds = array<i64: 128, 128>}, {pipeline_mode = #tpu.pipeline_mode<synchronous>, transform_indices = @transform_3, window_bounds = array<i64: 1, 128>}, {pipeline_mode = #tpu.pipeline_mode<synchronous>, transform_indices = @transform_4, window_bounds = array<i64: 128, 128>}, {pipeline_mode = #tpu.pipeline_mode<synchronous>, transform_indices = @transform_5, window_bounds = array<i64: 1, 128>}, {transform_indices = @transform_6, window_bounds = array<i64: 1000, 128>}]} {
    %get3A = arith.constant 0 : index
    %get3A_0 = arith.constant 0 : index
    %get3A_1 = vector.load %arg1[%get3A, %get3A_0] : memref<1000x128xf32, #tpu.memory_space<vmem>>, vector<1000x128xf32>
    %get3A_2 = arith.constant 0 : index
    %get3A_3 = arith.constant 0 : index
    %get3A_4 = arith.constant 0 : index
    %get3A_5 = vector.load %arg2[%get3A_2, %get3A_3, %get3A_4] : memref<2x1000x128xf32, #tpu.memory_space<vmem>>, vector<1x1000x128xf32>
    %get3A_6 = vector.shape_cast %get3A_5 : vector<1x1000x128xf32> to vector<1000x128xf32>
    %add3A = arith.addf %get3A_1, %get3A_6 : vector<1000x128xf32>
    %get3A_7 = arith.constant 1 : index
    %get3A_8 = arith.constant 0 : index
    %get3A_9 = arith.constant 0 : index
    %get3A_10 = vector.load %arg2[%get3A_7, %get3A_8, %get3A_9] : memref<2x1000x128xf32, #tpu.memory_space<vmem>>, vector<1x1000x128xf32>
    %get3A_11 = vector.shape_cast %get3A_10 : vector<1x1000x128xf32> to vector<1000x128xf32>
    %add3A_12 = arith.addf %add3A, %get3A_11 : vector<1000x128xf32>
    %get3A_13 = arith.constant 0 : index
    %get3A_14 = arith.constant 0 : index
    %get3A_15 = vector.load %arg3[%get3A_13, %get3A_14] : memref<128x128xf32, #tpu.memory_space<vmem>>, vector<128x128xf32>
    %dot_general3A = arith.constant dense<0.000000e+00> : vector<1000x128xf32>
    %dot_general3A_16 = tpu.matmul %add3A_12, %get3A_15, %dot_general3A {dimension_numbers = #tpu.dot_dimension_numbers<[1], [0], [0], [1], [0, 0, 1, 1], [], []>, transpose_lhs_hint = false} : vector<1000x128xf32>, vector<128x128xf32>, vector<1000x128xf32> -> vector<1000x128xf32>
    %get3A_17 = arith.constant 0 : index
    %get3A_18 = arith.constant 0 : index
    %get3A_19 = vector.load %arg4[%get3A_17, %get3A_18] : memref<1x128xf32, #tpu.memory_space<vmem>>, vector<1x128xf32>
    %add3A_20 = vector.broadcast %get3A_19 : vector<1x128xf32> to vector<1000x128xf32>
    %add3A_21 = arith.addf %dot_general3A_16, %add3A_20 : vector<1000x128xf32>
    %max3A = arith.constant 0.000000e+00 : f32
    %max3A_22 = vector.broadcast %max3A : f32 to vector<1000x128xf32>
    %max3A_23 = arith.maximumf %add3A_21, %max3A_22 : vector<1000x128xf32>
    %get3A_24 = arith.constant 0 : index
    %get3A_25 = arith.constant 0 : index
    %get3A_26 = vector.load %arg5[%get3A_24, %get3A_25] : memref<128x128xf32, #tpu.memory_space<vmem>>, vector<128x128xf32>
    %dot_general3A_27 = arith.constant dense<0.000000e+00> : vector<1000x128xf32>
    %dot_general3A_28 = tpu.matmul %max3A_23, %get3A_26, %dot_general3A_27 {dimension_numbers = #tpu.dot_dimension_numbers<[1], [0], [0], [1], [0, 0, 1, 1], [], []>, transpose_lhs_hint = false} : vector<1000x128xf32>, vector<128x128xf32>, vector<1000x128xf32> -> vector<1000x128xf32>
    %get3A_29 = arith.constant 0 : index
    %get3A_30 = arith.constant 0 : index
    %get3A_31 = vector.load %arg6[%get3A_29, %get3A_30] : memref<1x128xf32, #tpu.memory_space<vmem>>, vector<1x128xf32>
    %add3A_32 = vector.broadcast %get3A_31 : vector<1x128xf32> to vector<1000x128xf32>
    %add3A_33 = arith.addf %dot_general3A_28, %add3A_32 : vector<1000x128xf32>
    %max3A_34 = arith.constant 0.000000e+00 : f32
    %max3A_35 = vector.broadcast %max3A_34 : f32 to vector<1000x128xf32>
    %max3A_36 = arith.maximumf %add3A_33, %max3A_35 : vector<1000x128xf32>
    %swap3A = arith.constant 0 : index
    %swap3A_37 = arith.constant 0 : index
    %swap3A_38 = vector.load %arg7[%swap3A, %swap3A_37] : memref<1000x128xf32, #tpu.memory_space<vmem>>, vector<1000x128xf32>
    tpu.vector_store %arg7[%swap3A, %swap3A_37], %max3A_36 {strides = array<i32>} : memref<1000x128xf32, #tpu.memory_space<vmem>>, vector<1000x128xf32>,
    return
  }
  func.func @transform_0(%arg0: i32) -> (i32, i32) {
    %c0_i32 = arith.constant 0 : i32
    %c0_i32_0 = arith.constant 0 : i32
    return %arg0, %c0_i32 : i32, i32
  }
  func.func @transform_1(%arg0: i32) -> (i32, i32, i32) {
    %c0_i32 = arith.constant 0 : i32
    %c0_i32_0 = arith.constant 0 : i32
    %c0_i32_1 = arith.constant 0 : i32
    return %c0_i32, %arg0, %c0_i32_0 : i32, i32, i32
  }
  func.func @transform_2(%arg0: i32) -> (i32, i32) {
    %c0_i32 = arith.constant 0 : i32
    %c0_i32_0 = arith.constant 0 : i32
    %c0_i32_1 = arith.constant 0 : i32
    return %c0_i32, %c0_i32_0 : i32, i32
  }
  func.func @transform_3(%arg0: i32) -> (i32, i32) {
    %c0_i32 = arith.constant 0 : i32
    %c0_i32_0 = arith.constant 0 : i32
    %c0_i32_1 = arith.constant 0 : i32
    return %c0_i32, %c0_i32_0 : i32, i32
  }
  func.func @transform_4(%arg0: i32) -> (i32, i32) {
    %c0_i32 = arith.constant 0 : i32
    %c0_i32_0 = arith.constant 0 : i32
    %c0_i32_1 = arith.constant 0 : i32
    return %c0_i32, %c0_i32_0 : i32, i32
  }
  func.func @transform_5(%arg0: i32) -> (i32, i32) {
    %c0_i32 = arith.constant 0 : i32
    %c0_i32_0 = arith.constant 0 : i32
    %c0_i32_1 = arith.constant 0 : i32
    return %c0_i32, %c0_i32_0 : i32, i32
  }
  func.func @transform_6(%arg0: i32) -> (i32, i32) {
    %c0_i32 = arith.constant 0 : i32
    %c0_i32_0 = arith.constant 0 : i32
    return %arg0, %c0_i32 : i32, i32
  }
}

module attributes {stable_mosaic.version = 14 : i64} {
  func.func @_mlp_pool_body(%arg0: i32, %arg1: memref<1000x128xf32, #tpu.memory_space<vmem>>, %arg2: memref<2x1000x128xf32, #tpu.memory_space<vmem>>, %arg3: memref<128x128xf32, #tpu.memory_space<vmem>>, %arg4: memref<1x128xf32, #tpu.memory_space<vmem>>, %arg5: memref<128x128xf32, #tpu.memory_space<vmem>>, %arg6: memref<1x128xf32, #tpu.memory_space<vmem>>, %arg7: memref<1x1x1000xi32, #tpu.memory_space<vmem>>, %arg8: memref<128x64xf32, #tpu.memory_space<vmem>>, %arg9: memref<1x64xf32, #tpu.memory_space<vmem>>, %arg10: memref<128x64xf32, #tpu.memory_space<vmem>>, %arg11: memref<128x128xf32, #tpu.memory_space<vmem>>) attributes {dimension_semantics = [#tpu.dimension_semantics<arbitrary>], iteration_bounds = array<i64: 10>, scalar_prefetch = 0 : i64, scratch_operands = 1 : i64, tpu.core_type = #tpu.core_type<tc>, window_params = [{transform_indices = @transform_0, window_bounds = array<i64: 1000, 128>}, {transform_indices = @transform_1, window_bounds = array<i64: 2, 1000, 128>}, {pipeline_mode = #tpu.pipeline_mode<synchronous>, transform_indices = @transform_2, window_bounds = array<i64: 128, 128>}, {pipeline_mode = #tpu.pipeline_mode<synchronous>, transform_indices = @transform_3, window_bounds = array<i64: 1, 128>}, {pipeline_mode = #tpu.pipeline_mode<synchronous>, transform_indices = @transform_4, window_bounds = array<i64: 128, 128>}, {pipeline_mode = #tpu.pipeline_mode<synchronous>, transform_indices = @transform_5, window_bounds = array<i64: 1, 128>}, {transform_indices = @transform_6, window_bounds = array<i64: 1, 1, 1000>}, {pipeline_mode = #tpu.pipeline_mode<synchronous>, transform_indices = @transform_7, window_bounds = array<i64: 128, 64>}, {pipeline_mode = #tpu.pipeline_mode<synchronous>, transform_indices = @transform_8, window_bounds = array<i64: 1, 64>}, {pipeline_mode = #tpu.pipeline_mode<synchronous>, transform_indices = @transform_9, window_bounds = array<i64: 128, 64>}]} {
    %eq3A = arith.constant 0 : i32
    %eq3A_0 = arith.cmpi eq, %arg0, %eq3A : i32
    %convert_element_type3A = arith.extui %eq3A_0 : i1 to i32
    %cond3A = arith.constant 0 : i32
    %cond3A_1 = arith.cmpi ne, %convert_element_type3A, %cond3A : i32
    scf.if %cond3A_1 {
      %broadcast_in_dim3A = arith.constant 0.000000e+00 : f32
      %broadcast_in_dim3A_60 = vector.broadcast %broadcast_in_dim3A : f32 to vector<128x128xf32>
      %swap3A_61 = arith.constant 0 : index
      %swap3A_62 = arith.constant 0 : index
      %swap3A_63 = vector.load %arg11[%swap3A_61, %swap3A_62] : memref<128x128xf32, #tpu.memory_space<vmem>>, vector<128x128xf32>
      tpu.vector_store %arg11[%swap3A_61, %swap3A_62], %broadcast_in_dim3A_60 {strides = array<i32>} : memref<128x128xf32, #tpu.memory_space<vmem>>, vector<128x128xf32>,
    } else {
    }
    %get3A = arith.constant 0 : index
    %get3A_2 = arith.constant 0 : index
    %get3A_3 = vector.load %arg1[%get3A, %get3A_2] : memref<1000x128xf32, #tpu.memory_space<vmem>>, vector<1000x128xf32>
    %get3A_4 = arith.constant 0 : index
    %get3A_5 = arith.constant 0 : index
    %get3A_6 = arith.constant 0 : index
    %get3A_7 = vector.load %arg2[%get3A_4, %get3A_5, %get3A_6] : memref<2x1000x128xf32, #tpu.memory_space<vmem>>, vector<1x1000x128xf32>
    %get3A_8 = vector.shape_cast %get3A_7 : vector<1x1000x128xf32> to vector<1000x128xf32>
    %add3A = arith.addf %get3A_3, %get3A_8 : vector<1000x128xf32>
    %get3A_9 = arith.constant 1 : index
    %get3A_10 = arith.constant 0 : index
    %get3A_11 = arith.constant 0 : index
    %get3A_12 = vector.load %arg2[%get3A_9, %get3A_10, %get3A_11] : memref<2x1000x128xf32, #tpu.memory_space<vmem>>, vector<1x1000x128xf32>
    %get3A_13 = vector.shape_cast %get3A_12 : vector<1x1000x128xf32> to vector<1000x128xf32>
    %add3A_14 = arith.addf %add3A, %get3A_13 : vector<1000x128xf32>
    %get3A_15 = arith.constant 0 : index
    %get3A_16 = arith.constant 0 : index
    %get3A_17 = vector.load %arg3[%get3A_15, %get3A_16] : memref<128x128xf32, #tpu.memory_space<vmem>>, vector<128x128xf32>
    %dot_general3A = arith.constant dense<0.000000e+00> : vector<1000x128xf32>
    %dot_general3A_18 = tpu.matmul %add3A_14, %get3A_17, %dot_general3A {dimension_numbers = #tpu.dot_dimension_numbers<[1], [0], [0], [1], [0, 0, 1, 1], [], []>, transpose_lhs_hint = false} : vector<1000x128xf32>, vector<128x128xf32>, vector<1000x128xf32> -> vector<1000x128xf32>
    %get3A_19 = arith.constant 0 : index
    %get3A_20 = arith.constant 0 : index
    %get3A_21 = vector.load %arg4[%get3A_19, %get3A_20] : memref<1x128xf32, #tpu.memory_space<vmem>>, vector<1x128xf32>
    %add3A_22 = vector.broadcast %get3A_21 : vector<1x128xf32> to vector<1000x128xf32>
    %add3A_23 = arith.addf %dot_general3A_18, %add3A_22 : vector<1000x128xf32>
    %max3A = arith.constant 0.000000e+00 : f32
    %max3A_24 = vector.broadcast %max3A : f32 to vector<1000x128xf32>
    %max3A_25 = arith.maximumf %add3A_23, %max3A_24 : vector<1000x128xf32>
    %get3A_26 = arith.constant 0 : index
    %get3A_27 = arith.constant 0 : index
    %get3A_28 = vector.load %arg5[%get3A_26, %get3A_27] : memref<128x128xf32, #tpu.memory_space<vmem>>, vector<128x128xf32>
    %dot_general3A_29 = arith.constant dense<0.000000e+00> : vector<1000x128xf32>
    %dot_general3A_30 = tpu.matmul %max3A_25, %get3A_28, %dot_general3A_29 {dimension_numbers = #tpu.dot_dimension_numbers<[1], [0], [0], [1], [0, 0, 1, 1], [], []>, transpose_lhs_hint = false} : vector<1000x128xf32>, vector<128x128xf32>, vector<1000x128xf32> -> vector<1000x128xf32>
    %get3A_31 = arith.constant 0 : index
    %get3A_32 = arith.constant 0 : index
    %get3A_33 = vector.load %arg6[%get3A_31, %get3A_32] : memref<1x128xf32, #tpu.memory_space<vmem>>, vector<1x128xf32>
    %add3A_34 = vector.broadcast %get3A_33 : vector<1x128xf32> to vector<1000x128xf32>
    %add3A_35 = arith.addf %dot_general3A_30, %add3A_34 : vector<1000x128xf32>
    %max3A_36 = arith.constant 0.000000e+00 : f32
    %max3A_37 = vector.broadcast %max3A_36 : f32 to vector<1000x128xf32>
    %max3A_38 = arith.maximumf %add3A_35, %max3A_37 : vector<1000x128xf32>
    %get3A_39 = arith.constant 0 : index
    %get3A_40 = arith.constant 0 : index
    %get3A_41 = arith.constant 0 : index
    %get3A_42 = vector.load %arg7[%get3A_39, %get3A_40, %get3A_41] : memref<1x1x1000xi32, #tpu.memory_space<vmem>>, vector<1x1x1000xi32>
    %reshape3A = vector.shape_cast %get3A_42 : vector<1x1x1000xi32> to vector<1x1000xi32>
    %iota3A = tpu.iota {dimensions = array<i32: 0>} : vector<128x1000xi32>
    %eq3A_43 = vector.broadcast %reshape3A : vector<1x1000xi32> to vector<128x1000xi32>
    %eq3A_44 = arith.cmpi eq, %iota3A, %eq3A_43 : vector<128x1000xi32>
    %convert_element_type3A_45 = arith.extui %eq3A_44 : vector<128x1000xi1> to vector<128x1000xi32>
    %convert_element_type3A_46 = arith.sitofp %convert_element_type3A_45 : vector<128x1000xi32> to vector<128x1000xf32>
    %get3A_47 = arith.constant 0 : index
    %get3A_48 = arith.constant 0 : index
    %get3A_49 = vector.load %arg11[%get3A_47, %get3A_48] : memref<128x128xf32, #tpu.memory_space<vmem>>, vector<128x128xf32>
    %dot_general3A_50 = arith.constant dense<0.000000e+00> : vector<128x128xf32>
    %dot_general3A_51 = tpu.matmul %convert_element_type3A_46, %max3A_38, %dot_general3A_50 {dimension_numbers = #tpu.dot_dimension_numbers<[1], [0], [0], [1], [0, 0, 1, 1], [], []>, transpose_lhs_hint = false} : vector<128x1000xf32>, vector<1000x128xf32>, vector<128x128xf32> -> vector<128x128xf32>
    %add3A_52 = arith.addf %get3A_49, %dot_general3A_51 : vector<128x128xf32>
    %swap3A = arith.constant 0 : index
    %swap3A_53 = arith.constant 0 : index
    %swap3A_54 = vector.load %arg11[%swap3A, %swap3A_53] : memref<128x128xf32, #tpu.memory_space<vmem>>, vector<128x128xf32>
    tpu.vector_store %arg11[%swap3A, %swap3A_53], %add3A_52 {strides = array<i32>} : memref<128x128xf32, #tpu.memory_space<vmem>>, vector<128x128xf32>,
    %eq3A_55 = arith.constant 9 : i32
    %eq3A_56 = arith.cmpi eq, %arg0, %eq3A_55 : i32
    %convert_element_type3A_57 = arith.extui %eq3A_56 : i1 to i32
    %cond3A_58 = arith.constant 0 : i32
    %cond3A_59 = arith.cmpi ne, %convert_element_type3A_57, %cond3A_58 : i32
    scf.if %cond3A_59 {
      %get3A_60 = arith.constant 0 : index
      %get3A_61 = arith.constant 0 : index
      %get3A_62 = vector.load %arg11[%get3A_60, %get3A_61] : memref<128x128xf32, #tpu.memory_space<vmem>>, vector<128x128xf32>
      %get3A_63 = arith.constant 0 : index
      %get3A_64 = arith.constant 0 : index
      %get3A_65 = vector.load %arg8[%get3A_63, %get3A_64] : memref<128x64xf32, #tpu.memory_space<vmem>>, vector<128x64xf32>
      %dot_general3A_66 = arith.constant dense<0.000000e+00> : vector<128x64xf32>
      %dot_general3A_67 = tpu.matmul %get3A_62, %get3A_65, %dot_general3A_66 {dimension_numbers = #tpu.dot_dimension_numbers<[1], [0], [0], [1], [0, 0, 1, 1], [], []>, transpose_lhs_hint = false} : vector<128x128xf32>, vector<128x64xf32>, vector<128x64xf32> -> vector<128x64xf32>
      %get3A_68 = arith.constant 0 : index
      %get3A_69 = arith.constant 0 : index
      %get3A_70 = vector.load %arg9[%get3A_68, %get3A_69] : memref<1x64xf32, #tpu.memory_space<vmem>>, vector<1x64xf32>
      %add3A_71 = vector.broadcast %get3A_70 : vector<1x64xf32> to vector<128x64xf32>
      %add3A_72 = arith.addf %dot_general3A_67, %add3A_71 : vector<128x64xf32>
      %reduce_max3A = arith.constant dense<0xFF800000> : vector<128xf32>
      %reduce_max3A_73 = vector.multi_reduction <maximumf>, %add3A_72, %reduce_max3A [1] : vector<128x64xf32> to vector<128xf32>
      %broadcast_in_dim3A = vector.shape_cast %reduce_max3A_73 : vector<128xf32> to vector<128x1xf32>
      %sub3A = vector.broadcast %broadcast_in_dim3A : vector<128x1xf32> to vector<128x64xf32>
      %sub3A_74 = arith.subf %add3A_72, %sub3A : vector<128x64xf32>
      %exp3A = math.exp %sub3A_74 : vector<128x64xf32>
      %reduce_sum3A = arith.constant dense<0.000000e+00> : vector<128xf32>
      %reduce_sum3A_75 = vector.multi_reduction <add>, %exp3A, %reduce_sum3A [1] : vector<128x64xf32> to vector<128xf32>
      %broadcast_in_dim3A_76 = vector.shape_cast %reduce_sum3A_75 : vector<128xf32> to vector<128x1xf32>
      %log3A = math.log %broadcast_in_dim3A_76 : vector<128x1xf32>
      %add3A_77 = arith.addf %log3A, %broadcast_in_dim3A : vector<128x1xf32>
      %sub3A_78 = vector.broadcast %add3A_77 : vector<128x1xf32> to vector<128x64xf32>
      %sub3A_79 = arith.subf %add3A_72, %sub3A_78 : vector<128x64xf32>
      %swap3A_80 = arith.constant 0 : index
      %swap3A_81 = arith.constant 0 : index
      %swap3A_82 = vector.load %arg10[%swap3A_80, %swap3A_81] : memref<128x64xf32, #tpu.memory_space<vmem>>, vector<128x64xf32>
      tpu.vector_store %arg10[%swap3A_80, %swap3A_81], %sub3A_79 {strides = array<i32>} : memref<128x64xf32, #tpu.memory_space<vmem>>, vector<128x64xf32>,
    } else {
    }
    return
  }
  func.func @transform_0(%arg0: i32) -> (i32, i32) {
    %c0_i32 = arith.constant 0 : i32
    %c0_i32_0 = arith.constant 0 : i32
    return %arg0, %c0_i32 : i32, i32
  }
  func.func @transform_1(%arg0: i32) -> (i32, i32, i32) {
    %c0_i32 = arith.constant 0 : i32
    %c0_i32_0 = arith.constant 0 : i32
    %c0_i32_1 = arith.constant 0 : i32
    return %c0_i32, %arg0, %c0_i32_0 : i32, i32, i32
  }
  func.func @transform_2(%arg0: i32) -> (i32, i32) {
    %c0_i32 = arith.constant 0 : i32
    %c0_i32_0 = arith.constant 0 : i32
    %c0_i32_1 = arith.constant 0 : i32
    return %c0_i32, %c0_i32_0 : i32, i32
  }
  func.func @transform_3(%arg0: i32) -> (i32, i32) {
    %c0_i32 = arith.constant 0 : i32
    %c0_i32_0 = arith.constant 0 : i32
    %c0_i32_1 = arith.constant 0 : i32
    return %c0_i32, %c0_i32_0 : i32, i32
  }
  func.func @transform_4(%arg0: i32) -> (i32, i32) {
    %c0_i32 = arith.constant 0 : i32
    %c0_i32_0 = arith.constant 0 : i32
    %c0_i32_1 = arith.constant 0 : i32
    return %c0_i32, %c0_i32_0 : i32, i32
  }
  func.func @transform_5(%arg0: i32) -> (i32, i32) {
    %c0_i32 = arith.constant 0 : i32
    %c0_i32_0 = arith.constant 0 : i32
    %c0_i32_1 = arith.constant 0 : i32
    return %c0_i32, %c0_i32_0 : i32, i32
  }
  func.func @transform_6(%arg0: i32) -> (i32, i32, i32) {
    %c0_i32 = arith.constant 0 : i32
    %c0_i32_0 = arith.constant 0 : i32
    %c0_i32_1 = arith.constant 0 : i32
    return %arg0, %c0_i32, %c0_i32_0 : i32, i32, i32
  }
  func.func @transform_7(%arg0: i32) -> (i32, i32) {
    %c0_i32 = arith.constant 0 : i32
    %c0_i32_0 = arith.constant 0 : i32
    %c0_i32_1 = arith.constant 0 : i32
    return %c0_i32, %c0_i32_0 : i32, i32
  }
  func.func @transform_8(%arg0: i32) -> (i32, i32) {
    %c0_i32 = arith.constant 0 : i32
    %c0_i32_0 = arith.constant 0 : i32
    %c0_i32_1 = arith.constant 0 : i32
    return %c0_i32, %c0_i32_0 : i32, i32
  }
  func.func @transform_9(%arg0: i32) -> (i32, i32) {
    %c0_i32 = arith.constant 0 : i32
    %c0_i32_0 = arith.constant 0 : i32
    %c0_i32_1 = arith.constant 0 : i32
    return %c0_i32, %c0_i32_0 : i32, i32
  }
}

</mosaic_0001>

<sc_bundles>
// kernel: kernel.11.cloned.1.call-start
scs
__scs_entry_jumppad:
0x0: {  	(pc) =	sbr.rel $0x88, $3  }
0x1: {  	(tag) =	ssettag $0x0;
	lr =	simm.s32 $0x1  }
0x2: {  	[smem:$0x3F90] =	sst lr;
	_ =	strace $0xD0000000  }
0x3: {  	_ = 	snop  }
0x4: {  	_ = 	snop  }
0x5: {  	_ = 	snop  }
0x6: {  	_ = 	snop  }
0x7: {  	_ = 	snop  }
__scs_overlays_trampoline_lowered:
0x8: {  	[smem:$0x3F9F] =	sst s0  }
0x9: {  	[smem:$0x3FA0] =	sst s1  }
0xa: {  	[smem:$0x3FA1] =	sst s2  }
0xb: {  	[smem:$0x3FA2] =	sst s3  }
0xc: {  	[smem:$0x3FA3] =	sst s4  }
0xd: {  	[smem:$0x3FA4] =	sst s5  }
0xe: {  	[smem:$0x3FA5] =	sst s6  }
0xf: {  	[smem:$0x3FA6] =	sst s7  }
0x10: {  	[smem:$0x3FA7] =	sst s8  }
0x11: {  	[smem:$0x3FA8] =	sst s9;
	s0 =	simm.s32 @!p0 $0x0  }
0x12: {  	s1 =	sld [smem:$0x3F8E];
	s0 =	simm.s32 @p0 $0x1  }
0x13: {  	[smem:$0x3FA9] =	sst s0;
	s0 =	simm.s32 @!p1 $0x0  }
0x14: {  	s2 =	sld [smem:$0x3F8D];
	s0 =	simm.s32 @p1 $0x1  }
0x15: {  	[smem:$0x3FAA] =	sst s0;
	s0 =	simm.s32 @!p2 $0x0  }
0x16: {  	s3 =	sld [smem:$0x3FDB];
	s0 =	simm.s32 @p2 $0x1  }
0x17: {  	s4 =	simm.s32 $0x1BF5;
	[smem:$0x3FAC] =	sst s0  }
0x18: {  	s0 =	sld [smem:$0x3F8F];
	_ =	swait.ge [sflag:s4], $0x0  }
0x19: {  	s7 =	sld [smem:$0x3F90]  }
0x1a: {  	s8 =	sadd.s32 $0xFFFFE003, lr  }
0x1b: {  	s9 =	sadd.s32 $0xFFFFFEF7, lr;
	s5 =	simm.s32 $0xFFFFFFFF;
	p2 =	slt.u32 s8, $0xFFFFF086  }
0x1c: {  	p1 =	slt.u32 s9, $0xF7A;
	s5 =	simm.s32 @!p2 $0x0  }
0x1d: {  	s5 =	simm.s32 @p1 $0x1;
	p0 =	seq.s32 s7, s2  }
0x1e: {  	s7 =	smul.u32 @!p0 $0xF7A, s2;
	p2 =	seq.s32 @!p0 s5, $0x0  }
0x1f: {  	s9 =	smul.u32 $0xF7A, s1;
	s8 =	simm.s32 @!p0 $0x1BF5;
	p2 =	por !p2, p0  }
0x20: {  	[sflag:s8] =	ssyncset.s32 @!p0 $0xFFFFF086;
	s6 =	sadd.s32 @!p0 s3, s7;
	s7 =	simm.s32 @!p0 $0x108  }
0x21: {  	s3 =	sadd.s32 s3, s9;
	s6 =	sadd.s32 @!p0 $0x88, s6;
	s7 =	simm.s32 @p2 $0x1082  }
0x22: {  	[simem:s7], [sflag:s8] =	dma.local @!p0 [hbm:s6], $0xF7A  }
0x23: {  	s9 =	sor.u32 $0xD0000000, s2;
	s6 =	simm.s32 $0x108;
	_ =	swait.ge @!p0 [sflag:s8], $0x0  }
0x24: {  	s3 =	sadd.s32 $0x88, s3;
	s6 =	simm.s32 @!p1 $0x1082;
	[sflag:s4] =	ssyncset.s32 $0xFFFFF086  }
0x25: {  	[simem:s6], [sflag:s4] =	dma.local [hbm:s3], $0xF7A  }
0x26: {  	[smem:$0x3F90] =	sst s1;
	(tag) =	ssettag s2;
	_ =	strace s9  }
0x27: {  	s1 =	sld [smem:$0x3FA0]  }
0x28: {  	s2 =	sld [smem:$0x3FA1]  }
0x29: {  	s4 =	sld [smem:$0x3FA3]  }
0x2a: {  	p0 =	seq.s32 s5, $0x0;
	s5 =	sld [smem:$0x3FA4]  }
0x2b: {  	s6 =	sld [smem:$0x3FA5]  }
0x2c: {  	s7 =	sld [smem:$0x3FA6]  }
0x2d: {  	s3 =	simm.s32 $0x108;
	s8 =	sld [smem:$0x3FA7]  }
0x2e: {  	s3 =	simm.s32 @!p0 $0x1082;
	s9 =	sld [smem:$0x3FA8]  }
0x2f: {  	lr =	sadd.s32 s0, s3;
	s0 =	sld [smem:$0x3F9F]  }
0x30: {  	s3 =	sld [smem:$0x3FA2]  }
0x31: {  	[smem:$0x3FAB] =	sst s10  }
0x32: {  	s10 =	sld [smem:$0x3FA9];
	_ =	sdelay $0x3  }
0x33: {  	p0 =	seq.s32 s10, $0x1;
	s10 =	sld [smem:$0x3FAB];
	_ =	sdelay $0x3  }
0x34: {  	[smem:$0x3FAB] =	sst s10  }
0x35: {  	s10 =	sld [smem:$0x3FAA];
	_ =	sdelay $0x3  }
0x36: {  	p1 =	seq.s32 s10, $0x1;
	s10 =	sld [smem:$0x3FAB];
	_ =	sdelay $0x3  }
0x37: {  	[smem:$0x3FAB] =	sst s10  }
0x38: {  	s10 =	sld [smem:$0x3FAC]  }
0x39: {  	_ = 	snop;
	(pc) =	sbr.ind lr, $3  }
0x3a: {  	_ = 	snop  }
0x3b: {  	_ = 	snop  }
0x3c: {  	p2 =	seq.s32 s10, $0x1;
	s10 =	sld [smem:$0x3FAB]  }
0x3d: {  	_ =	shalt  }
0x3e: {  	_ =	shalt  }
0x3f: {  	_ =	shalt  }
0x40: {  	_ =	shalt  }
0x41: {  	_ =	shalt  }
0x42: {  	_ =	shalt  }
0x43: {  	_ =	shalt  }
0x44: {  	_ =	shalt  }
0x45: {  	_ =	shalt  }
0x46: {  	_ =	shalt  }
0x47: {  	_ =	shalt  }
0x48: {  	_ =	shalt  }
0x49: {  	_ =	shalt  }
0x4a: {  	_ =	shalt  }
0x4b: {  	_ =	shalt  }
0x4c: {  	_ =	shalt  }
0x4d: {  	_ =	shalt  }
0x4e: {  	_ =	shalt  }
0x4f: {  	_ =	shalt  }
0x50: {  	_ =	shalt  }
0x51: {  	_ =	shalt  }
0x52: {  	_ =	shalt  }
0x53: {  	_ =	shalt  }
0x54: {  	_ =	shalt  }
0x55: {  	_ =	shalt  }
0x56: {  	_ =	shalt  }
0x57: {  	_ =	shalt  }
0x58: {  	_ =	shalt  }
0x59: {  	_ =	shalt  }
0x5a: {  	_ =	shalt  }
0x5b: {  	_ =	shalt  }
0x5c: {  	_ =	shalt  }
0x5d: {  	_ =	shalt  }
0x5e: {  	_ =	shalt  }
0x5f: {  	_ =	shalt  }
0x60: {  	_ =	shalt  }
0x61: {  	_ =	shalt  }
0x62: {  	_ =	shalt  }
0x63: {  	_ =	shalt  }
0x64: {  	_ =	shalt  }
0x65: {  	_ =	shalt  }
0x66: {  	_ =	shalt  }
0x67: {  	_ =	shalt  }
0x68: {  	_ =	shalt  }
0x69: {  	_ =	shalt  }
0x6a: {  	_ =	shalt  }
0x6b: {  	_ =	shalt  }
0x6c: {  	_ =	shalt  }
0x6d: {  	_ =	shalt  }
0x6e: {  	_ =	shalt  }
0x6f: {  	_ =	shalt  }
0x70: {  	_ =	shalt  }
0x71: {  	_ =	shalt  }
0x72: {  	_ =	shalt  }
0x73: {  	_ =	shalt  }
0x74: {  	_ =	shalt  }
0x75: {  	_ =	shalt  }
0x76: {  	_ =	shalt  }
0x77: {  	_ =	shalt  }
0x78: {  	_ =	shalt  }
0x79: {  	_ =	shalt  }
0x7a: {  	_ =	shalt  }
0x7b: {  	_ =	shalt  }
0x7c: {  	_ =	shalt  }
0x7d: {  	_ =	shalt  }
0x7e: {  	_ =	shalt  }
0x7f: {  	_ =	shalt  }
0x80: {  	_ =	shalt  }
0x81: {  	_ =	shalt  }
0x82: {  	_ =	shalt  }
0x83: {  	_ =	shalt  }
0x84: {  	_ =	shalt  }
0x85: {  	_ =	shalt  }
0x86: {  	_ =	shalt  }
0x87: {  	_ =	shalt  }
.Lfunc_end0:
.L_simem_size_0:
called_computation.1_lowered:
.L_overlay_start_0:
0x88: {  	s2 =	sld [smem:$0x3FD9]  }
0x89: {  	s3 =	sld [smem:$0x3FFE];
	_ =	sdelay $0x1  }
0x8a: {  	s1 =	srdreg.scid  }
0x8b: {  	s0 =	sand.u32 $0x1, s1  }
0x8c: {  	s16 =	sshll.u32 s0, $0xA;
	s2 =	sadd.s32 s3, s2  }
0x8d: {  	s2 =	sadd.s32 s2, s16  }
0x8e: {  	[smem:$0x3FB7] =	sst s2  }
0x8f: {  	_ = 	snop  }
0x90: {  	(tm) =	ssettm $0x1  }
0x91: {  	s17 =	sld [smem:$0x3FFB];
	_ =	sdelay $0x3  }
0x92: {  	_ =	strace s17  }
0x93: {  	s2 =	sld [smem:$0x3FFC];
	_ =	sdelay $0x3  }
0x94: {  	_ =	strace s2  }
0x95: {  	s2 =	sld [smem:$0x3FFD];
	_ =	sdelay $0x3  }
0x96: {  	_ =	strace s2  }
0x97: {  	_ =	strace $0x8FFFFFFF  }
0x98: {  	s18 =	sld [smem:$0x3FDB];
	_ =	sdelay $0x1  }
0x99: {  	s19 =	simm.s32 $_scs_section_size  }
0x9a: {  	s4 =	simm.s32 $_size__tile_overlayer_lowered;
	s5 =	simm.s32 $_tile_overlayer_lowered  }
0x9b: {  	s22 =	simm.s32 $0x1BFF;
	s21 =	sshll.u32 s5, $0x1;
	s2 =	sadd.s32 s19, s18  }
0x9c: {  	s6 =	simm.s32 $0x0;
	s20 =	sshll.u32 s4, $0x1;
	s4 =	sadd.s32 s21, s2  }
0x9d: {  	[timem:s6], [sflag:s22] =	dma.local [hbm:s4], s20  }
0x9e: {  	_ =	swait.ge [sflag:s22], s20  }
0x9f: {  	s3 =	ssub.s32 $0x0, s20;
	[sflag:s22] =	ssyncset.done $0x0  }
0xa0: {  	[sflag:s22] =	ssyncadd.s32 s3;
	_ =	sdelay $0x1  }
0xa1: {  	s23 =	simm.s32 $0x1B8B  }
0xa2: {  	_ =	swait.ge [sflag:s23], $0x1  }
0xa3: {  	[sflag:s23] =	ssyncset.done $0x0  }
0xa4: {  	s25 =	simm.s32 $0x1B8E;
	s24 =	sld [smem:$0x3FFE];
	[sflag:s23] =	ssyncadd.s32 $0xFFFFFFFF  }
0xa5: {  	s26 =	simm.s32 $execute0_lowered;
	[smem:$0x3FD2] =	sst s25  }
0xa6: {  	s4 =	sshll.u32 s26, $0x1;
	_ =	strace $0x80000049;
	[dreg:$0x1] =	wrdreg $0xFFFFFFFF  }
0xa7: {  	s28 =	simm.s32 $_size_execute0_lowered;
	s2 =	sadd.s32 s2, s4;
	[dreg:$0x0] =	wrdreg $0x0  }
0xa8: {  	s4 =	sshll.u32 s28, $0x1;
	[dreg:$0x2] =	wrdreg s2  }
0xa9: {  	[dreg:$0x3] =	wrdreg s4  }
0xaa: {  	[dreg:$0x4] =	wrdreg $0xC0  }
0xab: {  	_ =	task [dreg:s6], $0x5FFFF  }
0xac: {  	[dreg:$0x1] =	wrdreg $0xFFFFFFFF  }
0xad: {  	[dreg:$0x0] =	wrdreg $0x60  }
0xae: {  	[dreg:$0x2] =	wrdreg s24  }
0xaf: {  	[dreg:$0x3] =	wrdreg $0xA8000  }
0xb0: {  	[dreg:$0x4] =	wrdreg $0x9  }
0xb1: {  	_ =	task.clear_ibuf [dreg:s6], $0x5FFFF;
	_ =	strace $0x90000049  }
0xb2: {  	s29 =	simm.s32 $0x9;
	_ =	strace $0x8000004B  }
0xb3: {  	_ =	swait.ge [sflag:s29], $0x1  }
0xb4: {  	[sflag:s29] =	ssyncadd.s32 $0xFFFFFFFF  }
0xb5: {  	_ =	strace $0x9000004B  }
0xb6: {  	_ =	sfence  }
0xb7: {  	s30 =	sld [smem:$0x0];
	_ =	sdelay $0x2  }
0xb8: {  	s31 =	sshll.u32 s1, $0xD;
	s1 =	sshrl.u32 s1, $0x2  }
0xb9: {  	s3 =	sand.u32 $0x4000, s31;
	s1 =	sadd.s32 s1, s30  }
0xba: {  	s0 =	sor.u32 s3, s0;
	s1 =	sshll.u32 s1, $0x11  }
0xbb: {  	s0 =	sor.u32 s1, s0  }
0xbc: {  	s0 =	sadd.s32 $0x8F2B, s0  }
0xbd: {  	[sflag:s0] =	ssyncadd.remote.s32 $0x1  }
0xbe: {  	_ =	sfence.sel $0xFFFF  }
0xbf: {  	[dreg:$0x0] =	wrdreg $0xFFFFFFFF;
	(pc) =	sbr.abs _section_cstart, $3  }
0xc0: {  	[dreg:$0x1] =	wrdreg $0xFFFFFFFF  }
0xc1: {  	_ =	task.clear_ibuf [dreg:s6], $0x2FFFF;
	_ =	strace $0x9FFFFFFF  }
0xc2: {  	(tm) =	ssettm $0x7FFFFFFF  }
0xc3: {  	_ =	shalt  }
tec
execute0_lowered:
.L_overlay_start_1:
0x0: {  	(tag) =	ssettag $0x1  }
0x1: {  	s0 =	srdreg.scid;
	s1 =	rddreg [dreg:$0x0]  }
0x2: {  	s2 =	rddreg [dreg:$0x1];
	s22 =	stileid.u32  }
0x3: {  	s3 =	simm.s32 $0x0;
	s17 =	simm.s32 $0x1400;
	s18 =	simm.s32 $0x6800  }
0x4: {  	s19 =	simm.s32 $0x4;
	s20 =	simm.s32 $0x3;
	s21 =	simm.s32 $0x1  }
0x5: {  	s23 =	simm.s32 $0x80;
	s28 =	simm.s32 $0x1380;
	s29 =	simm.s32 $0x2700  }
0x6: {  	s30 =	simm.s32 $0x2780;
	s31 =	simm.s32 $0x0;
	s0 =	sand.u32 $0x1, s0  }
0x7: {  	[smem:$0x7FF] =	sst s3;
	s6 =	smul.u32 $0x50000, s22;
	s24 =	sadd.s32 $0x17A00, s1  }
0x8: {  	p0 =	seq.s32 s22, $0xF;
	s4 =	sshll.u32 s0, $0x4;
	_ =	strace $0x8000004A  }
0x9: {  	s7 =	smul.u32 $0x27100, s0;
	s0 =	ssub.s32 $0x2, s0;
	[dreg:$0x3] =	wrdreg s24  }
0xa: {  	s24 =	sadd.s32 $0x12C000, s2;
	s4 =	sor.u32 s22, s4;
	s8 =	sshrl.u32 s0, $0x1  }
0xb: {  	s6 =	sshrl.u32 s6, $0x2;
	s24 =	sshrl.u32 @p0 s24, $0x3;
	s5 =	smul.u32 $0x500, s4  }
0xc: {  	s4 =	sadd.s32 $0x18200, s1;
	s0 =	ssub.s32 s0, s8;
	s6 =	sadd.s32 s6, s2  }
0xd: {  	s9 =	sadd.s32 $0x4000, s6;
	s10 =	sadd.s32 $0x8000, s6;
	s11 =	sadd.s32 $0xC000, s6  }
0xe: {  	s12 =	sadd.s32 $0x10000, s6;
	s16 =	smax.u32 s0, $0x1;
	s14 =	sadd.s32 s5, s1  }
0xf: {  	s1 =	sadd.s32 s7, s1;
	s25 =	sadd.s32 $0x3A00, s14;
	s26 =	sadd.s32 $0xDA00, s14  }
0x10: {  	s13 =	sadd.s32 $0x3C80, s14;
	s15 =	sadd.s32 $0x3F400, s1;
	s1 =	smul.u32 $0x2800, s22  }
0x11: {  	s14 =	sadd.s32 $0xDC80, s14;
	s22 =	simm.s32 $0x2;
	[dreg:$0x4] =	wrdreg s25  }
0x12: {  	[dreg:$0x5] =	wrdreg s26;
	s26 =	simm.s32 $0x2800;
	s25 =	sadd.s32 @!p0 s1, s15  }
.LBB2_1:
0x13: {  	s0 =	rddreg [dreg:$0x4]  }
0x14: {  	[tilespmem:s3], [sflag:$0x1] =	stream.linear.gather [hbm4b:s0+s3], $0x1400, $0x38;
	[tilespmem:$0x1E800] =	vst v63  }
0x15: {  	s7 =	rddreg [dreg:$0x5]  }
0x16: {  	[tilespmem:s17], [sflag:$0x2] =	stream.linear.gather [hbm4b:s7+s3], $0x1400, $0x38;
	[tilespmem:$0x1E800] =	vst v63  }
0x17: {  	s8 =	rddreg [dreg:$0x3]  }
0x18: {  	[tilespmem:s18], [sflag:$0x4] =	stream.linear.gather [hbm4b:s8+s3], $0x4000, $0x38;
	[tilespmem:$0x1E800] =	vst v63  }
0x19: {  	_ =	swait.ge [sflag:s19], $0x4000  }
0x1a: {  	[sflag:s19] =	ssyncset.done $0x0  }
0x1b: {  	[sflag:s19] =	ssyncadd.s32 $0xFFFFC000  }
0x1c: {  	[spmem:s6] =	stream.linear.scatter [tilespmem:s18], [sflag:$0x3], $0x4000, $0x38;
	[tilespmem:$0x1E800] =	vst v63  }
0x1d: {  	_ = 	snop  }
0x1e: {  	[spmem:s9] =	stream.linear.scatter [tilespmem:s18], [sflag:$0x3], $0x4000, $0x38;
	[tilespmem:$0x1E800] =	vst v63  }
0x1f: {  	_ = 	snop  }
0x20: {  	[spmem:s10] =	stream.linear.scatter [tilespmem:s18], [sflag:$0x3], $0x4000, $0x38;
	[tilespmem:$0x1E800] =	vst v63  }
0x21: {  	_ = 	snop  }
0x22: {  	[spmem:s11] =	stream.linear.scatter [tilespmem:s18], [sflag:$0x3], $0x4000, $0x38;
	[tilespmem:$0x1E800] =	vst v63  }
0x23: {  	_ = 	snop  }
0x24: {  	[spmem:s12] =	stream.linear.scatter [tilespmem:s18], [sflag:$0x3], $0x4000, $0x38;
	[tilespmem:$0x1E800] =	vst v63  }
0x25: {  	_ =	swait.ge [sflag:s20], $0x4000  }
0x26: {  	[sflag:s20] =	ssyncset.done $0x0  }
0x27: {  	[sflag:s20] =	ssyncadd.s32 $0xFFFFC000  }
0x28: {  	_ =	swait.ge [sflag:s20], $0x4000  }
0x29: {  	[sflag:s20] =	ssyncset.done $0x0  }
0x2a: {  	[sflag:s20] =	ssyncadd.s32 $0xFFFFC000  }
0x2b: {  	_ =	swait.ge [sflag:s20], $0x4000  }
0x2c: {  	[sflag:s20] =	ssyncset.done $0x0  }
0x2d: {  	[sflag:s20] =	ssyncadd.s32 $0xFFFFC000  }
0x2e: {  	_ =	swait.ge [sflag:s20], $0x4000  }
0x2f: {  	[sflag:s20] =	ssyncset.done $0x0  }
0x30: {  	[sflag:s20] =	ssyncadd.s32 $0xFFFFC000  }
0x31: {  	_ =	swait.ge [sflag:s20], $0x4000  }
0x32: {  	[sflag:s20] =	ssyncset.done $0x0  }
0x33: {  	[sflag:s20] =	ssyncadd.s32 $0xFFFFC000  }
0x34: {  	_ =	swait.ge [sflag:s21], $0x1400  }
0x35: {  	[sflag:s21] =	ssyncset.done $0x0  }
0x36: {  	[sflag:s21] =	ssyncadd.s32 $0xFFFFEC00  }
0x37: {  	_ =	swait.ge [sflag:s22], $0x1400  }
0x38: {  	[sflag:s22] =	ssyncset.done $0x0  }
0x39: {  	[sflag:s22] =	ssyncadd.s32 $0xFFFFEC00  }
0x3a: {  	[bflag:$0x0] =	sbarrier.arrive $0xFFFF  }
0x3b: {  	[tilespmem:s26], [sflag:$0x1] =	stream.indirect.gather [hbm4b:s4+s23], $0x80, s3, s23, $0xb8;
	[tilespmem:$0x1E800] =	vst v63  }
0x3c: {  	s1 =	simm.s32 $0x80  }
0x3d: {  	[tilespmem:s18], [sflag:$0x2] =	stream.indirect.gather [hbm4b:s4+s23], $0x80, s1, s23, $0xb8;
	[tilespmem:$0x1E800] =	vst v63  }
0x3e: {  	_ =	swait.ge [sflag:s21], $0x4000  }
0x3f: {  	[sflag:s21] =	ssyncset.done $0x0  }
0x40: {  	s5 =	simm.s32 $0x1400;
	[sflag:s21] =	ssyncadd.s32 $0xFFFFC000  }
0x41: {  	[spmem:s2] =	stream.indirect.scatter.add.f32 [tilespmem:s26], [sflag:$0x4], $0x80, s5, s23, $0xb8;
	[tilespmem:$0x1E800] =	vst v63  }
0x42: {  	_ =	swait.ge [sflag:s19], $0x4000  }
0x43: {  	[sflag:s19] =	ssyncset.done $0x0  }
0x44: {  	s7 =	simm.s32 $0x100;
	[sflag:s19] =	ssyncadd.s32 $0xFFFFC000  }
0x45: {  	[tilespmem:s26], [sflag:$0x1] =	stream.indirect.gather [hbm4b:s4+s23], $0x80, s7, s23, $0xb8;
	[tilespmem:$0x1E800] =	vst v63  }
0x46: {  	_ =	swait.ge [sflag:s22], $0x4000  }
0x47: {  	[sflag:s22] =	ssyncset.done $0x0  }
0x48: {  	s8 =	simm.s32 $0x1480;
	[sflag:s22] =	ssyncadd.s32 $0xFFFFC000  }
0x49: {  	[spmem:s2] =	stream.indirect.scatter.add.f32 [tilespmem:s18], [sflag:$0x4], $0x80, s8, s23, $0xb8;
	[tilespmem:$0x1E800] =	vst v63  }
0x4a: {  	_ =	swait.ge [sflag:s19], $0x4000  }
0x4b: {  	s0 =	simm.s32 $0x100;
	s1 =	simm.s32 $0x800;
	[sflag:s19] =	ssyncset.done $0x0  }
.LBB2_2:
0x4c: {  	s5 =	sadd.s32 $0x80, s0  }
0x4d: {  	[sflag:s19] =	ssyncadd.s32 $0xFFFFC000;
	s7 =	smov.u32 s1;
	s8 =	sadd.s32 $0x400, s1  }
0x4e: {  	[tilespmem:s18], [sflag:$0x2] =	stream.indirect.gather [hbm4b:s4+s23], $0x80, s5, s23, $0xb8;
	[tilespmem:$0x1E800] =	vst v63  }
0x4f: {  	p1 =	sne.s32 s1, $0x4800;
	_ =	swait.ge [sflag:s21], $0x4000  }
0x50: {  	[sflag:s21] =	ssyncset.done $0x0  }
0x51: {  	s1 =	sadd.s32 $0x1400, s0;
	[sflag:s21] =	ssyncadd.s32 $0xFFFFC000  }
0x52: {  	[spmem:s2] =	stream.indirect.scatter.add.f32 [tilespmem:s26], [sflag:$0x4], $0x80, s1, s23, $0xb8;
	[tilespmem:$0x1E800] =	vst v63  }
0x53: {  	_ =	swait.ge [sflag:s19], $0x4000  }
0x54: {  	[sflag:s19] =	ssyncset.done $0x0  }
0x55: {  	s1 =	sadd.s32 $0x100, s0;
	[sflag:s19] =	ssyncadd.s32 $0xFFFFC000  }
0x56: {  	[tilespmem:s26], [sflag:$0x1] =	stream.indirect.gather [hbm4b:s4+s23], $0x80, s1, s23, $0xb8;
	[tilespmem:$0x1E800] =	vst v63  }
0x57: {  	_ =	swait.ge [sflag:s22], $0x4000  }
.Ltmp0:
0x58: {  	[sflag:s22] =	ssyncset.done $0x0;
	(pc) =	sbr.rel @p1 .LBB2_2-.Ltmp0, $4  }
0x59: {  	s0 =	sadd.s32 $0x1480, s0;
	[sflag:s22] =	ssyncadd.s32 $0xFFFFC000  }
0x5a: {  	[spmem:s2] =	stream.indirect.scatter.add.f32 [tilespmem:s18], [sflag:$0x4], $0x80, s0, s23, $0xb8;
	[tilespmem:$0x1E800] =	vst v63  }
0x5b: {  	_ =	swait.ge [sflag:s19], $0x4000  }
0x5c: {  	s1 =	smov.u32 s8;
	s0 =	sshra.s32 s7, $0x2;
	[sflag:s19] =	ssyncset.done $0x0  }
0x5d: {  	s1 =	sadd.s32 $0x80, s0;
	[sflag:s19] =	ssyncadd.s32 $0xFFFFC000  }
0x5e: {  	[tilespmem:s18], [sflag:$0x2] =	stream.indirect.gather [hbm4b:s4+s23], $0x80, s1, s23, $0xb8;
	[tilespmem:$0x1E800] =	vst v63  }
0x5f: {  	_ =	swait.ge [sflag:s21], $0x4000  }
0x60: {  	[sflag:s21] =	ssyncset.done $0x0  }
0x61: {  	s8 =	sadd.s32 $0x1400, s0;
	[sflag:s21] =	ssyncadd.s32 $0xFFFFC000  }
0x62: {  	[spmem:s2] =	stream.indirect.scatter.add.f32 [tilespmem:s26], [sflag:$0x4], $0x80, s8, s23, $0xb8;
	[tilespmem:$0x1E800] =	vst v63  }
0x63: {  	_ =	swait.ge [sflag:s19], $0x4000  }
0x64: {  	[sflag:s19] =	ssyncset.done $0x0  }
0x65: {  	s5 =	sadd.s32 $0x100, s0;
	[sflag:s19] =	ssyncadd.s32 $0xFFFFC000  }
0x66: {  	[tilespmem:s26], [sflag:$0x1] =	stream.indirect.gather [hbm4b:s4+s23], $0x80, s5, s23, $0xb8;
	[tilespmem:$0x1E800] =	vst v63  }
0x67: {  	_ =	swait.ge [sflag:s22], $0x4000  }
0x68: {  	[sflag:s22] =	ssyncset.done $0x0  }
0x69: {  	s7 =	sadd.s32 $0x1480, s0;
	[sflag:s22] =	ssyncadd.s32 $0xFFFFC000  }
0x6a: {  	[spmem:s2] =	stream.indirect.scatter.add.f32 [tilespmem:s18], [sflag:$0x4], $0x80, s7, s23, $0xb8;
	[tilespmem:$0x1E800] =	vst v63  }
0x6b: {  	_ =	swait.ge [sflag:s19], $0x4000  }
0x6c: {  	[sflag:s19] =	ssyncset.done $0x0  }
0x6d: {  	[sflag:s19] =	ssyncadd.s32 $0xFFFFC000  }
0x6e: {  	[tilespmem:s18], [sflag:$0x2] =	stream.indirect.gather [hbm4b:s4+s23], $0x80, s28, s23, $0xb8;
	[tilespmem:$0x1E800] =	vst v63  }
0x6f: {  	_ =	swait.ge [sflag:s21], $0x4000  }
0x70: {  	[sflag:s21] =	ssyncset.done $0x0  }
0x71: {  	[sflag:s21] =	ssyncadd.s32 $0xFFFFC000  }
0x72: {  	[spmem:s2] =	stream.indirect.scatter.add.f32 [tilespmem:s26], [sflag:$0x4], $0x80, s29, s23, $0xb8;
	[tilespmem:$0x1E800] =	vst v63  }
0x73: {  	_ =	swait.ge [sflag:s19], $0x4000  }
0x74: {  	[sflag:s19] =	ssyncset.done $0x0  }
0x75: {  	[sflag:s19] =	ssyncadd.s32 $0xFFFFC000  }
0x76: {  	_ =	swait.ge [sflag:s22], $0x4000  }
0x77: {  	[sflag:s22] =	ssyncset.done $0x0  }
0x78: {  	[sflag:s22] =	ssyncadd.s32 $0xFFFFC000  }
0x79: {  	[spmem:s2] =	stream.indirect.scatter.add.f32 [tilespmem:s18], [sflag:$0x4], $0x80, s30, s23, $0xb8;
	[tilespmem:$0x1E800] =	vst v63  }
0x7a: {  	_ =	swait.ge [sflag:s19], $0x4000  }
0x7b: {  	[sflag:s19] =	ssyncset.done $0x0  }
0x7c: {  	s8 =	simm.s32 $0x0;
	[sflag:s19] =	ssyncadd.s32 $0xFFFFC000  }
0x7d: {  	[tilespmem:s8], [sflag:$0x4] =	stream.linear.gather [hbm4b:s13+s8], $0x1400, $0x38;
	[tilespmem:$0x1E800] =	vst v63  }
0x7e: {  	_ =	swait.ge [sflag:s19], $0x1400  }
0x7f: {  	[sflag:s19] =	ssyncset.done $0x0  }
0x80: {  	[sflag:s19] =	ssyncadd.s32 $0xFFFFEC00  }
0x81: {  	[tilespmem:s17], [sflag:$0x4] =	stream.linear.gather [hbm4b:s14+s8], $0x1400, $0x38;
	[tilespmem:$0x1E800] =	vst v63  }
0x82: {  	_ =	swait.ge [sflag:s19], $0x1400  }
0x83: {  	[sflag:s19] =	ssyncset.done $0x0  }
0x84: {  	[sflag:s19] =	ssyncadd.s32 $0xFFFFEC00  }
0x85: {  	[tilespmem:s26], [sflag:$0x1] =	stream.indirect.gather [hbm4b:s4+s23], $0x80, s8, s23, $0xb8;
	[tilespmem:$0x1E800] =	vst v63  }
0x86: {  	s1 =	simm.s32 $0x80  }
0x87: {  	[tilespmem:s18], [sflag:$0x2] =	stream.indirect.gather [hbm4b:s4+s23], $0x80, s1, s23, $0xb8;
	[tilespmem:$0x1E800] =	vst v63  }
0x88: {  	_ =	swait.ge [sflag:s21], $0x4000  }
0x89: {  	[sflag:s21] =	ssyncset.done $0x0  }
0x8a: {  	s5 =	simm.s32 $0x1400;
	[sflag:s21] =	ssyncadd.s32 $0xFFFFC000  }
0x8b: {  	[spmem:s2] =	stream.indirect.scatter.add.f32 [tilespmem:s26], [sflag:$0x4], $0x80, s5, s23, $0xb8;
	[tilespmem:$0x1E800] =	vst v63  }
0x8c: {  	_ =	swait.ge [sflag:s19], $0x4000  }
0x8d: {  	[sflag:s19] =	ssyncset.done $0x0  }
0x8e: {  	s7 =	simm.s32 $0x100;
	[sflag:s19] =	ssyncadd.s32 $0xFFFFC000  }
0x8f: {  	[tilespmem:s26], [sflag:$0x1] =	stream.indirect.gather [hbm4b:s4+s23], $0x80, s7, s23, $0xb8;
	[tilespmem:$0x1E800] =	vst v63  }
0x90: {  	_ =	swait.ge [sflag:s22], $0x4000  }
0x91: {  	[sflag:s22] =	ssyncset.done $0x0  }
0x92: {  	s8 =	simm.s32 $0x1480;
	[sflag:s22] =	ssyncadd.s32 $0xFFFFC000  }
0x93: {  	[spmem:s2] =	stream.indirect.scatter.add.f32 [tilespmem:s18], [sflag:$0x4], $0x80, s8, s23, $0xb8;
	[tilespmem:$0x1E800] =	vst v63  }
0x94: {  	_ =	swait.ge [sflag:s19], $0x4000  }
0x95: {  	s0 =	simm.s32 $0x100;
	s1 =	simm.s32 $0x800;
	[sflag:s19] =	ssyncset.done $0x0  }
.LBB2_4:
0x96: {  	s5 =	sadd.s32 $0x80, s0  }
0x97: {  	[sflag:s19] =	ssyncadd.s32 $0xFFFFC000;
	s7 =	smov.u32 s1;
	s8 =	sadd.s32 $0x400, s1  }
0x98: {  	[tilespmem:s18], [sflag:$0x2] =	stream.indirect.gather [hbm4b:s4+s23], $0x80, s5, s23, $0xb8;
	[tilespmem:$0x1E800] =	vst v63  }
0x99: {  	p1 =	sne.s32 s1, $0x4800;
	_ =	swait.ge [sflag:s21], $0x4000  }
0x9a: {  	[sflag:s21] =	ssyncset.done $0x0  }
0x9b: {  	s1 =	sadd.s32 $0x1400, s0;
	[sflag:s21] =	ssyncadd.s32 $0xFFFFC000  }
0x9c: {  	[spmem:s2] =	stream.indirect.scatter.add.f32 [tilespmem:s26], [sflag:$0x4], $0x80, s1, s23, $0xb8;
	[tilespmem:$0x1E800] =	vst v63  }
0x9d: {  	_ =	swait.ge [sflag:s19], $0x4000  }
0x9e: {  	[sflag:s19] =	ssyncset.done $0x0  }
0x9f: {  	s1 =	sadd.s32 $0x100, s0;
	[sflag:s19] =	ssyncadd.s32 $0xFFFFC000  }
0xa0: {  	[tilespmem:s26], [sflag:$0x1] =	stream.indirect.gather [hbm4b:s4+s23], $0x80, s1, s23, $0xb8;
	[tilespmem:$0x1E800] =	vst v63  }
0xa1: {  	_ =	swait.ge [sflag:s22], $0x4000  }
.Ltmp1:
0xa2: {  	[sflag:s22] =	ssyncset.done $0x0;
	(pc) =	sbr.rel @p1 .LBB2_4-.Ltmp1, $4  }
0xa3: {  	s0 =	sadd.s32 $0x1480, s0;
	[sflag:s22] =	ssyncadd.s32 $0xFFFFC000  }
0xa4: {  	[spmem:s2] =	stream.indirect.scatter.add.f32 [tilespmem:s18], [sflag:$0x4], $0x80, s0, s23, $0xb8;
	[tilespmem:$0x1E800] =	vst v63  }
0xa5: {  	_ =	swait.ge [sflag:s19], $0x4000  }
0xa6: {  	s1 =	smov.u32 s8;
	s0 =	sshra.s32 s7, $0x2;
	[sflag:s19] =	ssyncset.done $0x0  }
0xa7: {  	s1 =	sadd.s32 $0x80, s0;
	[sflag:s19] =	ssyncadd.s32 $0xFFFFC000  }
0xa8: {  	[tilespmem:s18], [sflag:$0x2] =	stream.indirect.gather [hbm4b:s4+s23], $0x80, s1, s23, $0xb8;
	[tilespmem:$0x1E800] =	vst v63  }
0xa9: {  	_ =	swait.ge [sflag:s21], $0x4000  }
0xaa: {  	[sflag:s21] =	ssyncset.done $0x0  }
0xab: {  	s5 =	sadd.s32 $0x1400, s0;
	[sflag:s21] =	ssyncadd.s32 $0xFFFFC000  }
0xac: {  	[spmem:s2] =	stream.indirect.scatter.add.f32 [tilespmem:s26], [sflag:$0x4], $0x80, s5, s23, $0xb8;
	[tilespmem:$0x1E800] =	vst v63  }
0xad: {  	_ =	swait.ge [sflag:s19], $0x4000  }
0xae: {  	[sflag:s19] =	ssyncset.done $0x0  }
0xaf: {  	s7 =	sadd.s32 $0x100, s0;
	[sflag:s19] =	ssyncadd.s32 $0xFFFFC000  }
0xb0: {  	[tilespmem:s26], [sflag:$0x1] =	stream.indirect.gather [hbm4b:s4+s23], $0x80, s7, s23, $0xb8;
	[tilespmem:$0x1E800] =	vst v63  }
0xb1: {  	_ =	swait.ge [sflag:s22], $0x4000  }
0xb2: {  	[sflag:s22] =	ssyncset.done $0x0  }
0xb3: {  	s8 =	sadd.s32 $0x1480, s0;
	[sflag:s22] =	ssyncadd.s32 $0xFFFFC000  }
0xb4: {  	[spmem:s2] =	stream.indirect.scatter.add.f32 [tilespmem:s18], [sflag:$0x4], $0x80, s8, s23, $0xb8;
	[tilespmem:$0x1E800] =	vst v63  }
0xb5: {  	_ =	swait.ge [sflag:s19], $0x4000  }
0xb6: {  	[sflag:s19] =	ssyncset.done $0x0  }
0xb7: {  	[sflag:s19] =	ssyncadd.s32 $0xFFFFC000  }
0xb8: {  	[tilespmem:s18], [sflag:$0x2] =	stream.indirect.gather [hbm4b:s4+s23], $0x80, s28, s23, $0xb8;
	[tilespmem:$0x1E800] =	vst v63  }
0xb9: {  	_ =	swait.ge [sflag:s21], $0x4000  }
0xba: {  	[sflag:s21] =	ssyncset.done $0x0  }
0xbb: {  	[sflag:s21] =	ssyncadd.s32 $0xFFFFC000  }
0xbc: {  	[spmem:s2] =	stream.indirect.scatter.add.f32 [tilespmem:s26], [sflag:$0x4], $0x80, s29, s23, $0xb8;
	[tilespmem:$0x1E800] =	vst v63  }
0xbd: {  	_ =	swait.ge [sflag:s19], $0x4000  }
0xbe: {  	[sflag:s19] =	ssyncset.done $0x0  }
0xbf: {  	[sflag:s19] =	ssyncadd.s32 $0xFFFFC000  }
0xc0: {  	_ =	swait.ge [sflag:s22], $0x4000  }
0xc1: {  	[sflag:s22] =	ssyncset.done $0x0  }
0xc2: {  	[sflag:s22] =	ssyncadd.s32 $0xFFFFC000  }
0xc3: {  	[spmem:s2] =	stream.indirect.scatter.add.f32 [tilespmem:s18], [sflag:$0x4], $0x80, s30, s23, $0xb8;
	[tilespmem:$0x1E800] =	vst v63  }
0xc4: {  	_ =	swait.ge [sflag:s19], $0x4000  }
0xc5: {  	[sflag:s19] =	ssyncset.done $0x0  }
0xc6: {  	[sflag:s19] =	ssyncadd.s32 $0xFFFFC000  }
0xc7: {  	s0 =	sadd.s32 @p0 $0x25800, s15;
	s1 =	simm.s32 @p0 $0x1FC4;
	[bflag:$0x0] =	sbarrier.arrive $0xFFFF  }
0xc8: {  	[hbm:s0], [sflag:s1] =	dma.local @p0 [spmem:s24], $0x1900  }
0xc9: {  	s0 =	simm.s32 @p0 $0x4  }
0xca: {  	s31 =	sadd.s32 $0x1, s31;
	s1 =	stileid.u32;
	_ =	swait.ge @p0 [sflag:s0], $0x1900  }
0xcb: {  	p1 =	sne.s32 s31, s16;
	s1 =	sshll.u32 @!p0 s1, $0x6;
	[sflag:s0] =	ssyncset.done @p0 $0x0  }
0xcc: {  	[sflag:s0] =	ssyncadd.s32 @p0 $0xFFFFE700;
	s0 =	sor.u32 @!p0 $0x1C04, s1;
	s1 =	sshrl.u32 @!p0 s6, $0x3  }
0xcd: {  	[hbm:s25], [sflag:s0] =	dma.local @!p0 [spmem:s1], $0x2800  }
.Ltmp2:
0xce: {  	_ = 	snop;
	(pc) =	sbr.rel @p1 .LBB2_1-.Ltmp2, $4  }
0xcf: {  	s0 =	simm.s32 @!p0 $0x4  }
0xd0: {  	_ =	swait.ge @!p0 [sflag:s0], $0x2800  }
0xd1: {  	[sflag:s0] =	ssyncset.done @!p0 $0x0  }
0xd2: {  	[sflag:s0] =	ssyncadd.s32 @!p0 $0xFFFFD800  }
0xd3: {  	_ =	sfence.sel $0x180000  }
0xd4: {  	[bflag:$0x0] =	sbarrier.arrive $0xFFFF  }
0xd5: {  	_ =	strace $0x9000004A  }
0xd6: {  	s0 =	stileid.u32;
	[bflag:$0x2] =	sbarrier.arrive $0xFFFF  }
0xd7: {  	p0 =	sne.s32 s0, $0x0;
	s0 =	rddreg [dreg:$0x2]  }
0xd8: {  	s0 =	sadd.s32 @!p0 $0x100000, s0  }
0xd9: {  	[sflag:s0] =	ssyncadd.tile.s32 @!p0 $0x1;
	_ =	shalt  }
.Lfunc_end2:
_tile_overlayer_lowered:
.L_overlay_start_2:
0xda: {  	(tag) =	ssettag $0x2  }
0xdb: {  	s0 =	rddreg [dreg:$0x0];
	s2 =	stileid.u32  }
0xdc: {  	s1 =	rddreg [dreg:$0x1];
	p0 =	sne.s32 s2, $0x0  }
0xdd: {  	s3 =	rddreg [dreg:$0x2];
	[bflag:$0x3] =	sbarrier.arrive $0xFFFF;
	s2 =	simm.s32 @!p0 $0x1C04  }
0xde: {  	[timem:s3], [sflag:s2] =	dma.local @!p0 [hbm:s0], s1  }
0xdf: {  	s0 =	simm.s32 @!p0 $0x4  }
0xe0: {  	_ =	swait.ge @!p0 [sflag:s0], s1  }
0xe1: {  	s1 =	ssub.s32 @!p0 $0x0, s1;
	[sflag:s0] =	ssyncset.done @!p0 $0x0  }
0xe2: {  	[sflag:s0] =	ssyncadd.s32 @!p0 s1  }
0xe3: {  	[bflag:$0x3] =	sbarrier.arrive $0xFFFF  }
0xe4: {  	_ =	shalt  }

// kernel: kernel.14.cloned.1.call-start
scs
__scs_entry_jumppad:
0x0: {  	(pc) =	sbr.rel $0x88, $3  }
0x1: {  	(tag) =	ssettag $0x0;
	lr =	simm.s32 $0x1  }
0x2: {  	[smem:$0x3F90] =	sst lr;
	_ =	strace $0xD0000000  }
0x3: {  	_ = 	snop  }
0x4: {  	_ = 	snop  }
0x5: {  	_ = 	snop  }
0x6: {  	_ = 	snop  }
0x7: {  	_ = 	snop  }
__scs_overlays_trampoline_lowered:
0x8: {  	[smem:$0x3F9F] =	sst s0  }
0x9: {  	[smem:$0x3FA0] =	sst s1  }
0xa: {  	[smem:$0x3FA1] =	sst s2  }
0xb: {  	[smem:$0x3FA2] =	sst s3  }
0xc: {  	[smem:$0x3FA3] =	sst s4  }
0xd: {  	[smem:$0x3FA4] =	sst s5  }
0xe: {  	[smem:$0x3FA5] =	sst s6  }
0xf: {  	[smem:$0x3FA6] =	sst s7  }
0x10: {  	[smem:$0x3FA7] =	sst s8  }
0x11: {  	[smem:$0x3FA8] =	sst s9;
	s0 =	simm.s32 @!p0 $0x0  }
0x12: {  	s1 =	sld [smem:$0x3F8E];
	s0 =	simm.s32 @p0 $0x1  }
0x13: {  	[smem:$0x3FA9] =	sst s0;
	s0 =	simm.s32 @!p1 $0x0  }
0x14: {  	s2 =	sld [smem:$0x3F8D];
	s0 =	simm.s32 @p1 $0x1  }
0x15: {  	[smem:$0x3FAA] =	sst s0;
	s0 =	simm.s32 @!p2 $0x0  }
0x16: {  	s3 =	sld [smem:$0x3FDB];
	s0 =	simm.s32 @p2 $0x1  }
0x17: {  	s4 =	simm.s32 $0x1BF5;
	[smem:$0x3FAC] =	sst s0  }
0x18: {  	s0 =	sld [smem:$0x3F8F];
	_ =	swait.ge [sflag:s4], $0x0  }
0x19: {  	s7 =	sld [smem:$0x3F90]  }
0x1a: {  	s8 =	sadd.s32 $0xFFFFE003, lr  }
0x1b: {  	s9 =	sadd.s32 $0xFFFFFEF7, lr;
	s5 =	simm.s32 $0xFFFFFFFF;
	p2 =	slt.u32 s8, $0xFFFFF086  }
0x1c: {  	p1 =	slt.u32 s9, $0xF7A;
	s5 =	simm.s32 @!p2 $0x0  }
0x1d: {  	s5 =	simm.s32 @p1 $0x1;
	p0 =	seq.s32 s7, s2  }
0x1e: {  	s7 =	smul.u32 @!p0 $0xF7A, s2;
	p2 =	seq.s32 @!p0 s5, $0x0  }
0x1f: {  	s9 =	smul.u32 $0xF7A, s1;
	s8 =	simm.s32 @!p0 $0x1BF5;
	p2 =	por !p2, p0  }
0x20: {  	[sflag:s8] =	ssyncset.s32 @!p0 $0xFFFFF086;
	s6 =	sadd.s32 @!p0 s3, s7;
	s7 =	simm.s32 @!p0 $0x108  }
0x21: {  	s3 =	sadd.s32 s3, s9;
	s6 =	sadd.s32 @!p0 $0x88, s6;
	s7 =	simm.s32 @p2 $0x1082  }
0x22: {  	[simem:s7], [sflag:s8] =	dma.local @!p0 [hbm:s6], $0xF7A  }
0x23: {  	s9 =	sor.u32 $0xD0000000, s2;
	s6 =	simm.s32 $0x108;
	_ =	swait.ge @!p0 [sflag:s8], $0x0  }
0x24: {  	s3 =	sadd.s32 $0x88, s3;
	s6 =	simm.s32 @!p1 $0x1082;
	[sflag:s4] =	ssyncset.s32 $0xFFFFF086  }
0x25: {  	[simem:s6], [sflag:s4] =	dma.local [hbm:s3], $0xF7A  }
0x26: {  	[smem:$0x3F90] =	sst s1;
	(tag) =	ssettag s2;
	_ =	strace s9  }
0x27: {  	s1 =	sld [smem:$0x3FA0]  }
0x28: {  	s2 =	sld [smem:$0x3FA1]  }
0x29: {  	s4 =	sld [smem:$0x3FA3]  }
0x2a: {  	p0 =	seq.s32 s5, $0x0;
	s5 =	sld [smem:$0x3FA4]  }
0x2b: {  	s6 =	sld [smem:$0x3FA5]  }
0x2c: {  	s7 =	sld [smem:$0x3FA6]  }
0x2d: {  	s3 =	simm.s32 $0x108;
	s8 =	sld [smem:$0x3FA7]  }
0x2e: {  	s3 =	simm.s32 @!p0 $0x1082;
	s9 =	sld [smem:$0x3FA8]  }
0x2f: {  	lr =	sadd.s32 s0, s3;
	s0 =	sld [smem:$0x3F9F]  }
0x30: {  	s3 =	sld [smem:$0x3FA2]  }
0x31: {  	[smem:$0x3FAB] =	sst s10  }
0x32: {  	s10 =	sld [smem:$0x3FA9];
	_ =	sdelay $0x3  }
0x33: {  	p0 =	seq.s32 s10, $0x1;
	s10 =	sld [smem:$0x3FAB];
	_ =	sdelay $0x3  }
0x34: {  	[smem:$0x3FAB] =	sst s10  }
0x35: {  	s10 =	sld [smem:$0x3FAA];
	_ =	sdelay $0x3  }
0x36: {  	p1 =	seq.s32 s10, $0x1;
	s10 =	sld [smem:$0x3FAB];
	_ =	sdelay $0x3  }
0x37: {  	[smem:$0x3FAB] =	sst s10  }
0x38: {  	s10 =	sld [smem:$0x3FAC]  }
0x39: {  	_ = 	snop;
	(pc) =	sbr.ind lr, $3  }
0x3a: {  	_ = 	snop  }
0x3b: {  	_ = 	snop  }
0x3c: {  	p2 =	seq.s32 s10, $0x1;
	s10 =	sld [smem:$0x3FAB]  }
0x3d: {  	_ =	shalt  }
0x3e: {  	_ =	shalt  }
0x3f: {  	_ =	shalt  }
0x40: {  	_ =	shalt  }
0x41: {  	_ =	shalt  }
0x42: {  	_ =	shalt  }
0x43: {  	_ =	shalt  }
0x44: {  	_ =	shalt  }
0x45: {  	_ =	shalt  }
0x46: {  	_ =	shalt  }
0x47: {  	_ =	shalt  }
0x48: {  	_ =	shalt  }
0x49: {  	_ =	shalt  }
0x4a: {  	_ =	shalt  }
0x4b: {  	_ =	shalt  }
0x4c: {  	_ =	shalt  }
0x4d: {  	_ =	shalt  }
0x4e: {  	_ =	shalt  }
0x4f: {  	_ =	shalt  }
0x50: {  	_ =	shalt  }
0x51: {  	_ =	shalt  }
0x52: {  	_ =	shalt  }
0x53: {  	_ =	shalt  }
0x54: {  	_ =	shalt  }
0x55: {  	_ =	shalt  }
0x56: {  	_ =	shalt  }
0x57: {  	_ =	shalt  }
0x58: {  	_ =	shalt  }
0x59: {  	_ =	shalt  }
0x5a: {  	_ =	shalt  }
0x5b: {  	_ =	shalt  }
0x5c: {  	_ =	shalt  }
0x5d: {  	_ =	shalt  }
0x5e: {  	_ =	shalt  }
0x5f: {  	_ =	shalt  }
0x60: {  	_ =	shalt  }
0x61: {  	_ =	shalt  }
0x62: {  	_ =	shalt  }
0x63: {  	_ =	shalt  }
0x64: {  	_ =	shalt  }
0x65: {  	_ =	shalt  }
0x66: {  	_ =	shalt  }
0x67: {  	_ =	shalt  }
0x68: {  	_ =	shalt  }
0x69: {  	_ =	shalt  }
0x6a: {  	_ =	shalt  }
0x6b: {  	_ =	shalt  }
0x6c: {  	_ =	shalt  }
0x6d: {  	_ =	shalt  }
0x6e: {  	_ =	shalt  }
0x6f: {  	_ =	shalt  }
0x70: {  	_ =	shalt  }
0x71: {  	_ =	shalt  }
0x72: {  	_ =	shalt  }
0x73: {  	_ =	shalt  }
0x74: {  	_ =	shalt  }
0x75: {  	_ =	shalt  }
0x76: {  	_ =	shalt  }
0x77: {  	_ =	shalt  }
0x78: {  	_ =	shalt  }
0x79: {  	_ =	shalt  }
0x7a: {  	_ =	shalt  }
0x7b: {  	_ =	shalt  }
0x7c: {  	_ =	shalt  }
0x7d: {  	_ =	shalt  }
0x7e: {  	_ =	shalt  }
0x7f: {  	_ =	shalt  }
0x80: {  	_ =	shalt  }
0x81: {  	_ =	shalt  }
0x82: {  	_ =	shalt  }
0x83: {  	_ =	shalt  }
0x84: {  	_ =	shalt  }
0x85: {  	_ =	shalt  }
0x86: {  	_ =	shalt  }
0x87: {  	_ =	shalt  }
.Lfunc_end0:
.L_simem_size_0:
called_computation.2_lowered:
.L_overlay_start_0:
0x88: {  	s2 =	sld [smem:$0x3FD9]  }
0x89: {  	s3 =	sld [smem:$0x3FFE];
	_ =	sdelay $0x1  }
0x8a: {  	s1 =	srdreg.scid  }
0x8b: {  	s0 =	sand.u32 $0x1, s1  }
0x8c: {  	s16 =	sshll.u32 s0, $0xA;
	s2 =	sadd.s32 s3, s2  }
0x8d: {  	s2 =	sadd.s32 s2, s16  }
0x8e: {  	[smem:$0x3FB7] =	sst s2  }
0x8f: {  	_ = 	snop  }
0x90: {  	(tm) =	ssettm $0x1  }
0x91: {  	s17 =	sld [smem:$0x3FFB];
	_ =	sdelay $0x3  }
0x92: {  	_ =	strace s17  }
0x93: {  	s2 =	sld [smem:$0x3FFC];
	_ =	sdelay $0x3  }
0x94: {  	_ =	strace s2  }
0x95: {  	s2 =	sld [smem:$0x3FFD];
	_ =	sdelay $0x3  }
0x96: {  	_ =	strace s2  }
0x97: {  	_ =	strace $0x8FFFFFFF  }
0x98: {  	s18 =	sld [smem:$0x3FDB];
	_ =	sdelay $0x1  }
0x99: {  	s19 =	simm.s32 $_scs_section_size  }
0x9a: {  	s4 =	simm.s32 $_size__tile_overlayer_lowered;
	s5 =	simm.s32 $_tile_overlayer_lowered  }
0x9b: {  	s22 =	simm.s32 $0x1BFF;
	s21 =	sshll.u32 s5, $0x1;
	s2 =	sadd.s32 s19, s18  }
0x9c: {  	s6 =	simm.s32 $0x0;
	s20 =	sshll.u32 s4, $0x1;
	s4 =	sadd.s32 s21, s2  }
0x9d: {  	[timem:s6], [sflag:s22] =	dma.local [hbm:s4], s20  }
0x9e: {  	_ =	swait.ge [sflag:s22], s20  }
0x9f: {  	s3 =	ssub.s32 $0x0, s20;
	[sflag:s22] =	ssyncset.done $0x0  }
0xa0: {  	[sflag:s22] =	ssyncadd.s32 s3;
	_ =	sdelay $0x1  }
0xa1: {  	s23 =	simm.s32 $0x1B8B  }
0xa2: {  	_ =	swait.ge [sflag:s23], $0x1  }
0xa3: {  	[sflag:s23] =	ssyncset.done $0x0  }
0xa4: {  	s25 =	simm.s32 $0x1B8E;
	s24 =	sld [smem:$0x3FFE];
	[sflag:s23] =	ssyncadd.s32 $0xFFFFFFFF  }
0xa5: {  	s26 =	simm.s32 $execute0_lowered;
	[smem:$0x3FD2] =	sst s25  }
0xa6: {  	s4 =	sshll.u32 s26, $0x1;
	_ =	strace $0x8000004C;
	[dreg:$0x1] =	wrdreg $0xFFFFFFFF  }
0xa7: {  	s28 =	simm.s32 $_size_execute0_lowered;
	s2 =	sadd.s32 s2, s4;
	[dreg:$0x0] =	wrdreg $0x0  }
0xa8: {  	s4 =	sshll.u32 s28, $0x1;
	[dreg:$0x2] =	wrdreg s2  }
0xa9: {  	[dreg:$0x3] =	wrdreg s4  }
0xaa: {  	[dreg:$0x4] =	wrdreg $0xC0  }
0xab: {  	_ =	task [dreg:s6], $0x5FFFF  }
0xac: {  	[dreg:$0x1] =	wrdreg $0xFFFFFFFF  }
0xad: {  	[dreg:$0x0] =	wrdreg $0x60  }
0xae: {  	[dreg:$0x2] =	wrdreg s24  }
0xaf: {  	[dreg:$0x3] =	wrdreg $0xA8000  }
0xb0: {  	[dreg:$0x4] =	wrdreg $0x9  }
0xb1: {  	_ =	task.clear_ibuf [dreg:s6], $0x5FFFF;
	_ =	strace $0x9000004C  }
0xb2: {  	s29 =	simm.s32 $0x9;
	_ =	strace $0x8000004E  }
0xb3: {  	_ =	swait.ge [sflag:s29], $0x1  }
0xb4: {  	[sflag:s29] =	ssyncadd.s32 $0xFFFFFFFF  }
0xb5: {  	_ =	strace $0x9000004E  }
0xb6: {  	_ =	sfence  }
0xb7: {  	s30 =	sld [smem:$0x0];
	_ =	sdelay $0x2  }
0xb8: {  	s31 =	sshll.u32 s1, $0xD;
	s1 =	sshrl.u32 s1, $0x2  }
0xb9: {  	s3 =	sand.u32 $0x4000, s31;
	s1 =	sadd.s32 s1, s30  }
0xba: {  	s0 =	sor.u32 s3, s0;
	s1 =	sshll.u32 s1, $0x11  }
0xbb: {  	s0 =	sor.u32 s1, s0  }
0xbc: {  	s0 =	sadd.s32 $0x8F2B, s0  }
0xbd: {  	[sflag:s0] =	ssyncadd.remote.s32 $0x1  }
0xbe: {  	_ =	sfence.sel $0xFFFF  }
0xbf: {  	[dreg:$0x0] =	wrdreg $0xFFFFFFFF;
	(pc) =	sbr.abs _section_cstart, $3  }
0xc0: {  	[dreg:$0x1] =	wrdreg $0xFFFFFFFF  }
0xc1: {  	_ =	task.clear_ibuf [dreg:s6], $0x2FFFF;
	_ =	strace $0x9FFFFFFF  }
0xc2: {  	(tm) =	ssettm $0x7FFFFFFF  }
0xc3: {  	_ =	shalt  }
tec
execute0_lowered:
.L_overlay_start_1:
0x0: {  	(tag) =	ssettag $0x1  }
0x1: {  	s0 =	srdreg.scid;
	s1 =	rddreg [dreg:$0x0]  }
0x2: {  	s2 =	rddreg [dreg:$0x1];
	s22 =	stileid.u32  }
0x3: {  	s3 =	simm.s32 $0x0;
	s17 =	simm.s32 $0x1400;
	s18 =	simm.s32 $0x6800  }
0x4: {  	s19 =	simm.s32 $0x4;
	s20 =	simm.s32 $0x3;
	s21 =	simm.s32 $0x1  }
0x5: {  	s23 =	simm.s32 $0x80;
	s28 =	simm.s32 $0x1380;
	s29 =	simm.s32 $0x2700  }
0x6: {  	s30 =	simm.s32 $0x2780;
	s31 =	simm.s32 $0x0;
	s0 =	sand.u32 $0x1, s0  }
0x7: {  	[smem:$0x7FF] =	sst s3;
	s6 =	smul.u32 $0x50000, s22;
	s24 =	sadd.s32 $0x17A00, s1  }
0x8: {  	p0 =	seq.s32 s22, $0xF;
	s4 =	sshll.u32 s0, $0x4;
	_ =	strace $0x8000004D  }
0x9: {  	s7 =	smul.u32 $0x27100, s0;
	s0 =	ssub.s32 $0x2, s0;
	[dreg:$0x3] =	wrdreg s24  }
0xa: {  	s24 =	sadd.s32 $0x12C000, s2;
	s4 =	sor.u32 s22, s4;
	s8 =	sshrl.u32 s0, $0x1  }
0xb: {  	s6 =	sshrl.u32 s6, $0x2;
	s24 =	sshrl.u32 @p0 s24, $0x3;
	s5 =	smul.u32 $0x500, s4  }
0xc: {  	s4 =	sadd.s32 $0x18200, s1;
	s0 =	ssub.s32 s0, s8;
	s6 =	sadd.s32 s6, s2  }
0xd: {  	s9 =	sadd.s32 $0x4000, s6;
	s10 =	sadd.s32 $0x8000, s6;
	s11 =	sadd.s32 $0xC000, s6  }
0xe: {  	s12 =	sadd.s32 $0x10000, s6;
	s16 =	smax.u32 s0, $0x1;
	s14 =	sadd.s32 s5, s1  }
0xf: {  	s1 =	sadd.s32 s7, s1;
	s25 =	sadd.s32 $0x3A00, s14;
	s26 =	sadd.s32 $0xDA00, s14  }
0x10: {  	s13 =	sadd.s32 $0x3C80, s14;
	s15 =	sadd.s32 $0x3F400, s1;
	s1 =	smul.u32 $0x2800, s22  }
0x11: {  	s14 =	sadd.s32 $0xDC80, s14;
	s22 =	simm.s32 $0x2;
	[dreg:$0x4] =	wrdreg s25  }
0x12: {  	[dreg:$0x5] =	wrdreg s26;
	s26 =	simm.s32 $0x2800;
	s25 =	sadd.s32 @!p0 s1, s15  }
.LBB2_1:
0x13: {  	s0 =	rddreg [dreg:$0x4]  }
0x14: {  	[tilespmem:s3], [sflag:$0x1] =	stream.linear.gather [hbm4b:s0+s3], $0x1400, $0x38;
	[tilespmem:$0x1E800] =	vst v63  }
0x15: {  	s7 =	rddreg [dreg:$0x5]  }
0x16: {  	[tilespmem:s17], [sflag:$0x2] =	stream.linear.gather [hbm4b:s7+s3], $0x1400, $0x38;
	[tilespmem:$0x1E800] =	vst v63  }
0x17: {  	s8 =	rddreg [dreg:$0x3]  }
0x18: {  	[tilespmem:s18], [sflag:$0x4] =	stream.linear.gather [hbm4b:s8+s3], $0x4000, $0x38;
	[tilespmem:$0x1E800] =	vst v63  }
0x19: {  	_ =	swait.ge [sflag:s19], $0x4000  }
0x1a: {  	[sflag:s19] =	ssyncset.done $0x0  }
0x1b: {  	[sflag:s19] =	ssyncadd.s32 $0xFFFFC000  }
0x1c: {  	[spmem:s6] =	stream.linear.scatter [tilespmem:s18], [sflag:$0x3], $0x4000, $0x38;
	[tilespmem:$0x1E800] =	vst v63  }
0x1d: {  	_ = 	snop  }
0x1e: {  	[spmem:s9] =	stream.linear.scatter [tilespmem:s18], [sflag:$0x3], $0x4000, $0x38;
	[tilespmem:$0x1E800] =	vst v63  }
0x1f: {  	_ = 	snop  }
0x20: {  	[spmem:s10] =	stream.linear.scatter [tilespmem:s18], [sflag:$0x3], $0x4000, $0x38;
	[tilespmem:$0x1E800] =	vst v63  }
0x21: {  	_ = 	snop  }
0x22: {  	[spmem:s11] =	stream.linear.scatter [tilespmem:s18], [sflag:$0x3], $0x4000, $0x38;
	[tilespmem:$0x1E800] =	vst v63  }
0x23: {  	_ = 	snop  }
0x24: {  	[spmem:s12] =	stream.linear.scatter [tilespmem:s18], [sflag:$0x3], $0x4000, $0x38;
	[tilespmem:$0x1E800] =	vst v63  }
0x25: {  	_ =	swait.ge [sflag:s20], $0x4000  }
0x26: {  	[sflag:s20] =	ssyncset.done $0x0  }
0x27: {  	[sflag:s20] =	ssyncadd.s32 $0xFFFFC000  }
0x28: {  	_ =	swait.ge [sflag:s20], $0x4000  }
0x29: {  	[sflag:s20] =	ssyncset.done $0x0  }
0x2a: {  	[sflag:s20] =	ssyncadd.s32 $0xFFFFC000  }
0x2b: {  	_ =	swait.ge [sflag:s20], $0x4000  }
0x2c: {  	[sflag:s20] =	ssyncset.done $0x0  }
0x2d: {  	[sflag:s20] =	ssyncadd.s32 $0xFFFFC000  }
0x2e: {  	_ =	swait.ge [sflag:s20], $0x4000  }
0x2f: {  	[sflag:s20] =	ssyncset.done $0x0  }
0x30: {  	[sflag:s20] =	ssyncadd.s32 $0xFFFFC000  }
0x31: {  	_ =	swait.ge [sflag:s20], $0x4000  }
0x32: {  	[sflag:s20] =	ssyncset.done $0x0  }
0x33: {  	[sflag:s20] =	ssyncadd.s32 $0xFFFFC000  }
0x34: {  	_ =	swait.ge [sflag:s21], $0x1400  }
0x35: {  	[sflag:s21] =	ssyncset.done $0x0  }
0x36: {  	[sflag:s21] =	ssyncadd.s32 $0xFFFFEC00  }
0x37: {  	_ =	swait.ge [sflag:s22], $0x1400  }
0x38: {  	[sflag:s22] =	ssyncset.done $0x0  }
0x39: {  	[sflag:s22] =	ssyncadd.s32 $0xFFFFEC00  }
0x3a: {  	[bflag:$0x0] =	sbarrier.arrive $0xFFFF  }
0x3b: {  	[tilespmem:s26], [sflag:$0x1] =	stream.indirect.gather [hbm4b:s4+s23], $0x80, s3, s23, $0xb8;
	[tilespmem:$0x1E800] =	vst v63  }
0x3c: {  	s1 =	simm.s32 $0x80  }
0x3d: {  	[tilespmem:s18], [sflag:$0x2] =	stream.indirect.gather [hbm4b:s4+s23], $0x80, s1, s23, $0xb8;
	[tilespmem:$0x1E800] =	vst v63  }
0x3e: {  	_ =	swait.ge [sflag:s21], $0x4000  }
0x3f: {  	[sflag:s21] =	ssyncset.done $0x0  }
0x40: {  	s5 =	simm.s32 $0x1400;
	[sflag:s21] =	ssyncadd.s32 $0xFFFFC000  }
0x41: {  	[spmem:s2] =	stream.indirect.scatter.add.f32 [tilespmem:s26], [sflag:$0x4], $0x80, s5, s23, $0xb8;
	[tilespmem:$0x1E800] =	vst v63  }
0x42: {  	_ =	swait.ge [sflag:s19], $0x4000  }
0x43: {  	[sflag:s19] =	ssyncset.done $0x0  }
0x44: {  	s7 =	simm.s32 $0x100;
	[sflag:s19] =	ssyncadd.s32 $0xFFFFC000  }
0x45: {  	[tilespmem:s26], [sflag:$0x1] =	stream.indirect.gather [hbm4b:s4+s23], $0x80, s7, s23, $0xb8;
	[tilespmem:$0x1E800] =	vst v63  }
0x46: {  	_ =	swait.ge [sflag:s22], $0x4000  }
0x47: {  	[sflag:s22] =	ssyncset.done $0x0  }
0x48: {  	s8 =	simm.s32 $0x1480;
	[sflag:s22] =	ssyncadd.s32 $0xFFFFC000  }
0x49: {  	[spmem:s2] =	stream.indirect.scatter.add.f32 [tilespmem:s18], [sflag:$0x4], $0x80, s8, s23, $0xb8;
	[tilespmem:$0x1E800] =	vst v63  }
0x4a: {  	_ =	swait.ge [sflag:s19], $0x4000  }
0x4b: {  	s0 =	simm.s32 $0x100;
	s1 =	simm.s32 $0x800;
	[sflag:s19] =	ssyncset.done $0x0  }
.LBB2_2:
0x4c: {  	s5 =	sadd.s32 $0x80, s0  }
0x4d: {  	[sflag:s19] =	ssyncadd.s32 $0xFFFFC000;
	s7 =	smov.u32 s1;
	s8 =	sadd.s32 $0x400, s1  }
0x4e: {  	[tilespmem:s18], [sflag:$0x2] =	stream.indirect.gather [hbm4b:s4+s23], $0x80, s5, s23, $0xb8;
	[tilespmem:$0x1E800] =	vst v63  }
0x4f: {  	p1 =	sne.s32 s1, $0x4800;
	_ =	swait.ge [sflag:s21], $0x4000  }
0x50: {  	[sflag:s21] =	ssyncset.done $0x0  }
0x51: {  	s1 =	sadd.s32 $0x1400, s0;
	[sflag:s21] =	ssyncadd.s32 $0xFFFFC000  }
0x52: {  	[spmem:s2] =	stream.indirect.scatter.add.f32 [tilespmem:s26], [sflag:$0x4], $0x80, s1, s23, $0xb8;
	[tilespmem:$0x1E800] =	vst v63  }
0x53: {  	_ =	swait.ge [sflag:s19], $0x4000  }
0x54: {  	[sflag:s19] =	ssyncset.done $0x0  }
0x55: {  	s1 =	sadd.s32 $0x100, s0;
	[sflag:s19] =	ssyncadd.s32 $0xFFFFC000  }
0x56: {  	[tilespmem:s26], [sflag:$0x1] =	stream.indirect.gather [hbm4b:s4+s23], $0x80, s1, s23, $0xb8;
	[tilespmem:$0x1E800] =	vst v63  }
0x57: {  	_ =	swait.ge [sflag:s22], $0x4000  }
.Ltmp0:
0x58: {  	[sflag:s22] =	ssyncset.done $0x0;
	(pc) =	sbr.rel @p1 .LBB2_2-.Ltmp0, $4  }
0x59: {  	s0 =	sadd.s32 $0x1480, s0;
	[sflag:s22] =	ssyncadd.s32 $0xFFFFC000  }
0x5a: {  	[spmem:s2] =	stream.indirect.scatter.add.f32 [tilespmem:s18], [sflag:$0x4], $0x80, s0, s23, $0xb8;
	[tilespmem:$0x1E800] =	vst v63  }
0x5b: {  	_ =	swait.ge [sflag:s19], $0x4000  }
0x5c: {  	s1 =	smov.u32 s8;
	s0 =	sshra.s32 s7, $0x2;
	[sflag:s19] =	ssyncset.done $0x0  }
0x5d: {  	s1 =	sadd.s32 $0x80, s0;
	[sflag:s19] =	ssyncadd.s32 $0xFFFFC000  }
0x5e: {  	[tilespmem:s18], [sflag:$0x2] =	stream.indirect.gather [hbm4b:s4+s23], $0x80, s1, s23, $0xb8;
	[tilespmem:$0x1E800] =	vst v63  }
0x5f: {  	_ =	swait.ge [sflag:s21], $0x4000  }
0x60: {  	[sflag:s21] =	ssyncset.done $0x0  }
0x61: {  	s8 =	sadd.s32 $0x1400, s0;
	[sflag:s21] =	ssyncadd.s32 $0xFFFFC000  }
0x62: {  	[spmem:s2] =	stream.indirect.scatter.add.f32 [tilespmem:s26], [sflag:$0x4], $0x80, s8, s23, $0xb8;
	[tilespmem:$0x1E800] =	vst v63  }
0x63: {  	_ =	swait.ge [sflag:s19], $0x4000  }
0x64: {  	[sflag:s19] =	ssyncset.done $0x0  }
0x65: {  	s5 =	sadd.s32 $0x100, s0;
	[sflag:s19] =	ssyncadd.s32 $0xFFFFC000  }
0x66: {  	[tilespmem:s26], [sflag:$0x1] =	stream.indirect.gather [hbm4b:s4+s23], $0x80, s5, s23, $0xb8;
	[tilespmem:$0x1E800] =	vst v63  }
0x67: {  	_ =	swait.ge [sflag:s22], $0x4000  }
0x68: {  	[sflag:s22] =	ssyncset.done $0x0  }
0x69: {  	s7 =	sadd.s32 $0x1480, s0;
	[sflag:s22] =	ssyncadd.s32 $0xFFFFC000  }
0x6a: {  	[spmem:s2] =	stream.indirect.scatter.add.f32 [tilespmem:s18], [sflag:$0x4], $0x80, s7, s23, $0xb8;
	[tilespmem:$0x1E800] =	vst v63  }
0x6b: {  	_ =	swait.ge [sflag:s19], $0x4000  }
0x6c: {  	[sflag:s19] =	ssyncset.done $0x0  }
0x6d: {  	[sflag:s19] =	ssyncadd.s32 $0xFFFFC000  }
0x6e: {  	[tilespmem:s18], [sflag:$0x2] =	stream.indirect.gather [hbm4b:s4+s23], $0x80, s28, s23, $0xb8;
	[tilespmem:$0x1E800] =	vst v63  }
0x6f: {  	_ =	swait.ge [sflag:s21], $0x4000  }
0x70: {  	[sflag:s21] =	ssyncset.done $0x0  }
0x71: {  	[sflag:s21] =	ssyncadd.s32 $0xFFFFC000  }
0x72: {  	[spmem:s2] =	stream.indirect.scatter.add.f32 [tilespmem:s26], [sflag:$0x4], $0x80, s29, s23, $0xb8;
	[tilespmem:$0x1E800] =	vst v63  }
0x73: {  	_ =	swait.ge [sflag:s19], $0x4000  }
0x74: {  	[sflag:s19] =	ssyncset.done $0x0  }
0x75: {  	[sflag:s19] =	ssyncadd.s32 $0xFFFFC000  }
0x76: {  	_ =	swait.ge [sflag:s22], $0x4000  }
0x77: {  	[sflag:s22] =	ssyncset.done $0x0  }
0x78: {  	[sflag:s22] =	ssyncadd.s32 $0xFFFFC000  }
0x79: {  	[spmem:s2] =	stream.indirect.scatter.add.f32 [tilespmem:s18], [sflag:$0x4], $0x80, s30, s23, $0xb8;
	[tilespmem:$0x1E800] =	vst v63  }
0x7a: {  	_ =	swait.ge [sflag:s19], $0x4000  }
0x7b: {  	[sflag:s19] =	ssyncset.done $0x0  }
0x7c: {  	s8 =	simm.s32 $0x0;
	[sflag:s19] =	ssyncadd.s32 $0xFFFFC000  }
0x7d: {  	[tilespmem:s8], [sflag:$0x4] =	stream.linear.gather [hbm4b:s13+s8], $0x1400, $0x38;
	[tilespmem:$0x1E800] =	vst v63  }
0x7e: {  	_ =	swait.ge [sflag:s19], $0x1400  }
0x7f: {  	[sflag:s19] =	ssyncset.done $0x0  }
0x80: {  	[sflag:s19] =	ssyncadd.s32 $0xFFFFEC00  }
0x81: {  	[tilespmem:s17], [sflag:$0x4] =	stream.linear.gather [hbm4b:s14+s8], $0x1400, $0x38;
	[tilespmem:$0x1E800] =	vst v63  }
0x82: {  	_ =	swait.ge [sflag:s19], $0x1400  }
0x83: {  	[sflag:s19] =	ssyncset.done $0x0  }
0x84: {  	[sflag:s19] =	ssyncadd.s32 $0xFFFFEC00  }
0x85: {  	[tilespmem:s26], [sflag:$0x1] =	stream.indirect.gather [hbm4b:s4+s23], $0x80, s8, s23, $0xb8;
	[tilespmem:$0x1E800] =	vst v63  }
0x86: {  	s1 =	simm.s32 $0x80  }
0x87: {  	[tilespmem:s18], [sflag:$0x2] =	stream.indirect.gather [hbm4b:s4+s23], $0x80, s1, s23, $0xb8;
	[tilespmem:$0x1E800] =	vst v63  }
0x88: {  	_ =	swait.ge [sflag:s21], $0x4000  }
0x89: {  	[sflag:s21] =	ssyncset.done $0x0  }
0x8a: {  	s5 =	simm.s32 $0x1400;
	[sflag:s21] =	ssyncadd.s32 $0xFFFFC000  }
0x8b: {  	[spmem:s2] =	stream.indirect.scatter.add.f32 [tilespmem:s26], [sflag:$0x4], $0x80, s5, s23, $0xb8;
	[tilespmem:$0x1E800] =	vst v63  }
0x8c: {  	_ =	swait.ge [sflag:s19], $0x4000  }
0x8d: {  	[sflag:s19] =	ssyncset.done $0x0  }
0x8e: {  	s7 =	simm.s32 $0x100;
	[sflag:s19] =	ssyncadd.s32 $0xFFFFC000  }
0x8f: {  	[tilespmem:s26], [sflag:$0x1] =	stream.indirect.gather [hbm4b:s4+s23], $0x80, s7, s23, $0xb8;
	[tilespmem:$0x1E800] =	vst v63  }
0x90: {  	_ =	swait.ge [sflag:s22], $0x4000  }
0x91: {  	[sflag:s22] =	ssyncset.done $0x0  }
0x92: {  	s8 =	simm.s32 $0x1480;
	[sflag:s22] =	ssyncadd.s32 $0xFFFFC000  }
0x93: {  	[spmem:s2] =	stream.indirect.scatter.add.f32 [tilespmem:s18], [sflag:$0x4], $0x80, s8, s23, $0xb8;
	[tilespmem:$0x1E800] =	vst v63  }
0x94: {  	_ =	swait.ge [sflag:s19], $0x4000  }
0x95: {  	s0 =	simm.s32 $0x100;
	s1 =	simm.s32 $0x800;
	[sflag:s19] =	ssyncset.done $0x0  }
.LBB2_4:
0x96: {  	s5 =	sadd.s32 $0x80, s0  }
0x97: {  	[sflag:s19] =	ssyncadd.s32 $0xFFFFC000;
	s7 =	smov.u32 s1;
	s8 =	sadd.s32 $0x400, s1  }
0x98: {  	[tilespmem:s18], [sflag:$0x2] =	stream.indirect.gather [hbm4b:s4+s23], $0x80, s5, s23, $0xb8;
	[tilespmem:$0x1E800] =	vst v63  }
0x99: {  	p1 =	sne.s32 s1, $0x4800;
	_ =	swait.ge [sflag:s21], $0x4000  }
0x9a: {  	[sflag:s21] =	ssyncset.done $0x0  }
0x9b: {  	s1 =	sadd.s32 $0x1400, s0;
	[sflag:s21] =	ssyncadd.s32 $0xFFFFC000  }
0x9c: {  	[spmem:s2] =	stream.indirect.scatter.add.f32 [tilespmem:s26], [sflag:$0x4], $0x80, s1, s23, $0xb8;
	[tilespmem:$0x1E800] =	vst v63  }
0x9d: {  	_ =	swait.ge [sflag:s19], $0x4000  }
0x9e: {  	[sflag:s19] =	ssyncset.done $0x0  }
0x9f: {  	s1 =	sadd.s32 $0x100, s0;
	[sflag:s19] =	ssyncadd.s32 $0xFFFFC000  }
0xa0: {  	[tilespmem:s26], [sflag:$0x1] =	stream.indirect.gather [hbm4b:s4+s23], $0x80, s1, s23, $0xb8;
	[tilespmem:$0x1E800] =	vst v63  }
0xa1: {  	_ =	swait.ge [sflag:s22], $0x4000  }
.Ltmp1:
0xa2: {  	[sflag:s22] =	ssyncset.done $0x0;
	(pc) =	sbr.rel @p1 .LBB2_4-.Ltmp1, $4  }
0xa3: {  	s0 =	sadd.s32 $0x1480, s0;
	[sflag:s22] =	ssyncadd.s32 $0xFFFFC000  }
0xa4: {  	[spmem:s2] =	stream.indirect.scatter.add.f32 [tilespmem:s18], [sflag:$0x4], $0x80, s0, s23, $0xb8;
	[tilespmem:$0x1E800] =	vst v63  }
0xa5: {  	_ =	swait.ge [sflag:s19], $0x4000  }
0xa6: {  	s1 =	smov.u32 s8;
	s0 =	sshra.s32 s7, $0x2;
	[sflag:s19] =	ssyncset.done $0x0  }
0xa7: {  	s1 =	sadd.s32 $0x80, s0;
	[sflag:s19] =	ssyncadd.s32 $0xFFFFC000  }
0xa8: {  	[tilespmem:s18], [sflag:$0x2] =	stream.indirect.gather [hbm4b:s4+s23], $0x80, s1, s23, $0xb8;
	[tilespmem:$0x1E800] =	vst v63  }
0xa9: {  	_ =	swait.ge [sflag:s21], $0x4000  }
0xaa: {  	[sflag:s21] =	ssyncset.done $0x0  }
0xab: {  	s5 =	sadd.s32 $0x1400, s0;
	[sflag:s21] =	ssyncadd.s32 $0xFFFFC000  }
0xac: {  	[spmem:s2] =	stream.indirect.scatter.add.f32 [tilespmem:s26], [sflag:$0x4], $0x80, s5, s23, $0xb8;
	[tilespmem:$0x1E800] =	vst v63  }
0xad: {  	_ =	swait.ge [sflag:s19], $0x4000  }
0xae: {  	[sflag:s19] =	ssyncset.done $0x0  }
0xaf: {  	s7 =	sadd.s32 $0x100, s0;
	[sflag:s19] =	ssyncadd.s32 $0xFFFFC000  }
0xb0: {  	[tilespmem:s26], [sflag:$0x1] =	stream.indirect.gather [hbm4b:s4+s23], $0x80, s7, s23, $0xb8;
	[tilespmem:$0x1E800] =	vst v63  }
0xb1: {  	_ =	swait.ge [sflag:s22], $0x4000  }
0xb2: {  	[sflag:s22] =	ssyncset.done $0x0  }
0xb3: {  	s8 =	sadd.s32 $0x1480, s0;
	[sflag:s22] =	ssyncadd.s32 $0xFFFFC000  }
0xb4: {  	[spmem:s2] =	stream.indirect.scatter.add.f32 [tilespmem:s18], [sflag:$0x4], $0x80, s8, s23, $0xb8;
	[tilespmem:$0x1E800] =	vst v63  }
0xb5: {  	_ =	swait.ge [sflag:s19], $0x4000  }
0xb6: {  	[sflag:s19] =	ssyncset.done $0x0  }
0xb7: {  	[sflag:s19] =	ssyncadd.s32 $0xFFFFC000  }
0xb8: {  	[tilespmem:s18], [sflag:$0x2] =	stream.indirect.gather [hbm4b:s4+s23], $0x80, s28, s23, $0xb8;
	[tilespmem:$0x1E800] =	vst v63  }
0xb9: {  	_ =	swait.ge [sflag:s21], $0x4000  }
0xba: {  	[sflag:s21] =	ssyncset.done $0x0  }
0xbb: {  	[sflag:s21] =	ssyncadd.s32 $0xFFFFC000  }
0xbc: {  	[spmem:s2] =	stream.indirect.scatter.add.f32 [tilespmem:s26], [sflag:$0x4], $0x80, s29, s23, $0xb8;
	[tilespmem:$0x1E800] =	vst v63  }
0xbd: {  	_ =	swait.ge [sflag:s19], $0x4000  }
0xbe: {  	[sflag:s19] =	ssyncset.done $0x0  }
0xbf: {  	[sflag:s19] =	ssyncadd.s32 $0xFFFFC000  }
0xc0: {  	_ =	swait.ge [sflag:s22], $0x4000  }
0xc1: {  	[sflag:s22] =	ssyncset.done $0x0  }
0xc2: {  	[sflag:s22] =	ssyncadd.s32 $0xFFFFC000  }
0xc3: {  	[spmem:s2] =	stream.indirect.scatter.add.f32 [tilespmem:s18], [sflag:$0x4], $0x80, s30, s23, $0xb8;
	[tilespmem:$0x1E800] =	vst v63  }
0xc4: {  	_ =	swait.ge [sflag:s19], $0x4000  }
0xc5: {  	[sflag:s19] =	ssyncset.done $0x0  }
0xc6: {  	[sflag:s19] =	ssyncadd.s32 $0xFFFFC000  }
0xc7: {  	s0 =	sadd.s32 @p0 $0x25800, s15;
	s1 =	simm.s32 @p0 $0x1FC4;
	[bflag:$0x0] =	sbarrier.arrive $0xFFFF  }
0xc8: {  	[hbm:s0], [sflag:s1] =	dma.local @p0 [spmem:s24], $0x1900  }
0xc9: {  	s0 =	simm.s32 @p0 $0x4  }
0xca: {  	s31 =	sadd.s32 $0x1, s31;
	s1 =	stileid.u32;
	_ =	swait.ge @p0 [sflag:s0], $0x1900  }
0xcb: {  	p1 =	sne.s32 s31, s16;
	s1 =	sshll.u32 @!p0 s1, $0x6;
	[sflag:s0] =	ssyncset.done @p0 $0x0  }
0xcc: {  	[sflag:s0] =	ssyncadd.s32 @p0 $0xFFFFE700;
	s0 =	sor.u32 @!p0 $0x1C04, s1;
	s1 =	sshrl.u32 @!p0 s6, $0x3  }
0xcd: {  	[hbm:s25], [sflag:s0] =	dma.local @!p0 [spmem:s1], $0x2800  }
.Ltmp2:
0xce: {  	_ = 	snop;
	(pc) =	sbr.rel @p1 .LBB2_1-.Ltmp2, $4  }
0xcf: {  	s0 =	simm.s32 @!p0 $0x4  }
0xd0: {  	_ =	swait.ge @!p0 [sflag:s0], $0x2800  }
0xd1: {  	[sflag:s0] =	ssyncset.done @!p0 $0x0  }
0xd2: {  	[sflag:s0] =	ssyncadd.s32 @!p0 $0xFFFFD800  }
0xd3: {  	_ =	sfence.sel $0x180000  }
0xd4: {  	[bflag:$0x0] =	sbarrier.arrive $0xFFFF  }
0xd5: {  	_ =	strace $0x9000004D  }
0xd6: {  	s0 =	stileid.u32;
	[bflag:$0x2] =	sbarrier.arrive $0xFFFF  }
0xd7: {  	p0 =	sne.s32 s0, $0x0;
	s0 =	rddreg [dreg:$0x2]  }
0xd8: {  	s0 =	sadd.s32 @!p0 $0x100000, s0  }
0xd9: {  	[sflag:s0] =	ssyncadd.tile.s32 @!p0 $0x1;
	_ =	shalt  }
.Lfunc_end2:
_tile_overlayer_lowered:
.L_overlay_start_2:
0xda: {  	(tag) =	ssettag $0x2  }
0xdb: {  	s0 =	rddreg [dreg:$0x0];
	s2 =	stileid.u32  }
0xdc: {  	s1 =	rddreg [dreg:$0x1];
	p0 =	sne.s32 s2, $0x0  }
0xdd: {  	s3 =	rddreg [dreg:$0x2];
	[bflag:$0x3] =	sbarrier.arrive $0xFFFF;
	s2 =	simm.s32 @!p0 $0x1C04  }
0xde: {  	[timem:s3], [sflag:s2] =	dma.local @!p0 [hbm:s0], s1  }
0xdf: {  	s0 =	simm.s32 @!p0 $0x4  }
0xe0: {  	_ =	swait.ge @!p0 [sflag:s0], s1  }
0xe1: {  	s1 =	ssub.s32 @!p0 $0x0, s1;
	[sflag:s0] =	ssyncset.done @!p0 $0x0  }
0xe2: {  	[sflag:s0] =	ssyncadd.s32 @!p0 s1  }
0xe3: {  	[bflag:$0x3] =	sbarrier.arrive $0xFFFF  }
0xe4: {  	_ =	shalt  }

// kernel: kernel.8.cloned.1.call-start
scs
__scs_entry_jumppad:
0x0: {  	(pc) =	sbr.rel $0x88, $3  }
0x1: {  	(tag) =	ssettag $0x0;
	lr =	simm.s32 $0x1  }
0x2: {  	[smem:$0x3F90] =	sst lr;
	_ =	strace $0xD0000000  }
0x3: {  	_ = 	snop  }
0x4: {  	_ = 	snop  }
0x5: {  	_ = 	snop  }
0x6: {  	_ = 	snop  }
0x7: {  	_ = 	snop  }
__scs_overlays_trampoline_lowered:
0x8: {  	[smem:$0x3F9F] =	sst s0  }
0x9: {  	[smem:$0x3FA0] =	sst s1  }
0xa: {  	[smem:$0x3FA1] =	sst s2  }
0xb: {  	[smem:$0x3FA2] =	sst s3  }
0xc: {  	[smem:$0x3FA3] =	sst s4  }
0xd: {  	[smem:$0x3FA4] =	sst s5  }
0xe: {  	[smem:$0x3FA5] =	sst s6  }
0xf: {  	[smem:$0x3FA6] =	sst s7  }
0x10: {  	[smem:$0x3FA7] =	sst s8  }
0x11: {  	[smem:$0x3FA8] =	sst s9;
	s0 =	simm.s32 @!p0 $0x0  }
0x12: {  	s1 =	sld [smem:$0x3F8E];
	s0 =	simm.s32 @p0 $0x1  }
0x13: {  	[smem:$0x3FA9] =	sst s0;
	s0 =	simm.s32 @!p1 $0x0  }
0x14: {  	s2 =	sld [smem:$0x3F8D];
	s0 =	simm.s32 @p1 $0x1  }
0x15: {  	[smem:$0x3FAA] =	sst s0;
	s0 =	simm.s32 @!p2 $0x0  }
0x16: {  	s3 =	sld [smem:$0x3FDB];
	s0 =	simm.s32 @p2 $0x1  }
0x17: {  	s4 =	simm.s32 $0x1BF5;
	[smem:$0x3FAC] =	sst s0  }
0x18: {  	s0 =	sld [smem:$0x3F8F];
	_ =	swait.ge [sflag:s4], $0x0  }
0x19: {  	s7 =	sld [smem:$0x3F90]  }
0x1a: {  	s8 =	sadd.s32 $0xFFFFE003, lr  }
0x1b: {  	s9 =	sadd.s32 $0xFFFFFEF7, lr;
	s5 =	simm.s32 $0xFFFFFFFF;
	p2 =	slt.u32 s8, $0xFFFFF086  }
0x1c: {  	p1 =	slt.u32 s9, $0xF7A;
	s5 =	simm.s32 @!p2 $0x0  }
0x1d: {  	s5 =	simm.s32 @p1 $0x1;
	p0 =	seq.s32 s7, s2  }
0x1e: {  	s7 =	smul.u32 @!p0 $0xF7A, s2;
	p2 =	seq.s32 @!p0 s5, $0x0  }
0x1f: {  	s9 =	smul.u32 $0xF7A, s1;
	s8 =	simm.s32 @!p0 $0x1BF5;
	p2 =	por !p2, p0  }
0x20: {  	[sflag:s8] =	ssyncset.s32 @!p0 $0xFFFFF086;
	s6 =	sadd.s32 @!p0 s3, s7;
	s7 =	simm.s32 @!p0 $0x108  }
0x21: {  	s3 =	sadd.s32 s3, s9;
	s6 =	sadd.s32 @!p0 $0x88, s6;
	s7 =	simm.s32 @p2 $0x1082  }
0x22: {  	[simem:s7], [sflag:s8] =	dma.local @!p0 [hbm:s6], $0xF7A  }
0x23: {  	s9 =	sor.u32 $0xD0000000, s2;
	s6 =	simm.s32 $0x108;
	_ =	swait.ge @!p0 [sflag:s8], $0x0  }
0x24: {  	s3 =	sadd.s32 $0x88, s3;
	s6 =	simm.s32 @!p1 $0x1082;
	[sflag:s4] =	ssyncset.s32 $0xFFFFF086  }
0x25: {  	[simem:s6], [sflag:s4] =	dma.local [hbm:s3], $0xF7A  }
0x26: {  	[smem:$0x3F90] =	sst s1;
	(tag) =	ssettag s2;
	_ =	strace s9  }
0x27: {  	s1 =	sld [smem:$0x3FA0]  }
0x28: {  	s2 =	sld [smem:$0x3FA1]  }
0x29: {  	s4 =	sld [smem:$0x3FA3]  }
0x2a: {  	p0 =	seq.s32 s5, $0x0;
	s5 =	sld [smem:$0x3FA4]  }
0x2b: {  	s6 =	sld [smem:$0x3FA5]  }
0x2c: {  	s7 =	sld [smem:$0x3FA6]  }
0x2d: {  	s3 =	simm.s32 $0x108;
	s8 =	sld [smem:$0x3FA7]  }
0x2e: {  	s3 =	simm.s32 @!p0 $0x1082;
	s9 =	sld [smem:$0x3FA8]  }
0x2f: {  	lr =	sadd.s32 s0, s3;
	s0 =	sld [smem:$0x3F9F]  }
0x30: {  	s3 =	sld [smem:$0x3FA2]  }
0x31: {  	[smem:$0x3FAB] =	sst s10  }
0x32: {  	s10 =	sld [smem:$0x3FA9];
	_ =	sdelay $0x3  }
0x33: {  	p0 =	seq.s32 s10, $0x1;
	s10 =	sld [smem:$0x3FAB];
	_ =	sdelay $0x3  }
0x34: {  	[smem:$0x3FAB] =	sst s10  }
0x35: {  	s10 =	sld [smem:$0x3FAA];
	_ =	sdelay $0x3  }
0x36: {  	p1 =	seq.s32 s10, $0x1;
	s10 =	sld [smem:$0x3FAB];
	_ =	sdelay $0x3  }
0x37: {  	[smem:$0x3FAB] =	sst s10  }
0x38: {  	s10 =	sld [smem:$0x3FAC]  }
0x39: {  	_ = 	snop;
	(pc) =	sbr.ind lr, $3  }
0x3a: {  	_ = 	snop  }
0x3b: {  	_ = 	snop  }
0x3c: {  	p2 =	seq.s32 s10, $0x1;
	s10 =	sld [smem:$0x3FAB]  }
0x3d: {  	_ =	shalt  }
0x3e: {  	_ =	shalt  }
0x3f: {  	_ =	shalt  }
0x40: {  	_ =	shalt  }
0x41: {  	_ =	shalt  }
0x42: {  	_ =	shalt  }
0x43: {  	_ =	shalt  }
0x44: {  	_ =	shalt  }
0x45: {  	_ =	shalt  }
0x46: {  	_ =	shalt  }
0x47: {  	_ =	shalt  }
0x48: {  	_ =	shalt  }
0x49: {  	_ =	shalt  }
0x4a: {  	_ =	shalt  }
0x4b: {  	_ =	shalt  }
0x4c: {  	_ =	shalt  }
0x4d: {  	_ =	shalt  }
0x4e: {  	_ =	shalt  }
0x4f: {  	_ =	shalt  }
0x50: {  	_ =	shalt  }
0x51: {  	_ =	shalt  }
0x52: {  	_ =	shalt  }
0x53: {  	_ =	shalt  }
0x54: {  	_ =	shalt  }
0x55: {  	_ =	shalt  }
0x56: {  	_ =	shalt  }
0x57: {  	_ =	shalt  }
0x58: {  	_ =	shalt  }
0x59: {  	_ =	shalt  }
0x5a: {  	_ =	shalt  }
0x5b: {  	_ =	shalt  }
0x5c: {  	_ =	shalt  }
0x5d: {  	_ =	shalt  }
0x5e: {  	_ =	shalt  }
0x5f: {  	_ =	shalt  }
0x60: {  	_ =	shalt  }
0x61: {  	_ =	shalt  }
0x62: {  	_ =	shalt  }
0x63: {  	_ =	shalt  }
0x64: {  	_ =	shalt  }
0x65: {  	_ =	shalt  }
0x66: {  	_ =	shalt  }
0x67: {  	_ =	shalt  }
0x68: {  	_ =	shalt  }
0x69: {  	_ =	shalt  }
0x6a: {  	_ =	shalt  }
0x6b: {  	_ =	shalt  }
0x6c: {  	_ =	shalt  }
0x6d: {  	_ =	shalt  }
0x6e: {  	_ =	shalt  }
0x6f: {  	_ =	shalt  }
0x70: {  	_ =	shalt  }
0x71: {  	_ =	shalt  }
0x72: {  	_ =	shalt  }
0x73: {  	_ =	shalt  }
0x74: {  	_ =	shalt  }
0x75: {  	_ =	shalt  }
0x76: {  	_ =	shalt  }
0x77: {  	_ =	shalt  }
0x78: {  	_ =	shalt  }
0x79: {  	_ =	shalt  }
0x7a: {  	_ =	shalt  }
0x7b: {  	_ =	shalt  }
0x7c: {  	_ =	shalt  }
0x7d: {  	_ =	shalt  }
0x7e: {  	_ =	shalt  }
0x7f: {  	_ =	shalt  }
0x80: {  	_ =	shalt  }
0x81: {  	_ =	shalt  }
0x82: {  	_ =	shalt  }
0x83: {  	_ =	shalt  }
0x84: {  	_ =	shalt  }
0x85: {  	_ =	shalt  }
0x86: {  	_ =	shalt  }
0x87: {  	_ =	shalt  }
.Lfunc_end0:
.L_simem_size_0:
called_computation_lowered:
.L_overlay_start_0:
0x88: {  	s2 =	sld [smem:$0x3FD9]  }
0x89: {  	s3 =	sld [smem:$0x3FFE];
	_ =	sdelay $0x1  }
0x8a: {  	s1 =	srdreg.scid  }
0x8b: {  	s0 =	sand.u32 $0x1, s1  }
0x8c: {  	s17 =	sshll.u32 s0, $0xA;
	s2 =	sadd.s32 s3, s2  }
0x8d: {  	s2 =	sadd.s32 s2, s17  }
0x8e: {  	[smem:$0x3FB7] =	sst s2  }
0x8f: {  	_ = 	snop  }
0x90: {  	s2 =	sld [smem:$0x3FC9];
	(tm) =	ssettm $0x1  }
0x91: {  	s18 =	sld [smem:$0x3FFB];
	_ =	sdelay $0x3  }
0x92: {  	_ =	strace s18  }
0x93: {  	s3 =	sld [smem:$0x3FFC];
	_ =	sdelay $0x3  }
0x94: {  	_ =	strace s3  }
0x95: {  	s3 =	sld [smem:$0x3FFD];
	_ =	sdelay $0x3  }
0x96: {  	_ =	strace s3  }
0x97: {  	_ =	strace $0x8FFFFFFF  }
0x98: {  	s19 =	sld [smem:$0x3FDB];
	_ =	sdelay $0x1  }
0x99: {  	s4 =	simm.s32 $_scs_section_size  }
0x9a: {  	s5 =	simm.s32 $_size__tile_overlayer_lowered;
	s6 =	simm.s32 $_tile_overlayer_lowered  }
0x9b: {  	s22 =	simm.s32 $0x1BFF;
	s21 =	sshll.u32 s6, $0x1;
	s3 =	sadd.s32 s4, s19  }
0x9c: {  	s7 =	simm.s32 $0x0;
	s20 =	sshll.u32 s5, $0x1;
	s5 =	sadd.s32 s21, s3  }
0x9d: {  	[timem:s7], [sflag:s22] =	dma.local [hbm:s5], s20  }
0x9e: {  	_ =	swait.ge [sflag:s22], s20  }
0x9f: {  	s4 =	ssub.s32 $0x0, s20;
	[sflag:s22] =	ssyncset.done $0x0  }
0xa0: {  	[sflag:s22] =	ssyncadd.s32 s4;
	_ =	sdelay $0x1  }
0xa1: {  	s23 =	simm.s32 $0x1B8B  }
0xa2: {  	_ =	swait.ge [sflag:s23], $0x1  }
0xa3: {  	[sflag:s23] =	ssyncset.done $0x0  }
0xa4: {  	s25 =	simm.s32 $0x1B8E;
	s24 =	sld [smem:$0x3FFE];
	[sflag:s23] =	ssyncadd.s32 $0xFFFFFFFF  }
0xa5: {  	s26 =	simm.s32 $execute0_lowered;
	[smem:$0x3FD2] =	sst s25  }
0xa6: {  	s5 =	sshll.u32 s26, $0x1;
	_ =	strace $0x80000046;
	[dreg:$0x1] =	wrdreg $0xFFFFFFFF  }
0xa7: {  	s28 =	simm.s32 $_size_execute0_lowered;
	s3 =	sadd.s32 s3, s5;
	[dreg:$0x0] =	wrdreg $0x0  }
0xa8: {  	s5 =	sshll.u32 s28, $0x1;
	[dreg:$0x2] =	wrdreg s3  }
0xa9: {  	[dreg:$0x3] =	wrdreg s5  }
0xaa: {  	[dreg:$0x4] =	wrdreg $0xC0  }
0xab: {  	_ =	task [dreg:s7], $0x5FFFF  }
0xac: {  	[dreg:$0x1] =	wrdreg $0xFFFFFFFF  }
0xad: {  	[dreg:$0x0] =	wrdreg $0x60  }
0xae: {  	[dreg:$0x2] =	wrdreg s2  }
0xaf: {  	[dreg:$0x3] =	wrdreg s24  }
0xb0: {  	[dreg:$0x4] =	wrdreg $0xA8000  }
0xb1: {  	[dreg:$0x5] =	wrdreg $0x9  }
0xb2: {  	_ =	task.clear_ibuf [dreg:s7], $0x6FFFF;
	_ =	strace $0x90000046  }
0xb3: {  	s29 =	simm.s32 $0x9;
	_ =	strace $0x80000048  }
0xb4: {  	_ =	swait.ge [sflag:s29], $0x1  }
0xb5: {  	[sflag:s29] =	ssyncadd.s32 $0xFFFFFFFF  }
0xb6: {  	_ =	strace $0x90000048  }
0xb7: {  	_ =	sfence  }
0xb8: {  	s30 =	sld [smem:$0x0];
	_ =	sdelay $0x2  }
0xb9: {  	s31 =	sshll.u32 s1, $0xD;
	s1 =	sshrl.u32 s1, $0x2  }
0xba: {  	s3 =	sand.u32 $0x4000, s31;
	s1 =	sadd.s32 s1, s30  }
0xbb: {  	s0 =	sor.u32 s3, s0;
	s1 =	sshll.u32 s1, $0x11  }
0xbc: {  	s0 =	sor.u32 s1, s0  }
0xbd: {  	s0 =	sadd.s32 $0x8F2B, s0  }
0xbe: {  	[sflag:s0] =	ssyncadd.remote.s32 $0x1  }
0xbf: {  	_ =	sfence.sel $0xFFFF  }
0xc0: {  	[dreg:$0x0] =	wrdreg $0xFFFFFFFF;
	(pc) =	sbr.abs _section_cstart, $3  }
0xc1: {  	[dreg:$0x1] =	wrdreg $0xFFFFFFFF  }
0xc2: {  	_ =	task.clear_ibuf [dreg:s7], $0x2FFFF;
	_ =	strace $0x9FFFFFFF  }
0xc3: {  	(tm) =	ssettm $0x7FFFFFFF  }
tec
execute0_lowered:
.L_overlay_start_1:
0x0: {  	(tag) =	ssettag $0x1  }
0x1: {  	s0 =	rddreg [dreg:$0x0]  }
0x2: {  	s2 =	rddreg [dreg:$0x1]  }
0x3: {  	s1 =	srdreg.scid;
	s3 =	rddreg [dreg:$0x2]  }
0x4: {  	s22 =	stileid.u32;
	s4 =	simm.s32 $0x0;
	s17 =	simm.s32 $0x1400  }
0x5: {  	s18 =	simm.s32 $0x6800;
	s19 =	simm.s32 $0x4;
	s20 =	simm.s32 $0x3  }
0x6: {  	s21 =	simm.s32 $0x1;
	s23 =	simm.s32 $0x80;
	s28 =	simm.s32 $0x1380  }
0x7: {  	s29 =	simm.s32 $0x2700;
	s30 =	simm.s32 $0x2780;
	s31 =	simm.s32 $0x0  }
0x8: {  	s1 =	sand.u32 $0x1, s1;
	[smem:$0x7FF] =	sst s4;
	s6 =	smul.u32 $0x50000, s22  }
0x9: {  	s24 =	sadd.s32 $0x17A00, s2;
	p0 =	seq.s32 s22, $0xF;
	s5 =	sshll.u32 s1, $0x4  }
0xa: {  	_ =	strace $0x80000047;
	s7 =	smul.u32 $0x27100, s1;
	s1 =	ssub.s32 $0x2, s1  }
0xb: {  	[dreg:$0x4] =	wrdreg s24;
	s24 =	sadd.s32 $0x12C000, s3;
	s5 =	sor.u32 s22, s5  }
0xc: {  	s8 =	sshrl.u32 s1, $0x1;
	s6 =	sshrl.u32 s6, $0x2;
	s24 =	sshrl.u32 @p0 s24, $0x3  }
0xd: {  	s5 =	smul.u32 $0x500, s5;
	s1 =	ssub.s32 s1, s8;
	s6 =	sadd.s32 s6, s3  }
0xe: {  	s9 =	sadd.s32 $0x4000, s6;
	s10 =	sadd.s32 $0x8000, s6;
	s11 =	sadd.s32 $0xC000, s6  }
0xf: {  	s12 =	sadd.s32 $0x10000, s6;
	s16 =	smax.u32 s1, $0x1;
	s14 =	sadd.s32 s5, s2  }
0x10: {  	s2 =	sadd.s32 s7, s2;
	s25 =	sadd.s32 $0x3A00, s14;
	s26 =	sadd.s32 $0xDA00, s14  }
0x11: {  	s13 =	sadd.s32 $0x3C80, s14;
	s15 =	sadd.s32 $0x18200, s2;
	s2 =	smul.u32 $0x2800, s22  }
0x12: {  	s14 =	sadd.s32 $0xDC80, s14;
	s22 =	simm.s32 $0x2;
	[dreg:$0x5] =	wrdreg s25  }
0x13: {  	[dreg:$0x6] =	wrdreg s26;
	s26 =	simm.s32 $0x2800;
	s25 =	sadd.s32 @!p0 s2, s15  }
.LBB2_1:
0x14: {  	s1 =	rddreg [dreg:$0x5]  }
0x15: {  	[tilespmem:s4], [sflag:$0x1] =	stream.linear.gather [hbm4b:s1+s4], $0x1400, $0x38;
	[tilespmem:$0x1E800] =	vst v63  }
0x16: {  	s7 =	rddreg [dreg:$0x6]  }
0x17: {  	[tilespmem:s17], [sflag:$0x2] =	stream.linear.gather [hbm4b:s7+s4], $0x1400, $0x38;
	[tilespmem:$0x1E800] =	vst v63  }
0x18: {  	s8 =	rddreg [dreg:$0x4]  }
0x19: {  	[tilespmem:s18], [sflag:$0x4] =	stream.linear.gather [hbm4b:s8+s4], $0x4000, $0x38;
	[tilespmem:$0x1E800] =	vst v63  }
0x1a: {  	_ =	swait.ge [sflag:s19], $0x4000  }
0x1b: {  	[sflag:s19] =	ssyncset.done $0x0  }
0x1c: {  	[sflag:s19] =	ssyncadd.s32 $0xFFFFC000  }
0x1d: {  	[spmem:s6] =	stream.linear.scatter [tilespmem:s18], [sflag:$0x3], $0x4000, $0x38;
	[tilespmem:$0x1E800] =	vst v63  }
0x1e: {  	_ = 	snop  }
0x1f: {  	[spmem:s9] =	stream.linear.scatter [tilespmem:s18], [sflag:$0x3], $0x4000, $0x38;
	[tilespmem:$0x1E800] =	vst v63  }
0x20: {  	_ = 	snop  }
0x21: {  	[spmem:s10] =	stream.linear.scatter [tilespmem:s18], [sflag:$0x3], $0x4000, $0x38;
	[tilespmem:$0x1E800] =	vst v63  }
0x22: {  	_ = 	snop  }
0x23: {  	[spmem:s11] =	stream.linear.scatter [tilespmem:s18], [sflag:$0x3], $0x4000, $0x38;
	[tilespmem:$0x1E800] =	vst v63  }
0x24: {  	_ = 	snop  }
0x25: {  	[spmem:s12] =	stream.linear.scatter [tilespmem:s18], [sflag:$0x3], $0x4000, $0x38;
	[tilespmem:$0x1E800] =	vst v63  }
0x26: {  	_ =	swait.ge [sflag:s20], $0x4000  }
0x27: {  	[sflag:s20] =	ssyncset.done $0x0  }
0x28: {  	[sflag:s20] =	ssyncadd.s32 $0xFFFFC000  }
0x29: {  	_ =	swait.ge [sflag:s20], $0x4000  }
0x2a: {  	[sflag:s20] =	ssyncset.done $0x0  }
0x2b: {  	[sflag:s20] =	ssyncadd.s32 $0xFFFFC000  }
0x2c: {  	_ =	swait.ge [sflag:s20], $0x4000  }
0x2d: {  	[sflag:s20] =	ssyncset.done $0x0  }
0x2e: {  	[sflag:s20] =	ssyncadd.s32 $0xFFFFC000  }
0x2f: {  	_ =	swait.ge [sflag:s20], $0x4000  }
0x30: {  	[sflag:s20] =	ssyncset.done $0x0  }
0x31: {  	[sflag:s20] =	ssyncadd.s32 $0xFFFFC000  }
0x32: {  	_ =	swait.ge [sflag:s20], $0x4000  }
0x33: {  	[sflag:s20] =	ssyncset.done $0x0  }
0x34: {  	[sflag:s20] =	ssyncadd.s32 $0xFFFFC000  }
0x35: {  	_ =	swait.ge [sflag:s21], $0x1400  }
0x36: {  	[sflag:s21] =	ssyncset.done $0x0  }
0x37: {  	[sflag:s21] =	ssyncadd.s32 $0xFFFFEC00  }
0x38: {  	_ =	swait.ge [sflag:s22], $0x1400  }
0x39: {  	[sflag:s22] =	ssyncset.done $0x0  }
0x3a: {  	[sflag:s22] =	ssyncadd.s32 $0xFFFFEC00  }
0x3b: {  	[bflag:$0x0] =	sbarrier.arrive $0xFFFF  }
0x3c: {  	[tilespmem:s26], [sflag:$0x1] =	stream.indirect.gather [hbm4b:s0+s23], $0x80, s4, s23, $0xb8;
	[tilespmem:$0x1E800] =	vst v63  }
0x3d: {  	s2 =	simm.s32 $0x80  }
0x3e: {  	[tilespmem:s18], [sflag:$0x2] =	stream.indirect.gather [hbm4b:s0+s23], $0x80, s2, s23, $0xb8;
	[tilespmem:$0x1E800] =	vst v63  }
0x3f: {  	_ =	swait.ge [sflag:s21], $0x4000  }
0x40: {  	[sflag:s21] =	ssyncset.done $0x0  }
0x41: {  	s5 =	simm.s32 $0x1400;
	[sflag:s21] =	ssyncadd.s32 $0xFFFFC000  }
0x42: {  	[spmem:s3] =	stream.indirect.scatter.add.f32 [tilespmem:s26], [sflag:$0x4], $0x80, s5, s23, $0xb8;
	[tilespmem:$0x1E800] =	vst v63  }
0x43: {  	_ =	swait.ge [sflag:s19], $0x4000  }
0x44: {  	[sflag:s19] =	ssyncset.done $0x0  }
0x45: {  	s7 =	simm.s32 $0x100;
	[sflag:s19] =	ssyncadd.s32 $0xFFFFC000  }
0x46: {  	[tilespmem:s26], [sflag:$0x1] =	stream.indirect.gather [hbm4b:s0+s23], $0x80, s7, s23, $0xb8;
	[tilespmem:$0x1E800] =	vst v63  }
0x47: {  	_ =	swait.ge [sflag:s22], $0x4000  }
0x48: {  	[sflag:s22] =	ssyncset.done $0x0  }
0x49: {  	s8 =	simm.s32 $0x1480;
	[sflag:s22] =	ssyncadd.s32 $0xFFFFC000  }
0x4a: {  	[spmem:s3] =	stream.indirect.scatter.add.f32 [tilespmem:s18], [sflag:$0x4], $0x80, s8, s23, $0xb8;
	[tilespmem:$0x1E800] =	vst v63  }
0x4b: {  	_ =	swait.ge [sflag:s19], $0x4000  }
0x4c: {  	s1 =	simm.s32 $0x100;
	s2 =	simm.s32 $0x800;
	[sflag:s19] =	ssyncset.done $0x0  }
.LBB2_2:
0x4d: {  	s5 =	sadd.s32 $0x80, s1  }
0x4e: {  	[sflag:s19] =	ssyncadd.s32 $0xFFFFC000;
	s7 =	smov.u32 s2;
	s8 =	sadd.s32 $0x400, s2  }
0x4f: {  	[tilespmem:s18], [sflag:$0x2] =	stream.indirect.gather [hbm4b:s0+s23], $0x80, s5, s23, $0xb8;
	[tilespmem:$0x1E800] =	vst v63  }
0x50: {  	p1 =	sne.s32 s2, $0x4800;
	_ =	swait.ge [sflag:s21], $0x4000  }
0x51: {  	[sflag:s21] =	ssyncset.done $0x0  }
0x52: {  	s2 =	sadd.s32 $0x1400, s1;
	[sflag:s21] =	ssyncadd.s32 $0xFFFFC000  }
0x53: {  	[spmem:s3] =	stream.indirect.scatter.add.f32 [tilespmem:s26], [sflag:$0x4], $0x80, s2, s23, $0xb8;
	[tilespmem:$0x1E800] =	vst v63  }
0x54: {  	_ =	swait.ge [sflag:s19], $0x4000  }
0x55: {  	[sflag:s19] =	ssyncset.done $0x0  }
0x56: {  	s2 =	sadd.s32 $0x100, s1;
	[sflag:s19] =	ssyncadd.s32 $0xFFFFC000  }
0x57: {  	[tilespmem:s26], [sflag:$0x1] =	stream.indirect.gather [hbm4b:s0+s23], $0x80, s2, s23, $0xb8;
	[tilespmem:$0x1E800] =	vst v63  }
0x58: {  	_ =	swait.ge [sflag:s22], $0x4000  }
.Ltmp0:
0x59: {  	[sflag:s22] =	ssyncset.done $0x0;
	(pc) =	sbr.rel @p1 .LBB2_2-.Ltmp0, $4  }
0x5a: {  	s1 =	sadd.s32 $0x1480, s1;
	[sflag:s22] =	ssyncadd.s32 $0xFFFFC000  }
0x5b: {  	[spmem:s3] =	stream.indirect.scatter.add.f32 [tilespmem:s18], [sflag:$0x4], $0x80, s1, s23, $0xb8;
	[tilespmem:$0x1E800] =	vst v63  }
0x5c: {  	_ =	swait.ge [sflag:s19], $0x4000  }
0x5d: {  	s2 =	smov.u32 s8;
	s1 =	sshra.s32 s7, $0x2;
	[sflag:s19] =	ssyncset.done $0x0  }
0x5e: {  	s2 =	sadd.s32 $0x80, s1;
	[sflag:s19] =	ssyncadd.s32 $0xFFFFC000  }
0x5f: {  	[tilespmem:s18], [sflag:$0x2] =	stream.indirect.gather [hbm4b:s0+s23], $0x80, s2, s23, $0xb8;
	[tilespmem:$0x1E800] =	vst v63  }
0x60: {  	_ =	swait.ge [sflag:s21], $0x4000  }
0x61: {  	[sflag:s21] =	ssyncset.done $0x0  }
0x62: {  	s8 =	sadd.s32 $0x1400, s1;
	[sflag:s21] =	ssyncadd.s32 $0xFFFFC000  }
0x63: {  	[spmem:s3] =	stream.indirect.scatter.add.f32 [tilespmem:s26], [sflag:$0x4], $0x80, s8, s23, $0xb8;
	[tilespmem:$0x1E800] =	vst v63  }
0x64: {  	_ =	swait.ge [sflag:s19], $0x4000  }
0x65: {  	[sflag:s19] =	ssyncset.done $0x0  }
0x66: {  	s5 =	sadd.s32 $0x100, s1;
	[sflag:s19] =	ssyncadd.s32 $0xFFFFC000  }
0x67: {  	[tilespmem:s26], [sflag:$0x1] =	stream.indirect.gather [hbm4b:s0+s23], $0x80, s5, s23, $0xb8;
	[tilespmem:$0x1E800] =	vst v63  }
0x68: {  	_ =	swait.ge [sflag:s22], $0x4000  }
0x69: {  	[sflag:s22] =	ssyncset.done $0x0  }
0x6a: {  	s7 =	sadd.s32 $0x1480, s1;
	[sflag:s22] =	ssyncadd.s32 $0xFFFFC000  }
0x6b: {  	[spmem:s3] =	stream.indirect.scatter.add.f32 [tilespmem:s18], [sflag:$0x4], $0x80, s7, s23, $0xb8;
	[tilespmem:$0x1E800] =	vst v63  }
0x6c: {  	_ =	swait.ge [sflag:s19], $0x4000  }
0x6d: {  	[sflag:s19] =	ssyncset.done $0x0  }
0x6e: {  	[sflag:s19] =	ssyncadd.s32 $0xFFFFC000  }
0x6f: {  	[tilespmem:s18], [sflag:$0x2] =	stream.indirect.gather [hbm4b:s0+s23], $0x80, s28, s23, $0xb8;
	[tilespmem:$0x1E800] =	vst v63  }
0x70: {  	_ =	swait.ge [sflag:s21], $0x4000  }
0x71: {  	[sflag:s21] =	ssyncset.done $0x0  }
0x72: {  	[sflag:s21] =	ssyncadd.s32 $0xFFFFC000  }
0x73: {  	[spmem:s3] =	stream.indirect.scatter.add.f32 [tilespmem:s26], [sflag:$0x4], $0x80, s29, s23, $0xb8;
	[tilespmem:$0x1E800] =	vst v63  }
0x74: {  	_ =	swait.ge [sflag:s19], $0x4000  }
0x75: {  	[sflag:s19] =	ssyncset.done $0x0  }
0x76: {  	[sflag:s19] =	ssyncadd.s32 $0xFFFFC000  }
0x77: {  	_ =	swait.ge [sflag:s22], $0x4000  }
0x78: {  	[sflag:s22] =	ssyncset.done $0x0  }
0x79: {  	[sflag:s22] =	ssyncadd.s32 $0xFFFFC000  }
0x7a: {  	[spmem:s3] =	stream.indirect.scatter.add.f32 [tilespmem:s18], [sflag:$0x4], $0x80, s30, s23, $0xb8;
	[tilespmem:$0x1E800] =	vst v63  }
0x7b: {  	_ =	swait.ge [sflag:s19], $0x4000  }
0x7c: {  	[sflag:s19] =	ssyncset.done $0x0  }
0x7d: {  	s8 =	simm.s32 $0x0;
	[sflag:s19] =	ssyncadd.s32 $0xFFFFC000  }
0x7e: {  	[tilespmem:s8], [sflag:$0x4] =	stream.linear.gather [hbm4b:s13+s8], $0x1400, $0x38;
	[tilespmem:$0x1E800] =	vst v63  }
0x7f: {  	_ =	swait.ge [sflag:s19], $0x1400  }
0x80: {  	[sflag:s19] =	ssyncset.done $0x0  }
0x81: {  	[sflag:s19] =	ssyncadd.s32 $0xFFFFEC00  }
0x82: {  	[tilespmem:s17], [sflag:$0x4] =	stream.linear.gather [hbm4b:s14+s8], $0x1400, $0x38;
	[tilespmem:$0x1E800] =	vst v63  }
0x83: {  	_ =	swait.ge [sflag:s19], $0x1400  }
0x84: {  	[sflag:s19] =	ssyncset.done $0x0  }
0x85: {  	[sflag:s19] =	ssyncadd.s32 $0xFFFFEC00  }
0x86: {  	[tilespmem:s26], [sflag:$0x1] =	stream.indirect.gather [hbm4b:s0+s23], $0x80, s8, s23, $0xb8;
	[tilespmem:$0x1E800] =	vst v63  }
0x87: {  	s2 =	simm.s32 $0x80  }
0x88: {  	[tilespmem:s18], [sflag:$0x2] =	stream.indirect.gather [hbm4b:s0+s23], $0x80, s2, s23, $0xb8;
	[tilespmem:$0x1E800] =	vst v63  }
0x89: {  	_ =	swait.ge [sflag:s21], $0x4000  }
0x8a: {  	[sflag:s21] =	ssyncset.done $0x0  }
0x8b: {  	s5 =	simm.s32 $0x1400;
	[sflag:s21] =	ssyncadd.s32 $0xFFFFC000  }
0x8c: {  	[spmem:s3] =	stream.indirect.scatter.add.f32 [tilespmem:s26], [sflag:$0x4], $0x80, s5, s23, $0xb8;
	[tilespmem:$0x1E800] =	vst v63  }
0x8d: {  	_ =	swait.ge [sflag:s19], $0x4000  }
0x8e: {  	[sflag:s19] =	ssyncset.done $0x0  }
0x8f: {  	s7 =	simm.s32 $0x100;
	[sflag:s19] =	ssyncadd.s32 $0xFFFFC000  }
0x90: {  	[tilespmem:s26], [sflag:$0x1] =	stream.indirect.gather [hbm4b:s0+s23], $0x80, s7, s23, $0xb8;
	[tilespmem:$0x1E800] =	vst v63  }
0x91: {  	_ =	swait.ge [sflag:s22], $0x4000  }
0x92: {  	[sflag:s22] =	ssyncset.done $0x0  }
0x93: {  	s8 =	simm.s32 $0x1480;
	[sflag:s22] =	ssyncadd.s32 $0xFFFFC000  }
0x94: {  	[spmem:s3] =	stream.indirect.scatter.add.f32 [tilespmem:s18], [sflag:$0x4], $0x80, s8, s23, $0xb8;
	[tilespmem:$0x1E800] =	vst v63  }
0x95: {  	_ =	swait.ge [sflag:s19], $0x4000  }
0x96: {  	s1 =	simm.s32 $0x100;
	s2 =	simm.s32 $0x800;
	[sflag:s19] =	ssyncset.done $0x0  }
.LBB2_4:
0x97: {  	s5 =	sadd.s32 $0x80, s1  }
0x98: {  	[sflag:s19] =	ssyncadd.s32 $0xFFFFC000;
	s7 =	smov.u32 s2;
	s8 =	sadd.s32 $0x400, s2  }
0x99: {  	[tilespmem:s18], [sflag:$0x2] =	stream.indirect.gather [hbm4b:s0+s23], $0x80, s5, s23, $0xb8;
	[tilespmem:$0x1E800] =	vst v63  }
0x9a: {  	p1 =	sne.s32 s2, $0x4800;
	_ =	swait.ge [sflag:s21], $0x4000  }
0x9b: {  	[sflag:s21] =	ssyncset.done $0x0  }
0x9c: {  	s2 =	sadd.s32 $0x1400, s1;
	[sflag:s21] =	ssyncadd.s32 $0xFFFFC000  }
0x9d: {  	[spmem:s3] =	stream.indirect.scatter.add.f32 [tilespmem:s26], [sflag:$0x4], $0x80, s2, s23, $0xb8;
	[tilespmem:$0x1E800] =	vst v63  }
0x9e: {  	_ =	swait.ge [sflag:s19], $0x4000  }
0x9f: {  	[sflag:s19] =	ssyncset.done $0x0  }
0xa0: {  	s2 =	sadd.s32 $0x100, s1;
	[sflag:s19] =	ssyncadd.s32 $0xFFFFC000  }
0xa1: {  	[tilespmem:s26], [sflag:$0x1] =	stream.indirect.gather [hbm4b:s0+s23], $0x80, s2, s23, $0xb8;
	[tilespmem:$0x1E800] =	vst v63  }
0xa2: {  	_ =	swait.ge [sflag:s22], $0x4000  }
.Ltmp1:
0xa3: {  	[sflag:s22] =	ssyncset.done $0x0;
	(pc) =	sbr.rel @p1 .LBB2_4-.Ltmp1, $4  }
0xa4: {  	s1 =	sadd.s32 $0x1480, s1;
	[sflag:s22] =	ssyncadd.s32 $0xFFFFC000  }
0xa5: {  	[spmem:s3] =	stream.indirect.scatter.add.f32 [tilespmem:s18], [sflag:$0x4], $0x80, s1, s23, $0xb8;
	[tilespmem:$0x1E800] =	vst v63  }
0xa6: {  	_ =	swait.ge [sflag:s19], $0x4000  }
0xa7: {  	s2 =	smov.u32 s8;
	s1 =	sshra.s32 s7, $0x2;
	[sflag:s19] =	ssyncset.done $0x0  }
0xa8: {  	s2 =	sadd.s32 $0x80, s1;
	[sflag:s19] =	ssyncadd.s32 $0xFFFFC000  }
0xa9: {  	[tilespmem:s18], [sflag:$0x2] =	stream.indirect.gather [hbm4b:s0+s23], $0x80, s2, s23, $0xb8;
	[tilespmem:$0x1E800] =	vst v63  }
0xaa: {  	_ =	swait.ge [sflag:s21], $0x4000  }
0xab: {  	[sflag:s21] =	ssyncset.done $0x0  }
0xac: {  	s5 =	sadd.s32 $0x1400, s1;
	[sflag:s21] =	ssyncadd.s32 $0xFFFFC000  }
0xad: {  	[spmem:s3] =	stream.indirect.scatter.add.f32 [tilespmem:s26], [sflag:$0x4], $0x80, s5, s23, $0xb8;
	[tilespmem:$0x1E800] =	vst v63  }
0xae: {  	_ =	swait.ge [sflag:s19], $0x4000  }
0xaf: {  	[sflag:s19] =	ssyncset.done $0x0  }
0xb0: {  	s7 =	sadd.s32 $0x100, s1;
	[sflag:s19] =	ssyncadd.s32 $0xFFFFC000  }
0xb1: {  	[tilespmem:s26], [sflag:$0x1] =	stream.indirect.gather [hbm4b:s0+s23], $0x80, s7, s23, $0xb8;
	[tilespmem:$0x1E800] =	vst v63  }
0xb2: {  	_ =	swait.ge [sflag:s22], $0x4000  }
0xb3: {  	[sflag:s22] =	ssyncset.done $0x0  }
0xb4: {  	s8 =	sadd.s32 $0x1480, s1;
	[sflag:s22] =	ssyncadd.s32 $0xFFFFC000  }
0xb5: {  	[spmem:s3] =	stream.indirect.scatter.add.f32 [tilespmem:s18], [sflag:$0x4], $0x80, s8, s23, $0xb8;
	[tilespmem:$0x1E800] =	vst v63  }
0xb6: {  	_ =	swait.ge [sflag:s19], $0x4000  }
0xb7: {  	[sflag:s19] =	ssyncset.done $0x0  }
0xb8: {  	[sflag:s19] =	ssyncadd.s32 $0xFFFFC000  }
0xb9: {  	[tilespmem:s18], [sflag:$0x2] =	stream.indirect.gather [hbm4b:s0+s23], $0x80, s28, s23, $0xb8;
	[tilespmem:$0x1E800] =	vst v63  }
0xba: {  	_ =	swait.ge [sflag:s21], $0x4000  }
0xbb: {  	[sflag:s21] =	ssyncset.done $0x0  }
0xbc: {  	[sflag:s21] =	ssyncadd.s32 $0xFFFFC000  }
0xbd: {  	[spmem:s3] =	stream.indirect.scatter.add.f32 [tilespmem:s26], [sflag:$0x4], $0x80, s29, s23, $0xb8;
	[tilespmem:$0x1E800] =	vst v63  }
0xbe: {  	_ =	swait.ge [sflag:s19], $0x4000  }
0xbf: {  	[sflag:s19] =	ssyncset.done $0x0  }
0xc0: {  	[sflag:s19] =	ssyncadd.s32 $0xFFFFC000  }
0xc1: {  	_ =	swait.ge [sflag:s22], $0x4000  }
0xc2: {  	[sflag:s22] =	ssyncset.done $0x0  }
0xc3: {  	[sflag:s22] =	ssyncadd.s32 $0xFFFFC000  }
0xc4: {  	[spmem:s3] =	stream.indirect.scatter.add.f32 [tilespmem:s18], [sflag:$0x4], $0x80, s30, s23, $0xb8;
	[tilespmem:$0x1E800] =	vst v63  }
0xc5: {  	_ =	swait.ge [sflag:s19], $0x4000  }
0xc6: {  	[sflag:s19] =	ssyncset.done $0x0  }
0xc7: {  	[sflag:s19] =	ssyncadd.s32 $0xFFFFC000  }
0xc8: {  	s1 =	sadd.s32 @p0 $0x25800, s15;
	s2 =	simm.s32 @p0 $0x1FC4;
	[bflag:$0x0] =	sbarrier.arrive $0xFFFF  }
0xc9: {  	[hbm:s1], [sflag:s2] =	dma.local @p0 [spmem:s24], $0x1900  }
0xca: {  	s1 =	simm.s32 @p0 $0x4  }
0xcb: {  	s31 =	sadd.s32 $0x1, s31;
	s2 =	stileid.u32;
	_ =	swait.ge @p0 [sflag:s1], $0x1900  }
0xcc: {  	p1 =	sne.s32 s31, s16;
	s2 =	sshll.u32 @!p0 s2, $0x6;
	[sflag:s1] =	ssyncset.done @p0 $0x0  }
0xcd: {  	[sflag:s1] =	ssyncadd.s32 @p0 $0xFFFFE700;
	s1 =	sor.u32 @!p0 $0x1C04, s2;
	s2 =	sshrl.u32 @!p0 s6, $0x3  }
0xce: {  	[hbm:s25], [sflag:s1] =	dma.local @!p0 [spmem:s2], $0x2800  }
.Ltmp2:
0xcf: {  	_ = 	snop;
	(pc) =	sbr.rel @p1 .LBB2_1-.Ltmp2, $4  }
0xd0: {  	s1 =	simm.s32 @!p0 $0x4  }
0xd1: {  	_ =	swait.ge @!p0 [sflag:s1], $0x2800  }
0xd2: {  	[sflag:s1] =	ssyncset.done @!p0 $0x0  }
0xd3: {  	[sflag:s1] =	ssyncadd.s32 @!p0 $0xFFFFD800  }
0xd4: {  	_ =	sfence.sel $0x180000  }
0xd5: {  	[bflag:$0x0] =	sbarrier.arrive $0xFFFF  }
0xd6: {  	_ =	strace $0x90000047  }
0xd7: {  	s0 =	stileid.u32;
	[bflag:$0x2] =	sbarrier.arrive $0xFFFF  }
0xd8: {  	p0 =	sne.s32 s0, $0x0;
	s0 =	rddreg [dreg:$0x3]  }
0xd9: {  	s0 =	sadd.s32 @!p0 $0x100000, s0  }
0xda: {  	[sflag:s0] =	ssyncadd.tile.s32 @!p0 $0x1;
	_ =	shalt  }
.Lfunc_end2:
_tile_overlayer_lowered:
.L_overlay_start_2:
0xdb: {  	(tag) =	ssettag $0x2  }
0xdc: {  	s0 =	rddreg [dreg:$0x0];
	s2 =	stileid.u32  }
0xdd: {  	s1 =	rddreg [dreg:$0x1];
	p0 =	sne.s32 s2, $0x0  }
0xde: {  	s3 =	rddreg [dreg:$0x2];
	[bflag:$0x3] =	sbarrier.arrive $0xFFFF;
	s2 =	simm.s32 @!p0 $0x1C04  }
0xdf: {  	[timem:s3], [sflag:s2] =	dma.local @!p0 [hbm:s0], s1  }
0xe0: {  	s0 =	simm.s32 @!p0 $0x4  }
0xe1: {  	_ =	swait.ge @!p0 [sflag:s0], s1  }
0xe2: {  	s1 =	ssub.s32 @!p0 $0x0, s1;
	[sflag:s0] =	ssyncset.done @!p0 $0x0  }
0xe3: {  	[sflag:s0] =	ssyncadd.s32 @!p0 s1  }
0xe4: {  	[bflag:$0x3] =	sbarrier.arrive $0xFFFF  }
0xe5: {  	_ =	shalt  }

</sc_bundles>
